<compile_context>
chip_gen: v7x
topology: tpu7x:2x2x1
jax: 0.10.2.dev20260603
libtpu: 0.0.44.dev20260713+nightly
codegen_flags: <defaults>
</compile_context>

<pallas_src>
import functools
from math import factorial

import numpy as np
import jax
import jax.numpy as jnp
from jax import lax
from jax.experimental import pallas as pl
from jax.experimental.pallas import tpu as pltpu
from jax.experimental.pallas import tpu_sc as plsc

_BATCH = 1024
_RS_IN1 = [(32, 0, 0), (32, 1, 0)]
_RS_IN2 = [(32, 1, 0), (32, 1, 0)]


def _simplify(Rs):
    out = []
    for mul, l, p in Rs:
        if out and out[-1][1:] == (l, p):
            out[-1] = (out[-1][0] + mul, l, p)
        elif mul > 0:
            out.append((mul, l, p))
    return out


def _dim(Rs):
    return sum(mul * (2 * l + 1) for mul, l, _ in Rs)


def _su2_cg_coeff(j1, m1, j2, m2, j3, m3):
    if m3 != m1 + m2:
        return 0.0
    vmin = int(max(-j1 + j2 + m3, -j1 + m1, 0))
    vmax = int(min(j2 + j3 + m1, j3 - j1 + j2, j3 + m3))

    def f(n):
        return float(factorial(round(n)))

    C = ((2 * j3 + 1) * f(j3 + j1 - j2) * f(j3 - j1 + j2) * f(j1 + j2 - j3)
         * f(j3 + m3) * f(j3 - m3)
         / (f(j1 + j2 + j3 + 1) * f(j1 - m1) * f(j1 + m1) * f(j2 - m2)
            * f(j2 + m2))) ** 0.5
    S = 0.0
    for v in range(vmin, vmax + 1):
        S += ((-1.0) ** (v + j2 + m2) / f(v) * f(j2 + j3 + m1 - v)
              * f(j1 - m1 + v)
              / (f(j3 - j1 + j2 - v) * f(j3 + m3 - v) * f(v + j1 - j2 - m3)))
    return C * S


def _su2_cg(j1, j2, j3):
    A = np.zeros((2 * j1 + 1, 2 * j2 + 1, 2 * j3 + 1))
    for m1 in range(-j1, j1 + 1):
        for m2 in range(-j2, j2 + 1):
            m3 = m1 + m2
            if -j3 <= m3 <= j3:
                A[j1 + m1, j2 + m2, j3 + m3] = _su2_cg_coeff(j1, m1, j2, m2, j3, m3)
    return A


def _real_basis_change(l):
    q = np.zeros((2 * l + 1, 2 * l + 1), dtype=np.complex128)
    for m in range(-l, 0):
        q[l + m, l + abs(m)] = 1.0 / 2 ** 0.5
        q[l + m, l - abs(m)] = -1j / 2 ** 0.5
    q[l, l] = 1.0
    for m in range(1, l + 1):
        q[l + m, l + abs(m)] = (-1) ** m / 2 ** 0.5
        q[l + m, l - abs(m)] = 1j * (-1) ** m / 2 ** 0.5
    return (-1j) ** l * q


def _wigner_3j(l1, l2, l3):
    Q1 = _real_basis_change(l1)
    Q2 = _real_basis_change(l2)
    Q3 = _real_basis_change(l3)
    cg = _su2_cg(l1, l2, l3).astype(np.complex128)
    C = np.einsum('ij,kl,nm,ikn->jlm', Q1, Q2, np.conj(Q3), cg)
    R, I = np.real(C), np.imag(C)
    C = R if np.linalg.norm(R) >= np.linalg.norm(I) else I
    return C / np.linalg.norm(C)


def _build_mixing_np():
    Rs1 = _simplify([tuple(r) for r in _RS_IN1])
    Rs2 = _simplify([tuple(r) for r in _RS_IN2])
    i = 0
    while i < len(Rs1):
        mul1, l1, p1 = Rs1[i]
        mul2, l2, p2 = Rs2[i]
        if mul1 < mul2:
            Rs2[i] = (mul1, l2, p2)
            Rs2.insert(i + 1, (mul2 - mul1, l2, p2))
        if mul2 < mul1:
            Rs1[i] = (mul2, l1, p1)
            Rs1.insert(i + 1, (mul1 - mul2, l1, p1))
        i += 1
    Rs_out = []
    for (mul, l1, p1), (_, l2, p2) in zip(Rs1, Rs2):
        for l in range(abs(l1 - l2), l1 + l2 + 1):
            Rs_out.append((mul, l, p1 * p2))
    Rs_out = _simplify(Rs_out)
    d_in1, d_in2, d_out = _dim(Rs1), _dim(Rs2), _dim(Rs_out)
    M = np.zeros((d_out, d_in1 * d_in2), dtype=np.float64)
    segs = []
    index_out = index_1 = index_2 = 0
    for (mul, l1, p1), (_, l2, p2) in zip(Rs1, Rs2):
        dim_1 = mul * (2 * l1 + 1)
        dim_2 = mul * (2 * l2 + 1)
        for l_o in range(abs(l1 - l2), l1 + l2 + 1):
            dim_o = mul * (2 * l_o + 1)
            segs.append((index_out, mul, 2 * l_o + 1))
            C = _wigner_3j(l_o, l1, l2) * (2 * l_o + 1) ** 0.5
            I = np.einsum('uv,wu->wuv', np.eye(mul), np.eye(mul))
            m = np.einsum('wuv,kij->wkuivj', I, C).reshape(dim_o, dim_1, dim_2)
            io, i1, i2 = np.nonzero(m)
            M[io + index_out, (i1 + index_1) * d_in2 + (i2 + index_2)] = m[io, i1, i2]
            index_out += dim_o
        index_1 += dim_1
        index_2 += dim_2
    return M.astype(np.float32), d_out, d_in1, d_in2, segs


_M_NP, _D_OUT, _D_IN1, _D_IN2, _SEGS = _build_mixing_np()

_NZ_ROWS, _NZ_COLS = np.nonzero(_M_NP)
_NZ_I1 = (_NZ_COLS // _D_IN2).astype(np.int64)
_NZ_I2 = (_NZ_COLS % _D_IN2).astype(np.int64)

_COO = {}
for _r, _a, _b in zip(_NZ_ROWS.tolist(), _NZ_I1.tolist(), _NZ_I2.tolist()):
    _COO.setdefault(_r, []).append((_a, _b, float(_M_NP[_r, _a * _D_IN2 + _b])))

_PATTERN = []
_N_MUL = _SEGS[0][1]
for _o_base, _mul, _d_o in _SEGS:
    assert _mul == _N_MUL
    per_k = []
    for _k in range(_d_o):
        t0 = sorted(_COO[_o_base + _k])
        t1 = sorted(_COO[_o_base + _d_o + _k])
        terms = []
        for (a0, b0, c0), (a1, b1, c1) in zip(t0, t1, strict=True):
            assert c0 == c1
            terms.append((a0, a1 - a0, b0, b1 - b0, c0))
        for _u in range(_mul):
            tu = sorted(_COO[_o_base + _u * _d_o + _k])
            assert tu == [(a0 + s1 * _u, b0 + s2 * _u, c)
                          for (a0, s1, b0, s2, c) in terms], (_o_base, _k, _u)
        per_k.append(terms)
    _PATTERN.append((_o_base, _d_o, per_k))

_NC, _NS, _L = 2, 16, 16
_NW = _NC * _NS
_ROWS_PER_W = _BATCH // _NW
_N_CHUNKS = _ROWS_PER_W // _L


_TSTRIDE = _L + 1


def _sc_tp_body(f1_hbm, f2_hbm, out_hbm, f1v, f2v, outv, outt,
                sem1a, sem1b, sem2a, sem2b, semoa, semob):
    cid = lax.axis_index("c")
    sid = lax.axis_index("s")
    wid = sid * _NC + cid
    base = wid * _ROWS_PER_W
    n1, n2, no = _L * _D_IN1, _L * _D_IN2, _L * _D_OUT

    cps_in = []
    for chunk, (s1_, s2_) in enumerate(((sem1a, sem2a), (sem1b, sem2b))):
        c1 = pltpu.make_async_copy(
            f1_hbm.at[pl.ds(base + chunk * _L, _L)],
            f1v.at[pl.ds(chunk * _L, _L)], s1_)
        c2 = pltpu.make_async_copy(
            f2_hbm.at[pl.ds(base + chunk * _L, _L)],
            f2v.at[pl.ds(chunk * _L, _L)], s2_)
        cps_in.append((c1, c2))
    for c1, c2 in cps_in:
        c1.start()
        c2.start()

    iota = lax.iota(jnp.int32, _L)
    rowt = iota * _TSTRIDE

    for c1, c2 in cps_in:
        c1.wait()
        c2.wait()

    rows = [iota + jnp.int32(chunk * _L) for chunk in range(_N_CHUNKS)]

    @plsc.parallel_loop(0, _N_MUL, unroll=4)
    def mul_body(u):
        col_cache = {}
        prod_cache = {}
        splat_cache = {}

        def splat(i0, s, _cache=splat_cache, _u=u):
            key = (i0, s)
            if key not in _cache:
                _cache[key] = jnp.full((_L,), jnp.int32(i0) + jnp.int32(s) * _u,
                                       jnp.int32)
            return _cache[key]

        def col(ref, tag, chunk, i0, s, _cache=col_cache):
            key = (tag, chunk, i0, s)
            if key not in _cache:
                _cache[key] = plsc.load_gather(ref, [rows[chunk], splat(i0, s)])
            return _cache[key]

        def prod(chunk, i0, s1, j0, s2, _cache=prod_cache):
            key = (chunk, i0, s1, j0, s2)
            if key not in _cache:
                _cache[key] = (col(f1v, 1, chunk, i0, s1)
                               * col(f2v, 2, chunk, j0, s2))
            return _cache[key]

        for chunk in range(_N_CHUNKS):
            for o_base, d_o, per_k in _PATTERN:
                for k, terms in enumerate(per_k):
                    groups = {}
                    for i0, s1, j0, s2, cval in terms:
                        groups.setdefault(abs(cval), []).append(
                            (cval >= 0.0, prod(chunk, i0, s1, j0, s2)))
                    acc = None
                    for ac, lst in groups.items():
                        lst.sort(key=lambda t: not t[0])
                        g = None
                        for pos, p in lst:
                            if g is None:
                                g = p if pos else -p
                            else:
                                g = g + p if pos else g - p
                        if ac != 1.0:
                            g = g * jnp.float32(ac)
                        acc = g if acc is None else acc + g
                    off = (jnp.int32((chunk * _D_OUT + o_base + k) * _TSTRIDE)
                           + jnp.int32(d_o * _TSTRIDE) * u)
                    outt[pl.ds(off, _L)] = acc

    for chunk in range(_N_CHUNKS):
        @plsc.parallel_loop(0, _L, unroll=4)
        def row_body(r, _chunk=chunk):
            for k in range(_D_OUT // _L):
                cv = rowt + (jnp.int32((_chunk * _D_OUT + k * _L) * _TSTRIDE) + r)
                g = plsc.load_gather(outt, [cv])
                outv[r + jnp.int32(_chunk * _L), pl.ds(k * _L, _L)] = g

    pltpu.sync_copy(outv, out_hbm.at[pl.ds(base, _ROWS_PER_W)])


@jax.jit
def kernel(features_1, features_2, mixing_matrix):
    del mixing_matrix
    f = functools.partial(
        pl.kernel,
        out_type=jax.ShapeDtypeStruct((_BATCH, _D_OUT), jnp.float32),
        mesh=plsc.VectorSubcoreMesh(core_axis_name="c", subcore_axis_name="s"),
        compiler_params=pltpu.CompilerParams(
            needs_layout_passes=False,
        ),
        scratch_types=[
            pltpu.VMEM((_ROWS_PER_W, _D_IN1), jnp.float32),
            pltpu.VMEM((_ROWS_PER_W, _D_IN2), jnp.float32),
            pltpu.VMEM((_ROWS_PER_W, _D_OUT), jnp.float32),
            pltpu.VMEM((_N_CHUNKS * _D_OUT * _TSTRIDE,), jnp.float32),
            pltpu.SemaphoreType.DMA,
            pltpu.SemaphoreType.DMA,
            pltpu.SemaphoreType.DMA,
            pltpu.SemaphoreType.DMA,
            pltpu.SemaphoreType.DMA,
            pltpu.SemaphoreType.DMA,
        ],
    )(_sc_tp_body)
    return f(features_1, features_2)

# --- scband reference (transcript-rebuilt; emitter-appended) ---
"""Pipeline reference for scband-elementwise-tensor-product-63634235457618 (READ-ONLY COPY).

The authoritative reference and input builder live on the scoring server;
editing this copy changes nothing except your own understanding.
"""

import jax, jax.numpy as jnp
import numpy as np
from math import factorial

BATCH = 1024
RS_IN1 = [(32, 0, 0), (32, 1, 0)]
RS_IN2 = [(32, 1, 0), (32, 1, 0)]
NORMALIZATION = 'component'


def simplify(Rs):
    out = []
    for mul, l, p in Rs:
        if out and out[-1][1:] == (l, p):
            out[-1] = (out[-1][0] + mul, l, p)
        elif mul > 0:
            out.append((mul, l, p))
    return out


def dim(Rs):
    return sum(mul * (2 * l + 1) for mul, l, _ in Rs)


def selection_rule(l1, p1, l2, p2):
    return list(range(abs(l1 - l2), l1 + l2 + 1))


def _su2_cg_coeff(j1, m1, j2, m2, j3, m3):
    if m3 != m1 + m2:
        return 0.0
    vmin = int(max(-j1 + j2 + m3, -j1 + m1, 0))
    vmax = int(min(j2 + j3 + m1, j3 - j1 + j2, j3 + m3))
    def f(n):
        return float(factorial(round(n)))
    C = ((2 * j3 + 1) * f(j3 + j1 - j2) * f(j3 - j1 + j2) * f(j1 + j2 - j3) * f(j3 + m3) * f(j3 - m3) / (f(j1 + j2 + j3 + 1) * f(j1 - m1) * f(j1 + m1) * f(j2 - m2) * f(j2 + m2))) ** 0.5
    S = 0.0
    for v in range(vmin, vmax + 1):
        S += (-1.0) ** (v + j2 + m2) / f(v) * f(j2 + j3 + m1 - v) * f(j1 - m1 + v) / (f(j3 - j1 + j2 - v) * f(j3 + m3 - v) * f(v + j1 - j2 - m3))
    return C * S


def _su2_cg(j1, j2, j3):
    A = np.zeros((2 * j1 + 1, 2 * j2 + 1, 2 * j3 + 1))
    for m1 in range(-j1, j1 + 1):
        for m2 in range(-j2, j2 + 1):
            m3 = m1 + m2
            if -j3 <= m3 <= j3:
                A[j1 + m1, j2 + m2, j3 + m3] = _su2_cg_coeff(j1, m1, j2, m2, j3, m3)
    return A


def _change_basis_real_to_complex(l):
    q = np.zeros((2 * l + 1, 2 * l + 1), dtype=np.complex128)
    for m in range(-l, 0):
        q[l + m, l + abs(m)] = 1.0 / 2 ** 0.5
        q[l + m, l - abs(m)] = -1j / 2 ** 0.5
    q[l, l] = 1.0
    for m in range(1, l + 1):
        q[l + m, l + abs(m)] = (-1) ** m / 2 ** 0.5
        q[l + m, l - abs(m)] = 1j * (-1) ** m / 2 ** 0.5
    return (-1j) ** l * q


def wigner_3j(l1, l2, l3):
    Q1 = _change_basis_real_to_complex(l1)
    Q2 = _change_basis_real_to_complex(l2)
    Q3 = _change_basis_real_to_complex(l3)
    cg = _su2_cg(l1, l2, l3).astype(np.complex128)
    C = np.einsum('ij,kl,nm,ikn->jlm', Q1, Q2, np.conj(Q3), cg)
    R, I = np.real(C), np.imag(C)
    C = R if np.linalg.norm(R) >= np.linalg.norm(I) else I
    return C / np.linalg.norm(C)


def build_mixing():
    Rs1 = simplify([tuple(r) for r in RS_IN1])
    Rs2 = simplify([tuple(r) for r in RS_IN2])
    i = 0
    while i < len(Rs1):
        mul1, l1, p1 = Rs1[i]
        mul2, l2, p2 = Rs2[i]
        if mul1 < mul2:
            Rs2[i] = (mul1, l2, p2)
            Rs2.insert(i + 1, (mul2 - mul1, l2, p2))
        if mul2 < mul1:
            Rs1[i] = (mul2, l1, p1)
            Rs1.insert(i + 1, (mul1 - mul2, l1, p1))
        i += 1
    Rs_out = []
    for (mul, l1, p1), (_, l2, p2) in zip(Rs1, Rs2):
        for l in selection_rule(l1, p1, l2, p2):
            Rs_out.append((mul, l, p1 * p2))
    Rs_out = simplify(Rs_out)
    d_in1, d_in2, d_out = dim(Rs1), dim(Rs2), dim(Rs_out)
    M = np.zeros((d_out, d_in1 * d_in2), dtype=np.float64)
    index_out = index_1 = index_2 = 0
    for (mul, l1, p1), (_, l2, p2) in zip(Rs1, Rs2):
        dim_1 = mul * (2 * l1 + 1)
        dim_2 = mul * (2 * l2 + 1)
        for l_o in selection_rule(l1, p1, l2, p2):
            dim_o = mul * (2 * l_o + 1)
            C = wigner_3j(l_o, l1, l2)
            if NORMALIZATION == 'component':
                C = C * (2 * l_o + 1) ** 0.5
            I = np.einsum('uv,wu->wuv', np.eye(mul), np.eye(mul))
            m = np.einsum('wuv,kij->wkuivj', I, C).reshape(dim_o, dim_1, dim_2)
            io, i1, i2 = np.nonzero(m)
            M[io + index_out, (i1 + index_1) * d_in2 + (i2 + index_2)] = m[io, i1, i2]
            index_out += dim_o
        index_1 += dim_1
        index_2 += dim_2
    return M.astype(np.float32), d_out, d_in1, d_in2


def setup_inputs(seed: int = 0):
    key = jax.random.key(seed)
    k1, k2 = jax.random.split(key)
    M, d_out, d_in1, d_in2 = build_mixing()
    features_1 = jax.random.normal(k1, (BATCH, d_in1), dtype=jnp.float32)
    features_2 = jax.random.normal(k2, (BATCH, d_in2), dtype=jnp.float32)
    return {'features_1': features_1, 'features_2': features_2, 'mixing_matrix': jnp.asarray(M)}


def reference(features_1, features_2, mixing_matrix):
    d_out = mixing_matrix.shape[0]
    d_in1 = features_1.shape[-1]
    d_in2 = features_2.shape[-1]
    features = features_1[..., :, None] * features_2[..., None, :]
    size = features.shape[:-2]
    features = features.reshape(-1, d_in1, d_in2)
    features = jnp.einsum('zij->ijz', features)
    features = features.reshape(d_in1 * d_in2, features.shape[2])
    features = mixing_matrix @ features
    return features.T.reshape(*size, d_out)

if __name__ == "__main__":
    import jax
    _d = setup_inputs()
    print(jax.jit(kernel)(*tuple(_d.values())))

</pallas_src>

<mosaic_0001>
#map = affine_map<(d0, d1) -> (0, 0)>
module attributes {stable_mosaic.version = 14 : i64} {
  func.func @_sc_tp_body(%arg0: i32, %arg1: i32, %arg2: memref<1024x128xf32, #tpu.memory_space<hbm>>, %arg3: memref<1024x192xf32, #tpu.memory_space<hbm>>, %arg4: memref<1024x384xf32, #tpu.memory_space<hbm>>, %arg5: memref<32x128xf32, #tpu.memory_space<vmem>>, %arg6: memref<32x192xf32, #tpu.memory_space<vmem>>, %arg7: memref<32x384xf32, #tpu.memory_space<vmem>>, %arg8: memref<13056xf32, #tpu.memory_space<vmem>>, %arg9: memref<!tpu.dma_semaphore, #tpu.memory_space<semaphore_mem>>, %arg10: memref<!tpu.dma_semaphore, #tpu.memory_space<semaphore_mem>>, %arg11: memref<!tpu.dma_semaphore, #tpu.memory_space<semaphore_mem>>, %arg12: memref<!tpu.dma_semaphore, #tpu.memory_space<semaphore_mem>>, %arg13: memref<!tpu.dma_semaphore, #tpu.memory_space<semaphore_mem>>, %arg14: memref<!tpu.dma_semaphore, #tpu.memory_space<semaphore_mem>>) attributes {dimension_semantics = [#tpu.dimension_semantics<core_parallel>, #tpu.dimension_semantics<subcore_parallel>], iteration_bounds = array<i64: 2, 16>, scalar_prefetch = 0 : i64, scratch_operands = 10 : i64, tpu.core_type = #tpu.core_type<sc_vector_subcore>, window_params = [{transform_indices = #map}, {transform_indices = #map}, {transform_indices = #map}]} {
    %mul3A = arith.constant 2 : i32
    %mul3A_0 = arith.muli %arg1, %mul3A : i32
    %add3A = arith.addi %mul3A_0, %arg0 : i32
    %mul3A_1 = arith.constant 32 : i32
    %mul3A_2 = arith.muli %add3A, %mul3A_1 : i32
    %add3A_3 = arith.constant 0 : i32
    %add3A_4 = arith.addi %mul3A_2, %add3A_3 : i32
    %add3A_5 = arith.constant 0 : i32
    %add3A_6 = arith.addi %mul3A_2, %add3A_5 : i32
    %add3A_7 = arith.constant 16 : i32
    %add3A_8 = arith.addi %mul3A_2, %add3A_7 : i32
    %add3A_9 = arith.constant 16 : i32
    %add3A_10 = arith.addi %mul3A_2, %add3A_9 : i32
    %dma_start3A = arith.constant 0 : i32
    %dma_start3A_11 = arith.constant 0 : i32
    %dma_start3A_12 = tpu.memref_slice %arg5[%dma_start3A, %dma_start3A_11] : memref<32x128xf32, #tpu.memory_space<vmem>> -> memref<16x128xf32, #tpu.memory_space<vmem>>
    %dma_start3A_13 = arith.constant 0 : i32
    %dma_start3A_14 = tpu.memref_slice %arg2[%add3A_4, %dma_start3A_13] : memref<1024x128xf32, #tpu.memory_space<hbm>> -> memref<16x128xf32, #tpu.memory_space<hbm>>
    %dma_start3A_15 = arith.constant 0 : i32
    %dma_start3A_16 = arith.constant 0 : i32
    %dma_start3A_17 = tpu.memref_slice %arg5[%dma_start3A_15, %dma_start3A_16] : memref<32x128xf32, #tpu.memory_space<vmem>> -> memref<16x128xf32, #tpu.memory_space<vmem>>
    %dma_start3A_18 = arith.constant 0 : i32
    %dma_start3A_19 = tpu.memref_slice %arg2[%add3A_4, %dma_start3A_18] : memref<1024x128xf32, #tpu.memory_space<hbm>> -> memref<16x128xf32, #tpu.memory_space<hbm>>
    tpu.enqueue_dma source(%dma_start3A_19 : memref<16x128xf32, #tpu.memory_space<hbm>>) target(%dma_start3A_17 : memref<16x128xf32, #tpu.memory_space<vmem>>) target_semaphore(%arg9 : memref<!tpu.dma_semaphore, #tpu.memory_space<semaphore_mem>>)
    %dma_start3A_20 = arith.constant 0 : i32
    %dma_start3A_21 = arith.constant 0 : i32
    %dma_start3A_22 = tpu.memref_slice %arg6[%dma_start3A_20, %dma_start3A_21] : memref<32x192xf32, #tpu.memory_space<vmem>> -> memref<16x192xf32, #tpu.memory_space<vmem>>
    %dma_start3A_23 = arith.constant 0 : i32
    %dma_start3A_24 = tpu.memref_slice %arg3[%add3A_6, %dma_start3A_23] : memref<1024x192xf32, #tpu.memory_space<hbm>> -> memref<16x192xf32, #tpu.memory_space<hbm>>
    %dma_start3A_25 = arith.constant 0 : i32
    %dma_start3A_26 = arith.constant 0 : i32
    %dma_start3A_27 = tpu.memref_slice %arg6[%dma_start3A_25, %dma_start3A_26] : memref<32x192xf32, #tpu.memory_space<vmem>> -> memref<16x192xf32, #tpu.memory_space<vmem>>
    %dma_start3A_28 = arith.constant 0 : i32
    %dma_start3A_29 = tpu.memref_slice %arg3[%add3A_6, %dma_start3A_28] : memref<1024x192xf32, #tpu.memory_space<hbm>> -> memref<16x192xf32, #tpu.memory_space<hbm>>
    tpu.enqueue_dma source(%dma_start3A_29 : memref<16x192xf32, #tpu.memory_space<hbm>>) target(%dma_start3A_27 : memref<16x192xf32, #tpu.memory_space<vmem>>) target_semaphore(%arg11 : memref<!tpu.dma_semaphore, #tpu.memory_space<semaphore_mem>>)
    %dma_start3A_30 = arith.constant 16 : i32
    %dma_start3A_31 = arith.constant 0 : i32
    %dma_start3A_32 = tpu.memref_slice %arg5[%dma_start3A_30, %dma_start3A_31] : memref<32x128xf32, #tpu.memory_space<vmem>> -> memref<16x128xf32, #tpu.memory_space<vmem>>
    %dma_start3A_33 = arith.constant 0 : i32
    %dma_start3A_34 = tpu.memref_slice %arg2[%add3A_8, %dma_start3A_33] : memref<1024x128xf32, #tpu.memory_space<hbm>> -> memref<16x128xf32, #tpu.memory_space<hbm>>
    %dma_start3A_35 = arith.constant 16 : i32
    %dma_start3A_36 = arith.constant 0 : i32
    %dma_start3A_37 = tpu.memref_slice %arg5[%dma_start3A_35, %dma_start3A_36] : memref<32x128xf32, #tpu.memory_space<vmem>> -> memref<16x128xf32, #tpu.memory_space<vmem>>
    %dma_start3A_38 = arith.constant 0 : i32
    %dma_start3A_39 = tpu.memref_slice %arg2[%add3A_8, %dma_start3A_38] : memref<1024x128xf32, #tpu.memory_space<hbm>> -> memref<16x128xf32, #tpu.memory_space<hbm>>
    tpu.enqueue_dma source(%dma_start3A_39 : memref<16x128xf32, #tpu.memory_space<hbm>>) target(%dma_start3A_37 : memref<16x128xf32, #tpu.memory_space<vmem>>) target_semaphore(%arg10 : memref<!tpu.dma_semaphore, #tpu.memory_space<semaphore_mem>>)
    %dma_start3A_40 = arith.constant 16 : i32
    %dma_start3A_41 = arith.constant 0 : i32
    %dma_start3A_42 = tpu.memref_slice %arg6[%dma_start3A_40, %dma_start3A_41] : memref<32x192xf32, #tpu.memory_space<vmem>> -> memref<16x192xf32, #tpu.memory_space<vmem>>
    %dma_start3A_43 = arith.constant 0 : i32
    %dma_start3A_44 = tpu.memref_slice %arg3[%add3A_10, %dma_start3A_43] : memref<1024x192xf32, #tpu.memory_space<hbm>> -> memref<16x192xf32, #tpu.memory_space<hbm>>
    %dma_start3A_45 = arith.constant 16 : i32
    %dma_start3A_46 = arith.constant 0 : i32
    %dma_start3A_47 = tpu.memref_slice %arg6[%dma_start3A_45, %dma_start3A_46] : memref<32x192xf32, #tpu.memory_space<vmem>> -> memref<16x192xf32, #tpu.memory_space<vmem>>
    %dma_start3A_48 = arith.constant 0 : i32
    %dma_start3A_49 = tpu.memref_slice %arg3[%add3A_10, %dma_start3A_48] : memref<1024x192xf32, #tpu.memory_space<hbm>> -> memref<16x192xf32, #tpu.memory_space<hbm>>
    tpu.enqueue_dma source(%dma_start3A_49 : memref<16x192xf32, #tpu.memory_space<hbm>>) target(%dma_start3A_47 : memref<16x192xf32, #tpu.memory_space<vmem>>) target_semaphore(%arg12 : memref<!tpu.dma_semaphore, #tpu.memory_space<semaphore_mem>>)
    %iota3A = tpu.iota {dimensions = array<i32: 0>} : vector<16xi32>
    %mul3A_50 = arith.constant 17 : i32
    %mul3A_51 = vector.broadcast %mul3A_50 : i32 to vector<16xi32>
    %mul3A_52 = arith.muli %iota3A, %mul3A_51 : vector<16xi32>
    %dma_wait3A = arith.constant 0 : i32
    %dma_wait3A_53 = arith.constant 0 : i32
    %dma_wait3A_54 = tpu.memref_slice %arg5[%dma_wait3A, %dma_wait3A_53] : memref<32x128xf32, #tpu.memory_space<vmem>> -> memref<16x128xf32, #tpu.memory_space<vmem>>
    %dma_wait3A_55 = arith.constant 0 : i32
    %dma_wait3A_56 = tpu.memref_slice %arg2[%add3A_4, %dma_wait3A_55] : memref<1024x128xf32, #tpu.memory_space<hbm>> -> memref<16x128xf32, #tpu.memory_space<hbm>>
    %dma_wait3A_57 = arith.constant 0 : i32
    %dma_wait3A_58 = arith.constant 0 : i32
    %dma_wait3A_59 = tpu.memref_slice %arg5[%dma_wait3A_57, %dma_wait3A_58] : memref<32x128xf32, #tpu.memory_space<vmem>> -> memref<16x128xf32, #tpu.memory_space<vmem>>
    %dma_wait3A_60 = arith.constant 0 : i32
    %dma_wait3A_61 = tpu.memref_slice %arg2[%add3A_4, %dma_wait3A_60] : memref<1024x128xf32, #tpu.memory_space<hbm>> -> memref<16x128xf32, #tpu.memory_space<hbm>>
    tpu.wait_dma2 semaphore(%arg9 : memref<!tpu.dma_semaphore, #tpu.memory_space<semaphore_mem>>) src(%dma_wait3A_61 : memref<16x128xf32, #tpu.memory_space<hbm>>) dst(%dma_wait3A_59 : memref<16x128xf32, #tpu.memory_space<vmem>>)
    %dma_wait3A_62 = arith.constant 0 : i32
    %dma_wait3A_63 = arith.constant 0 : i32
    %dma_wait3A_64 = tpu.memref_slice %arg6[%dma_wait3A_62, %dma_wait3A_63] : memref<32x192xf32, #tpu.memory_space<vmem>> -> memref<16x192xf32, #tpu.memory_space<vmem>>
    %dma_wait3A_65 = arith.constant 0 : i32
    %dma_wait3A_66 = tpu.memref_slice %arg3[%add3A_6, %dma_wait3A_65] : memref<1024x192xf32, #tpu.memory_space<hbm>> -> memref<16x192xf32, #tpu.memory_space<hbm>>
    %dma_wait3A_67 = arith.constant 0 : i32
    %dma_wait3A_68 = arith.constant 0 : i32
    %dma_wait3A_69 = tpu.memref_slice %arg6[%dma_wait3A_67, %dma_wait3A_68] : memref<32x192xf32, #tpu.memory_space<vmem>> -> memref<16x192xf32, #tpu.memory_space<vmem>>
    %dma_wait3A_70 = arith.constant 0 : i32
    %dma_wait3A_71 = tpu.memref_slice %arg3[%add3A_6, %dma_wait3A_70] : memref<1024x192xf32, #tpu.memory_space<hbm>> -> memref<16x192xf32, #tpu.memory_space<hbm>>
    tpu.wait_dma2 semaphore(%arg11 : memref<!tpu.dma_semaphore, #tpu.memory_space<semaphore_mem>>) src(%dma_wait3A_71 : memref<16x192xf32, #tpu.memory_space<hbm>>) dst(%dma_wait3A_69 : memref<16x192xf32, #tpu.memory_space<vmem>>)
    %dma_wait3A_72 = arith.constant 16 : i32
    %dma_wait3A_73 = arith.constant 0 : i32
    %dma_wait3A_74 = tpu.memref_slice %arg5[%dma_wait3A_72, %dma_wait3A_73] : memref<32x128xf32, #tpu.memory_space<vmem>> -> memref<16x128xf32, #tpu.memory_space<vmem>>
    %dma_wait3A_75 = arith.constant 0 : i32
    %dma_wait3A_76 = tpu.memref_slice %arg2[%add3A_8, %dma_wait3A_75] : memref<1024x128xf32, #tpu.memory_space<hbm>> -> memref<16x128xf32, #tpu.memory_space<hbm>>
    %dma_wait3A_77 = arith.constant 16 : i32
    %dma_wait3A_78 = arith.constant 0 : i32
    %dma_wait3A_79 = tpu.memref_slice %arg5[%dma_wait3A_77, %dma_wait3A_78] : memref<32x128xf32, #tpu.memory_space<vmem>> -> memref<16x128xf32, #tpu.memory_space<vmem>>
    %dma_wait3A_80 = arith.constant 0 : i32
    %dma_wait3A_81 = tpu.memref_slice %arg2[%add3A_8, %dma_wait3A_80] : memref<1024x128xf32, #tpu.memory_space<hbm>> -> memref<16x128xf32, #tpu.memory_space<hbm>>
    tpu.wait_dma2 semaphore(%arg10 : memref<!tpu.dma_semaphore, #tpu.memory_space<semaphore_mem>>) src(%dma_wait3A_81 : memref<16x128xf32, #tpu.memory_space<hbm>>) dst(%dma_wait3A_79 : memref<16x128xf32, #tpu.memory_space<vmem>>)
    %dma_wait3A_82 = arith.constant 16 : i32
    %dma_wait3A_83 = arith.constant 0 : i32
    %dma_wait3A_84 = tpu.memref_slice %arg6[%dma_wait3A_82, %dma_wait3A_83] : memref<32x192xf32, #tpu.memory_space<vmem>> -> memref<16x192xf32, #tpu.memory_space<vmem>>
    %dma_wait3A_85 = arith.constant 0 : i32
    %dma_wait3A_86 = tpu.memref_slice %arg3[%add3A_10, %dma_wait3A_85] : memref<1024x192xf32, #tpu.memory_space<hbm>> -> memref<16x192xf32, #tpu.memory_space<hbm>>
    %dma_wait3A_87 = arith.constant 16 : i32
    %dma_wait3A_88 = arith.constant 0 : i32
    %dma_wait3A_89 = tpu.memref_slice %arg6[%dma_wait3A_87, %dma_wait3A_88] : memref<32x192xf32, #tpu.memory_space<vmem>> -> memref<16x192xf32, #tpu.memory_space<vmem>>
    %dma_wait3A_90 = arith.constant 0 : i32
    %dma_wait3A_91 = tpu.memref_slice %arg3[%add3A_10, %dma_wait3A_90] : memref<1024x192xf32, #tpu.memory_space<hbm>> -> memref<16x192xf32, #tpu.memory_space<hbm>>
    tpu.wait_dma2 semaphore(%arg12 : memref<!tpu.dma_semaphore, #tpu.memory_space<semaphore_mem>>) src(%dma_wait3A_91 : memref<16x192xf32, #tpu.memory_space<hbm>>) dst(%dma_wait3A_89 : memref<16x192xf32, #tpu.memory_space<vmem>>)
    %add3A_92 = arith.constant 0 : i32
    %add3A_93 = vector.broadcast %add3A_92 : i32 to vector<16xi32>
    %add3A_94 = arith.addi %iota3A, %add3A_93 : vector<16xi32>
    %add3A_95 = arith.constant 16 : i32
    %add3A_96 = vector.broadcast %add3A_95 : i32 to vector<16xi32>
    %add3A_97 = arith.addi %iota3A, %add3A_96 : vector<16xi32>
    %parallel_loop3A = arith.constant 0 : i32
    %parallel_loop3A_98 = arith.constant 32 : i32
    %parallel_loop3A_99 = arith.constant 1 : i32
    scf.for %parallel_loop3A_106 = %parallel_loop3A to %parallel_loop3A_98 step %parallel_loop3A_99  : i32 {
      %parallel_loop3A_107 = arith.constant 1 : i32
      %parallel_loop3A_108 = arith.muli %parallel_loop3A_107, %parallel_loop3A_106 : i32
      %parallel_loop3A_109 = arith.constant 0 : i32
      %parallel_loop3A_110 = arith.addi %parallel_loop3A_109, %parallel_loop3A_108 : i32
      %parallel_loop3A_111 = vector.broadcast %parallel_loop3A_110 : i32 to vector<16xi32>
      %parallel_loop3A_112 = tpu.vector_load_idx %arg5[%add3A_94, %parallel_loop3A_111] : memref<32x128xf32, #tpu.memory_space<vmem>>[vector<16xi32>, vector<16xi32>], vector<16xf32>,
      %parallel_loop3A_113 = arith.constant 3 : i32
      %parallel_loop3A_114 = arith.muli %parallel_loop3A_113, %parallel_loop3A_106 : i32
      %parallel_loop3A_115 = arith.constant 0 : i32
      %parallel_loop3A_116 = arith.addi %parallel_loop3A_115, %parallel_loop3A_114 : i32
      %parallel_loop3A_117 = vector.broadcast %parallel_loop3A_116 : i32 to vector<16xi32>
      %parallel_loop3A_118 = tpu.vector_load_idx %arg6[%add3A_94, %parallel_loop3A_117] : memref<32x192xf32, #tpu.memory_space<vmem>>[vector<16xi32>, vector<16xi32>], vector<16xf32>,
      %parallel_loop3A_119 = arith.mulf %parallel_loop3A_112, %parallel_loop3A_118 : vector<16xf32>
      %parallel_loop3A_120 = arith.constant 51 : i32
      %parallel_loop3A_121 = arith.muli %parallel_loop3A_120, %parallel_loop3A_106 : i32
      %parallel_loop3A_122 = arith.constant 0 : i32
      %parallel_loop3A_123 = arith.addi %parallel_loop3A_122, %parallel_loop3A_121 : i32
      %parallel_loop3A_124 = arith.index_cast %parallel_loop3A_123 : i32 to index
      %parallel_loop3A_125 = tpu.vector_load %arg8[%parallel_loop3A_124] {strides = array<i32>} : memref<13056xf32, #tpu.memory_space<vmem>>, vector<16xf32>,
      tpu.vector_store %arg8[%parallel_loop3A_124], %parallel_loop3A_119 {strides = array<i32>} : memref<13056xf32, #tpu.memory_space<vmem>>, vector<16xf32>,
      %parallel_loop3A_126 = arith.constant 3 : i32
      %parallel_loop3A_127 = arith.muli %parallel_loop3A_126, %parallel_loop3A_106 : i32
      %parallel_loop3A_128 = arith.constant 1 : i32
      %parallel_loop3A_129 = arith.addi %parallel_loop3A_128, %parallel_loop3A_127 : i32
      %parallel_loop3A_130 = vector.broadcast %parallel_loop3A_129 : i32 to vector<16xi32>
      %parallel_loop3A_131 = tpu.vector_load_idx %arg6[%add3A_94, %parallel_loop3A_130] : memref<32x192xf32, #tpu.memory_space<vmem>>[vector<16xi32>, vector<16xi32>], vector<16xf32>,
      %parallel_loop3A_132 = arith.mulf %parallel_loop3A_112, %parallel_loop3A_131 : vector<16xf32>
      %parallel_loop3A_133 = arith.constant 51 : i32
      %parallel_loop3A_134 = arith.muli %parallel_loop3A_133, %parallel_loop3A_106 : i32
      %parallel_loop3A_135 = arith.constant 17 : i32
      %parallel_loop3A_136 = arith.addi %parallel_loop3A_135, %parallel_loop3A_134 : i32
      %parallel_loop3A_137 = arith.index_cast %parallel_loop3A_136 : i32 to index
      %parallel_loop3A_138 = tpu.vector_load %arg8[%parallel_loop3A_137] {strides = array<i32>} : memref<13056xf32, #tpu.memory_space<vmem>>, vector<16xf32>,
      tpu.vector_store %arg8[%parallel_loop3A_137], %parallel_loop3A_132 {strides = array<i32>} : memref<13056xf32, #tpu.memory_space<vmem>>, vector<16xf32>,
      %parallel_loop3A_139 = arith.constant 3 : i32
      %parallel_loop3A_140 = arith.muli %parallel_loop3A_139, %parallel_loop3A_106 : i32
      %parallel_loop3A_141 = arith.constant 2 : i32
      %parallel_loop3A_142 = arith.addi %parallel_loop3A_141, %parallel_loop3A_140 : i32
      %parallel_loop3A_143 = vector.broadcast %parallel_loop3A_142 : i32 to vector<16xi32>
      %parallel_loop3A_144 = tpu.vector_load_idx %arg6[%add3A_94, %parallel_loop3A_143] : memref<32x192xf32, #tpu.memory_space<vmem>>[vector<16xi32>, vector<16xi32>], vector<16xf32>,
      %parallel_loop3A_145 = arith.mulf %parallel_loop3A_112, %parallel_loop3A_144 : vector<16xf32>
      %parallel_loop3A_146 = arith.constant 51 : i32
      %parallel_loop3A_147 = arith.muli %parallel_loop3A_146, %parallel_loop3A_106 : i32
      %parallel_loop3A_148 = arith.constant 34 : i32
      %parallel_loop3A_149 = arith.addi %parallel_loop3A_148, %parallel_loop3A_147 : i32
      %parallel_loop3A_150 = arith.index_cast %parallel_loop3A_149 : i32 to index
      %parallel_loop3A_151 = tpu.vector_load %arg8[%parallel_loop3A_150] {strides = array<i32>} : memref<13056xf32, #tpu.memory_space<vmem>>, vector<16xf32>,
      tpu.vector_store %arg8[%parallel_loop3A_150], %parallel_loop3A_145 {strides = array<i32>} : memref<13056xf32, #tpu.memory_space<vmem>>, vector<16xf32>,
      %parallel_loop3A_152 = arith.constant 3 : i32
      %parallel_loop3A_153 = arith.muli %parallel_loop3A_152, %parallel_loop3A_106 : i32
      %parallel_loop3A_154 = arith.constant 32 : i32
      %parallel_loop3A_155 = arith.addi %parallel_loop3A_154, %parallel_loop3A_153 : i32
      %parallel_loop3A_156 = vector.broadcast %parallel_loop3A_155 : i32 to vector<16xi32>
      %parallel_loop3A_157 = tpu.vector_load_idx %arg5[%add3A_94, %parallel_loop3A_156] : memref<32x128xf32, #tpu.memory_space<vmem>>[vector<16xi32>, vector<16xi32>], vector<16xf32>,
      %parallel_loop3A_158 = arith.constant 3 : i32
      %parallel_loop3A_159 = arith.muli %parallel_loop3A_158, %parallel_loop3A_106 : i32
      %parallel_loop3A_160 = arith.constant 96 : i32
      %parallel_loop3A_161 = arith.addi %parallel_loop3A_160, %parallel_loop3A_159 : i32
      %parallel_loop3A_162 = vector.broadcast %parallel_loop3A_161 : i32 to vector<16xi32>
      %parallel_loop3A_163 = tpu.vector_load_idx %arg6[%add3A_94, %parallel_loop3A_162] : memref<32x192xf32, #tpu.memory_space<vmem>>[vector<16xi32>, vector<16xi32>], vector<16xf32>,
      %parallel_loop3A_164 = arith.mulf %parallel_loop3A_157, %parallel_loop3A_163 : vector<16xf32>
      %parallel_loop3A_165 = arith.constant 3 : i32
      %parallel_loop3A_166 = arith.muli %parallel_loop3A_165, %parallel_loop3A_106 : i32
      %parallel_loop3A_167 = arith.constant 33 : i32
      %parallel_loop3A_168 = arith.addi %parallel_loop3A_167, %parallel_loop3A_166 : i32
      %parallel_loop3A_169 = vector.broadcast %parallel_loop3A_168 : i32 to vector<16xi32>
      %parallel_loop3A_170 = tpu.vector_load_idx %arg5[%add3A_94, %parallel_loop3A_169] : memref<32x128xf32, #tpu.memory_space<vmem>>[vector<16xi32>, vector<16xi32>], vector<16xf32>,
      %parallel_loop3A_171 = arith.constant 3 : i32
      %parallel_loop3A_172 = arith.muli %parallel_loop3A_171, %parallel_loop3A_106 : i32
      %parallel_loop3A_173 = arith.constant 97 : i32
      %parallel_loop3A_174 = arith.addi %parallel_loop3A_173, %parallel_loop3A_172 : i32
      %parallel_loop3A_175 = vector.broadcast %parallel_loop3A_174 : i32 to vector<16xi32>
      %parallel_loop3A_176 = tpu.vector_load_idx %arg6[%add3A_94, %parallel_loop3A_175] : memref<32x192xf32, #tpu.memory_space<vmem>>[vector<16xi32>, vector<16xi32>], vector<16xf32>,
      %parallel_loop3A_177 = arith.mulf %parallel_loop3A_170, %parallel_loop3A_176 : vector<16xf32>
      %parallel_loop3A_178 = arith.constant 3 : i32
      %parallel_loop3A_179 = arith.muli %parallel_loop3A_178, %parallel_loop3A_106 : i32
      %parallel_loop3A_180 = arith.constant 34 : i32
      %parallel_loop3A_181 = arith.addi %parallel_loop3A_180, %parallel_loop3A_179 : i32
      %parallel_loop3A_182 = vector.broadcast %parallel_loop3A_181 : i32 to vector<16xi32>
      %parallel_loop3A_183 = tpu.vector_load_idx %arg5[%add3A_94, %parallel_loop3A_182] : memref<32x128xf32, #tpu.memory_space<vmem>>[vector<16xi32>, vector<16xi32>], vector<16xf32>,
      %parallel_loop3A_184 = arith.constant 3 : i32
      %parallel_loop3A_185 = arith.muli %parallel_loop3A_184, %parallel_loop3A_106 : i32
      %parallel_loop3A_186 = arith.constant 98 : i32
      %parallel_loop3A_187 = arith.addi %parallel_loop3A_186, %parallel_loop3A_185 : i32
      %parallel_loop3A_188 = vector.broadcast %parallel_loop3A_187 : i32 to vector<16xi32>
      %parallel_loop3A_189 = tpu.vector_load_idx %arg6[%add3A_94, %parallel_loop3A_188] : memref<32x192xf32, #tpu.memory_space<vmem>>[vector<16xi32>, vector<16xi32>], vector<16xf32>,
      %parallel_loop3A_190 = arith.mulf %parallel_loop3A_183, %parallel_loop3A_189 : vector<16xf32>
      %parallel_loop3A_191 = arith.addf %parallel_loop3A_164, %parallel_loop3A_177 : vector<16xf32>
      %parallel_loop3A_192 = arith.addf %parallel_loop3A_191, %parallel_loop3A_190 : vector<16xf32>
      %parallel_loop3A_193 = arith.constant 0.577350259 : f32
      %parallel_loop3A_194 = vector.broadcast %parallel_loop3A_193 : f32 to vector<16xf32>
      %parallel_loop3A_195 = arith.mulf %parallel_loop3A_192, %parallel_loop3A_194 : vector<16xf32>
      %parallel_loop3A_196 = arith.constant 17 : i32
      %parallel_loop3A_197 = arith.muli %parallel_loop3A_196, %parallel_loop3A_106 : i32
      %parallel_loop3A_198 = arith.constant 1632 : i32
      %parallel_loop3A_199 = arith.addi %parallel_loop3A_198, %parallel_loop3A_197 : i32
      %parallel_loop3A_200 = arith.index_cast %parallel_loop3A_199 : i32 to index
      %parallel_loop3A_201 = tpu.vector_load %arg8[%parallel_loop3A_200] {strides = array<i32>} : memref<13056xf32, #tpu.memory_space<vmem>>, vector<16xf32>,
      tpu.vector_store %arg8[%parallel_loop3A_200], %parallel_loop3A_195 {strides = array<i32>} : memref<13056xf32, #tpu.memory_space<vmem>>, vector<16xf32>,
      %parallel_loop3A_202 = arith.mulf %parallel_loop3A_170, %parallel_loop3A_189 : vector<16xf32>
      %parallel_loop3A_203 = arith.mulf %parallel_loop3A_183, %parallel_loop3A_176 : vector<16xf32>
      %parallel_loop3A_204 = arith.subf %parallel_loop3A_202, %parallel_loop3A_203 : vector<16xf32>
      %parallel_loop3A_205 = arith.constant 0.707106769 : f32
      %parallel_loop3A_206 = vector.broadcast %parallel_loop3A_205 : f32 to vector<16xf32>
      %parallel_loop3A_207 = arith.mulf %parallel_loop3A_204, %parallel_loop3A_206 : vector<16xf32>
      %parallel_loop3A_208 = arith.constant 51 : i32
      %parallel_loop3A_209 = arith.muli %parallel_loop3A_208, %parallel_loop3A_106 : i32
      %parallel_loop3A_210 = arith.constant 2176 : i32
      %parallel_loop3A_211 = arith.addi %parallel_loop3A_210, %parallel_loop3A_209 : i32
      %parallel_loop3A_212 = arith.index_cast %parallel_loop3A_211 : i32 to index
      %parallel_loop3A_213 = tpu.vector_load %arg8[%parallel_loop3A_212] {strides = array<i32>} : memref<13056xf32, #tpu.memory_space<vmem>>, vector<16xf32>,
      tpu.vector_store %arg8[%parallel_loop3A_212], %parallel_loop3A_207 {strides = array<i32>} : memref<13056xf32, #tpu.memory_space<vmem>>, vector<16xf32>,
      %parallel_loop3A_214 = arith.mulf %parallel_loop3A_157, %parallel_loop3A_189 : vector<16xf32>
      %parallel_loop3A_215 = arith.mulf %parallel_loop3A_183, %parallel_loop3A_163 : vector<16xf32>
      %parallel_loop3A_216 = arith.subf %parallel_loop3A_215, %parallel_loop3A_214 : vector<16xf32>
      %parallel_loop3A_217 = arith.constant 0.707106769 : f32
      %parallel_loop3A_218 = vector.broadcast %parallel_loop3A_217 : f32 to vector<16xf32>
      %parallel_loop3A_219 = arith.mulf %parallel_loop3A_216, %parallel_loop3A_218 : vector<16xf32>
      %parallel_loop3A_220 = arith.constant 51 : i32
      %parallel_loop3A_221 = arith.muli %parallel_loop3A_220, %parallel_loop3A_106 : i32
      %parallel_loop3A_222 = arith.constant 2193 : i32
      %parallel_loop3A_223 = arith.addi %parallel_loop3A_222, %parallel_loop3A_221 : i32
      %parallel_loop3A_224 = arith.index_cast %parallel_loop3A_223 : i32 to index
      %parallel_loop3A_225 = tpu.vector_load %arg8[%parallel_loop3A_224] {strides = array<i32>} : memref<13056xf32, #tpu.memory_space<vmem>>, vector<16xf32>,
      tpu.vector_store %arg8[%parallel_loop3A_224], %parallel_loop3A_219 {strides = array<i32>} : memref<13056xf32, #tpu.memory_space<vmem>>, vector<16xf32>,
      %parallel_loop3A_226 = arith.mulf %parallel_loop3A_157, %parallel_loop3A_176 : vector<16xf32>
      %parallel_loop3A_227 = arith.mulf %parallel_loop3A_170, %parallel_loop3A_163 : vector<16xf32>
      %parallel_loop3A_228 = arith.subf %parallel_loop3A_226, %parallel_loop3A_227 : vector<16xf32>
      %parallel_loop3A_229 = arith.constant 0.707106769 : f32
      %parallel_loop3A_230 = vector.broadcast %parallel_loop3A_229 : f32 to vector<16xf32>
      %parallel_loop3A_231 = arith.mulf %parallel_loop3A_228, %parallel_loop3A_230 : vector<16xf32>
      %parallel_loop3A_232 = arith.constant 51 : i32
      %parallel_loop3A_233 = arith.muli %parallel_loop3A_232, %parallel_loop3A_106 : i32
      %parallel_loop3A_234 = arith.constant 2210 : i32
      %parallel_loop3A_235 = arith.addi %parallel_loop3A_234, %parallel_loop3A_233 : i32
      %parallel_loop3A_236 = arith.index_cast %parallel_loop3A_235 : i32 to index
      %parallel_loop3A_237 = tpu.vector_load %arg8[%parallel_loop3A_236] {strides = array<i32>} : memref<13056xf32, #tpu.memory_space<vmem>>, vector<16xf32>,
      tpu.vector_store %arg8[%parallel_loop3A_236], %parallel_loop3A_231 {strides = array<i32>} : memref<13056xf32, #tpu.memory_space<vmem>>, vector<16xf32>,
      %parallel_loop3A_238 = arith.addf %parallel_loop3A_214, %parallel_loop3A_215 : vector<16xf32>
      %parallel_loop3A_239 = arith.constant 0.707106769 : f32
      %parallel_loop3A_240 = vector.broadcast %parallel_loop3A_239 : f32 to vector<16xf32>
      %parallel_loop3A_241 = arith.mulf %parallel_loop3A_238, %parallel_loop3A_240 : vector<16xf32>
      %parallel_loop3A_242 = arith.constant 85 : i32
      %parallel_loop3A_243 = arith.muli %parallel_loop3A_242, %parallel_loop3A_106 : i32
      %parallel_loop3A_244 = arith.constant 3808 : i32
      %parallel_loop3A_245 = arith.addi %parallel_loop3A_244, %parallel_loop3A_243 : i32
      %parallel_loop3A_246 = arith.index_cast %parallel_loop3A_245 : i32 to index
      %parallel_loop3A_247 = tpu.vector_load %arg8[%parallel_loop3A_246] {strides = array<i32>} : memref<13056xf32, #tpu.memory_space<vmem>>, vector<16xf32>,
      tpu.vector_store %arg8[%parallel_loop3A_246], %parallel_loop3A_241 {strides = array<i32>} : memref<13056xf32, #tpu.memory_space<vmem>>, vector<16xf32>,
      %parallel_loop3A_248 = arith.addf %parallel_loop3A_226, %parallel_loop3A_227 : vector<16xf32>
      %parallel_loop3A_249 = arith.constant 0.707106769 : f32
      %parallel_loop3A_250 = vector.broadcast %parallel_loop3A_249 : f32 to vector<16xf32>
      %parallel_loop3A_251 = arith.mulf %parallel_loop3A_248, %parallel_loop3A_250 : vector<16xf32>
      %parallel_loop3A_252 = arith.constant 85 : i32
      %parallel_loop3A_253 = arith.muli %parallel_loop3A_252, %parallel_loop3A_106 : i32
      %parallel_loop3A_254 = arith.constant 3825 : i32
      %parallel_loop3A_255 = arith.addi %parallel_loop3A_254, %parallel_loop3A_253 : i32
      %parallel_loop3A_256 = arith.index_cast %parallel_loop3A_255 : i32 to index
      %parallel_loop3A_257 = tpu.vector_load %arg8[%parallel_loop3A_256] {strides = array<i32>} : memref<13056xf32, #tpu.memory_space<vmem>>, vector<16xf32>,
      tpu.vector_store %arg8[%parallel_loop3A_256], %parallel_loop3A_251 {strides = array<i32>} : memref<13056xf32, #tpu.memory_space<vmem>>, vector<16xf32>,
      %parallel_loop3A_258 = arith.constant 0.000000e+00 : f32
      %parallel_loop3A_259 = vector.broadcast %parallel_loop3A_258 : f32 to vector<16xf32>
      %parallel_loop3A_260 = arith.subf %parallel_loop3A_259, %parallel_loop3A_164 : vector<16xf32>
      %parallel_loop3A_261 = arith.subf %parallel_loop3A_260, %parallel_loop3A_190 : vector<16xf32>
      %parallel_loop3A_262 = arith.constant 0.408248305 : f32
      %parallel_loop3A_263 = vector.broadcast %parallel_loop3A_262 : f32 to vector<16xf32>
      %parallel_loop3A_264 = arith.mulf %parallel_loop3A_261, %parallel_loop3A_263 : vector<16xf32>
      %parallel_loop3A_265 = arith.constant 0.816496611 : f32
      %parallel_loop3A_266 = vector.broadcast %parallel_loop3A_265 : f32 to vector<16xf32>
      %parallel_loop3A_267 = arith.mulf %parallel_loop3A_177, %parallel_loop3A_266 : vector<16xf32>
      %parallel_loop3A_268 = arith.addf %parallel_loop3A_264, %parallel_loop3A_267 : vector<16xf32>
      %parallel_loop3A_269 = arith.constant 85 : i32
      %parallel_loop3A_270 = arith.muli %parallel_loop3A_269, %parallel_loop3A_106 : i32
      %parallel_loop3A_271 = arith.constant 3842 : i32
      %parallel_loop3A_272 = arith.addi %parallel_loop3A_271, %parallel_loop3A_270 : i32
      %parallel_loop3A_273 = arith.index_cast %parallel_loop3A_272 : i32 to index
      %parallel_loop3A_274 = tpu.vector_load %arg8[%parallel_loop3A_273] {strides = array<i32>} : memref<13056xf32, #tpu.memory_space<vmem>>, vector<16xf32>,
      tpu.vector_store %arg8[%parallel_loop3A_273], %parallel_loop3A_268 {strides = array<i32>} : memref<13056xf32, #tpu.memory_space<vmem>>, vector<16xf32>,
      %parallel_loop3A_275 = arith.addf %parallel_loop3A_202, %parallel_loop3A_203 : vector<16xf32>
      %parallel_loop3A_276 = arith.constant 0.707106769 : f32
      %parallel_loop3A_277 = vector.broadcast %parallel_loop3A_276 : f32 to vector<16xf32>
      %parallel_loop3A_278 = arith.mulf %parallel_loop3A_275, %parallel_loop3A_277 : vector<16xf32>
      %parallel_loop3A_279 = arith.constant 85 : i32
      %parallel_loop3A_280 = arith.muli %parallel_loop3A_279, %parallel_loop3A_106 : i32
      %parallel_loop3A_281 = arith.constant 3859 : i32
      %parallel_loop3A_282 = arith.addi %parallel_loop3A_281, %parallel_loop3A_280 : i32
      %parallel_loop3A_283 = arith.index_cast %parallel_loop3A_282 : i32 to index
      %parallel_loop3A_284 = tpu.vector_load %arg8[%parallel_loop3A_283] {strides = array<i32>} : memref<13056xf32, #tpu.memory_space<vmem>>, vector<16xf32>,
      tpu.vector_store %arg8[%parallel_loop3A_283], %parallel_loop3A_278 {strides = array<i32>} : memref<13056xf32, #tpu.memory_space<vmem>>, vector<16xf32>,
      %parallel_loop3A_285 = arith.subf %parallel_loop3A_190, %parallel_loop3A_164 : vector<16xf32>
      %parallel_loop3A_286 = arith.constant 0.707106769 : f32
      %parallel_loop3A_287 = vector.broadcast %parallel_loop3A_286 : f32 to vector<16xf32>
      %parallel_loop3A_288 = arith.mulf %parallel_loop3A_285, %parallel_loop3A_287 : vector<16xf32>
      %parallel_loop3A_289 = arith.constant 85 : i32
      %parallel_loop3A_290 = arith.muli %parallel_loop3A_289, %parallel_loop3A_106 : i32
      %parallel_loop3A_291 = arith.constant 3876 : i32
      %parallel_loop3A_292 = arith.addi %parallel_loop3A_291, %parallel_loop3A_290 : i32
      %parallel_loop3A_293 = arith.index_cast %parallel_loop3A_292 : i32 to index
      %parallel_loop3A_294 = tpu.vector_load %arg8[%parallel_loop3A_293] {strides = array<i32>} : memref<13056xf32, #tpu.memory_space<vmem>>, vector<16xf32>,
      tpu.vector_store %arg8[%parallel_loop3A_293], %parallel_loop3A_288 {strides = array<i32>} : memref<13056xf32, #tpu.memory_space<vmem>>, vector<16xf32>,
      %parallel_loop3A_295 = tpu.vector_load_idx %arg5[%add3A_97, %parallel_loop3A_111] : memref<32x128xf32, #tpu.memory_space<vmem>>[vector<16xi32>, vector<16xi32>], vector<16xf32>,
      %parallel_loop3A_296 = tpu.vector_load_idx %arg6[%add3A_97, %parallel_loop3A_117] : memref<32x192xf32, #tpu.memory_space<vmem>>[vector<16xi32>, vector<16xi32>], vector<16xf32>,
      %parallel_loop3A_297 = arith.mulf %parallel_loop3A_295, %parallel_loop3A_296 : vector<16xf32>
      %parallel_loop3A_298 = arith.constant 51 : i32
      %parallel_loop3A_299 = arith.muli %parallel_loop3A_298, %parallel_loop3A_106 : i32
      %parallel_loop3A_300 = arith.constant 6528 : i32
      %parallel_loop3A_301 = arith.addi %parallel_loop3A_300, %parallel_loop3A_299 : i32
      %parallel_loop3A_302 = arith.index_cast %parallel_loop3A_301 : i32 to index
      %parallel_loop3A_303 = tpu.vector_load %arg8[%parallel_loop3A_302] {strides = array<i32>} : memref<13056xf32, #tpu.memory_space<vmem>>, vector<16xf32>,
      tpu.vector_store %arg8[%parallel_loop3A_302], %parallel_loop3A_297 {strides = array<i32>} : memref<13056xf32, #tpu.memory_space<vmem>>, vector<16xf32>,
      %parallel_loop3A_304 = tpu.vector_load_idx %arg6[%add3A_97, %parallel_loop3A_130] : memref<32x192xf32, #tpu.memory_space<vmem>>[vector<16xi32>, vector<16xi32>], vector<16xf32>,
      %parallel_loop3A_305 = arith.mulf %parallel_loop3A_295, %parallel_loop3A_304 : vector<16xf32>
      %parallel_loop3A_306 = arith.constant 51 : i32
      %parallel_loop3A_307 = arith.muli %parallel_loop3A_306, %parallel_loop3A_106 : i32
      %parallel_loop3A_308 = arith.constant 6545 : i32
      %parallel_loop3A_309 = arith.addi %parallel_loop3A_308, %parallel_loop3A_307 : i32
      %parallel_loop3A_310 = arith.index_cast %parallel_loop3A_309 : i32 to index
      %parallel_loop3A_311 = tpu.vector_load %arg8[%parallel_loop3A_310] {strides = array<i32>} : memref<13056xf32, #tpu.memory_space<vmem>>, vector<16xf32>,
      tpu.vector_store %arg8[%parallel_loop3A_310], %parallel_loop3A_305 {strides = array<i32>} : memref<13056xf32, #tpu.memory_space<vmem>>, vector<16xf32>,
      %parallel_loop3A_312 = tpu.vector_load_idx %arg6[%add3A_97, %parallel_loop3A_143] : memref<32x192xf32, #tpu.memory_space<vmem>>[vector<16xi32>, vector<16xi32>], vector<16xf32>,
      %parallel_loop3A_313 = arith.mulf %parallel_loop3A_295, %parallel_loop3A_312 : vector<16xf32>
      %parallel_loop3A_314 = arith.constant 51 : i32
      %parallel_loop3A_315 = arith.muli %parallel_loop3A_314, %parallel_loop3A_106 : i32
      %parallel_loop3A_316 = arith.constant 6562 : i32
      %parallel_loop3A_317 = arith.addi %parallel_loop3A_316, %parallel_loop3A_315 : i32
      %parallel_loop3A_318 = arith.index_cast %parallel_loop3A_317 : i32 to index
      %parallel_loop3A_319 = tpu.vector_load %arg8[%parallel_loop3A_318] {strides = array<i32>} : memref<13056xf32, #tpu.memory_space<vmem>>, vector<16xf32>,
      tpu.vector_store %arg8[%parallel_loop3A_318], %parallel_loop3A_313 {strides = array<i32>} : memref<13056xf32, #tpu.memory_space<vmem>>, vector<16xf32>,
      %parallel_loop3A_320 = tpu.vector_load_idx %arg5[%add3A_97, %parallel_loop3A_156] : memref<32x128xf32, #tpu.memory_space<vmem>>[vector<16xi32>, vector<16xi32>], vector<16xf32>,
      %parallel_loop3A_321 = tpu.vector_load_idx %arg6[%add3A_97, %parallel_loop3A_162] : memref<32x192xf32, #tpu.memory_space<vmem>>[vector<16xi32>, vector<16xi32>], vector<16xf32>,
      %parallel_loop3A_322 = arith.mulf %parallel_loop3A_320, %parallel_loop3A_321 : vector<16xf32>
      %parallel_loop3A_323 = tpu.vector_load_idx %arg5[%add3A_97, %parallel_loop3A_169] : memref<32x128xf32, #tpu.memory_space<vmem>>[vector<16xi32>, vector<16xi32>], vector<16xf32>,
      %parallel_loop3A_324 = tpu.vector_load_idx %arg6[%add3A_97, %parallel_loop3A_175] : memref<32x192xf32, #tpu.memory_space<vmem>>[vector<16xi32>, vector<16xi32>], vector<16xf32>,
      %parallel_loop3A_325 = arith.mulf %parallel_loop3A_323, %parallel_loop3A_324 : vector<16xf32>
      %parallel_loop3A_326 = tpu.vector_load_idx %arg5[%add3A_97, %parallel_loop3A_182] : memref<32x128xf32, #tpu.memory_space<vmem>>[vector<16xi32>, vector<16xi32>], vector<16xf32>,
      %parallel_loop3A_327 = tpu.vector_load_idx %arg6[%add3A_97, %parallel_loop3A_188] : memref<32x192xf32, #tpu.memory_space<vmem>>[vector<16xi32>, vector<16xi32>], vector<16xf32>,
      %parallel_loop3A_328 = arith.mulf %parallel_loop3A_326, %parallel_loop3A_327 : vector<16xf32>
      %parallel_loop3A_329 = arith.addf %parallel_loop3A_322, %parallel_loop3A_325 : vector<16xf32>
      %parallel_loop3A_330 = arith.addf %parallel_loop3A_329, %parallel_loop3A_328 : vector<16xf32>
      %parallel_loop3A_331 = arith.constant 0.577350259 : f32
      %parallel_loop3A_332 = vector.broadcast %parallel_loop3A_331 : f32 to vector<16xf32>
      %parallel_loop3A_333 = arith.mulf %parallel_loop3A_330, %parallel_loop3A_332 : vector<16xf32>
      %parallel_loop3A_334 = arith.constant 17 : i32
      %parallel_loop3A_335 = arith.muli %parallel_loop3A_334, %parallel_loop3A_106 : i32
      %parallel_loop3A_336 = arith.constant 8160 : i32
      %parallel_loop3A_337 = arith.addi %parallel_loop3A_336, %parallel_loop3A_335 : i32
      %parallel_loop3A_338 = arith.index_cast %parallel_loop3A_337 : i32 to index
      %parallel_loop3A_339 = tpu.vector_load %arg8[%parallel_loop3A_338] {strides = array<i32>} : memref<13056xf32, #tpu.memory_space<vmem>>, vector<16xf32>,
      tpu.vector_store %arg8[%parallel_loop3A_338], %parallel_loop3A_333 {strides = array<i32>} : memref<13056xf32, #tpu.memory_space<vmem>>, vector<16xf32>,
      %parallel_loop3A_340 = arith.mulf %parallel_loop3A_323, %parallel_loop3A_327 : vector<16xf32>
      %parallel_loop3A_341 = arith.mulf %parallel_loop3A_326, %parallel_loop3A_324 : vector<16xf32>
      %parallel_loop3A_342 = arith.subf %parallel_loop3A_340, %parallel_loop3A_341 : vector<16xf32>
      %parallel_loop3A_343 = arith.constant 0.707106769 : f32
      %parallel_loop3A_344 = vector.broadcast %parallel_loop3A_343 : f32 to vector<16xf32>
      %parallel_loop3A_345 = arith.mulf %parallel_loop3A_342, %parallel_loop3A_344 : vector<16xf32>
      %parallel_loop3A_346 = arith.constant 51 : i32
      %parallel_loop3A_347 = arith.muli %parallel_loop3A_346, %parallel_loop3A_106 : i32
      %parallel_loop3A_348 = arith.constant 8704 : i32
      %parallel_loop3A_349 = arith.addi %parallel_loop3A_348, %parallel_loop3A_347 : i32
      %parallel_loop3A_350 = arith.index_cast %parallel_loop3A_349 : i32 to index
      %parallel_loop3A_351 = tpu.vector_load %arg8[%parallel_loop3A_350] {strides = array<i32>} : memref<13056xf32, #tpu.memory_space<vmem>>, vector<16xf32>,
      tpu.vector_store %arg8[%parallel_loop3A_350], %parallel_loop3A_345 {strides = array<i32>} : memref<13056xf32, #tpu.memory_space<vmem>>, vector<16xf32>,
      %parallel_loop3A_352 = arith.mulf %parallel_loop3A_320, %parallel_loop3A_327 : vector<16xf32>
      %parallel_loop3A_353 = arith.mulf %parallel_loop3A_326, %parallel_loop3A_321 : vector<16xf32>
      %parallel_loop3A_354 = arith.subf %parallel_loop3A_353, %parallel_loop3A_352 : vector<16xf32>
      %parallel_loop3A_355 = arith.constant 0.707106769 : f32
      %parallel_loop3A_356 = vector.broadcast %parallel_loop3A_355 : f32 to vector<16xf32>
      %parallel_loop3A_357 = arith.mulf %parallel_loop3A_354, %parallel_loop3A_356 : vector<16xf32>
      %parallel_loop3A_358 = arith.constant 51 : i32
      %parallel_loop3A_359 = arith.muli %parallel_loop3A_358, %parallel_loop3A_106 : i32
      %parallel_loop3A_360 = arith.constant 8721 : i32
      %parallel_loop3A_361 = arith.addi %parallel_loop3A_360, %parallel_loop3A_359 : i32
      %parallel_loop3A_362 = arith.index_cast %parallel_loop3A_361 : i32 to index
      %parallel_loop3A_363 = tpu.vector_load %arg8[%parallel_loop3A_362] {strides = array<i32>} : memref<13056xf32, #tpu.memory_space<vmem>>, vector<16xf32>,
      tpu.vector_store %arg8[%parallel_loop3A_362], %parallel_loop3A_357 {strides = array<i32>} : memref<13056xf32, #tpu.memory_space<vmem>>, vector<16xf32>,
      %parallel_loop3A_364 = arith.mulf %parallel_loop3A_320, %parallel_loop3A_324 : vector<16xf32>
      %parallel_loop3A_365 = arith.mulf %parallel_loop3A_323, %parallel_loop3A_321 : vector<16xf32>
      %parallel_loop3A_366 = arith.subf %parallel_loop3A_364, %parallel_loop3A_365 : vector<16xf32>
      %parallel_loop3A_367 = arith.constant 0.707106769 : f32
      %parallel_loop3A_368 = vector.broadcast %parallel_loop3A_367 : f32 to vector<16xf32>
      %parallel_loop3A_369 = arith.mulf %parallel_loop3A_366, %parallel_loop3A_368 : vector<16xf32>
      %parallel_loop3A_370 = arith.constant 51 : i32
      %parallel_loop3A_371 = arith.muli %parallel_loop3A_370, %parallel_loop3A_106 : i32
      %parallel_loop3A_372 = arith.constant 8738 : i32
      %parallel_loop3A_373 = arith.addi %parallel_loop3A_372, %parallel_loop3A_371 : i32
      %parallel_loop3A_374 = arith.index_cast %parallel_loop3A_373 : i32 to index
      %parallel_loop3A_375 = tpu.vector_load %arg8[%parallel_loop3A_374] {strides = array<i32>} : memref<13056xf32, #tpu.memory_space<vmem>>, vector<16xf32>,
      tpu.vector_store %arg8[%parallel_loop3A_374], %parallel_loop3A_369 {strides = array<i32>} : memref<13056xf32, #tpu.memory_space<vmem>>, vector<16xf32>,
      %parallel_loop3A_376 = arith.addf %parallel_loop3A_352, %parallel_loop3A_353 : vector<16xf32>
      %parallel_loop3A_377 = arith.constant 0.707106769 : f32
      %parallel_loop3A_378 = vector.broadcast %parallel_loop3A_377 : f32 to vector<16xf32>
      %parallel_loop3A_379 = arith.mulf %parallel_loop3A_376, %parallel_loop3A_378 : vector<16xf32>
      %parallel_loop3A_380 = arith.constant 85 : i32
      %parallel_loop3A_381 = arith.muli %parallel_loop3A_380, %parallel_loop3A_106 : i32
      %parallel_loop3A_382 = arith.constant 10336 : i32
      %parallel_loop3A_383 = arith.addi %parallel_loop3A_382, %parallel_loop3A_381 : i32
      %parallel_loop3A_384 = arith.index_cast %parallel_loop3A_383 : i32 to index
      %parallel_loop3A_385 = tpu.vector_load %arg8[%parallel_loop3A_384] {strides = array<i32>} : memref<13056xf32, #tpu.memory_space<vmem>>, vector<16xf32>,
      tpu.vector_store %arg8[%parallel_loop3A_384], %parallel_loop3A_379 {strides = array<i32>} : memref<13056xf32, #tpu.memory_space<vmem>>, vector<16xf32>,
      %parallel_loop3A_386 = arith.addf %parallel_loop3A_364, %parallel_loop3A_365 : vector<16xf32>
      %parallel_loop3A_387 = arith.constant 0.707106769 : f32
      %parallel_loop3A_388 = vector.broadcast %parallel_loop3A_387 : f32 to vector<16xf32>
      %parallel_loop3A_389 = arith.mulf %parallel_loop3A_386, %parallel_loop3A_388 : vector<16xf32>
      %parallel_loop3A_390 = arith.constant 85 : i32
      %parallel_loop3A_391 = arith.muli %parallel_loop3A_390, %parallel_loop3A_106 : i32
      %parallel_loop3A_392 = arith.constant 10353 : i32
      %parallel_loop3A_393 = arith.addi %parallel_loop3A_392, %parallel_loop3A_391 : i32
      %parallel_loop3A_394 = arith.index_cast %parallel_loop3A_393 : i32 to index
      %parallel_loop3A_395 = tpu.vector_load %arg8[%parallel_loop3A_394] {strides = array<i32>} : memref<13056xf32, #tpu.memory_space<vmem>>, vector<16xf32>,
      tpu.vector_store %arg8[%parallel_loop3A_394], %parallel_loop3A_389 {strides = array<i32>} : memref<13056xf32, #tpu.memory_space<vmem>>, vector<16xf32>,
      %parallel_loop3A_396 = arith.constant 0.000000e+00 : f32
      %parallel_loop3A_397 = vector.broadcast %parallel_loop3A_396 : f32 to vector<16xf32>
      %parallel_loop3A_398 = arith.subf %parallel_loop3A_397, %parallel_loop3A_322 : vector<16xf32>
      %parallel_loop3A_399 = arith.subf %parallel_loop3A_398, %parallel_loop3A_328 : vector<16xf32>
      %parallel_loop3A_400 = arith.constant 0.408248305 : f32
      %parallel_loop3A_401 = vector.broadcast %parallel_loop3A_400 : f32 to vector<16xf32>
      %parallel_loop3A_402 = arith.mulf %parallel_loop3A_399, %parallel_loop3A_401 : vector<16xf32>
      %parallel_loop3A_403 = arith.constant 0.816496611 : f32
      %parallel_loop3A_404 = vector.broadcast %parallel_loop3A_403 : f32 to vector<16xf32>
      %parallel_loop3A_405 = arith.mulf %parallel_loop3A_325, %parallel_loop3A_404 : vector<16xf32>
      %parallel_loop3A_406 = arith.addf %parallel_loop3A_402, %parallel_loop3A_405 : vector<16xf32>
      %parallel_loop3A_407 = arith.constant 85 : i32
      %parallel_loop3A_408 = arith.muli %parallel_loop3A_407, %parallel_loop3A_106 : i32
      %parallel_loop3A_409 = arith.constant 10370 : i32
      %parallel_loop3A_410 = arith.addi %parallel_loop3A_409, %parallel_loop3A_408 : i32
      %parallel_loop3A_411 = arith.index_cast %parallel_loop3A_410 : i32 to index
      %parallel_loop3A_412 = tpu.vector_load %arg8[%parallel_loop3A_411] {strides = array<i32>} : memref<13056xf32, #tpu.memory_space<vmem>>, vector<16xf32>,
      tpu.vector_store %arg8[%parallel_loop3A_411], %parallel_loop3A_406 {strides = array<i32>} : memref<13056xf32, #tpu.memory_space<vmem>>, vector<16xf32>,
      %parallel_loop3A_413 = arith.addf %parallel_loop3A_340, %parallel_loop3A_341 : vector<16xf32>
      %parallel_loop3A_414 = arith.constant 0.707106769 : f32
      %parallel_loop3A_415 = vector.broadcast %parallel_loop3A_414 : f32 to vector<16xf32>
      %parallel_loop3A_416 = arith.mulf %parallel_loop3A_413, %parallel_loop3A_415 : vector<16xf32>
      %parallel_loop3A_417 = arith.constant 85 : i32
      %parallel_loop3A_418 = arith.muli %parallel_loop3A_417, %parallel_loop3A_106 : i32
      %parallel_loop3A_419 = arith.constant 10387 : i32
      %parallel_loop3A_420 = arith.addi %parallel_loop3A_419, %parallel_loop3A_418 : i32
      %parallel_loop3A_421 = arith.index_cast %parallel_loop3A_420 : i32 to index
      %parallel_loop3A_422 = tpu.vector_load %arg8[%parallel_loop3A_421] {strides = array<i32>} : memref<13056xf32, #tpu.memory_space<vmem>>, vector<16xf32>,
      tpu.vector_store %arg8[%parallel_loop3A_421], %parallel_loop3A_416 {strides = array<i32>} : memref<13056xf32, #tpu.memory_space<vmem>>, vector<16xf32>,
      %parallel_loop3A_423 = arith.subf %parallel_loop3A_328, %parallel_loop3A_322 : vector<16xf32>
      %parallel_loop3A_424 = arith.constant 0.707106769 : f32
      %parallel_loop3A_425 = vector.broadcast %parallel_loop3A_424 : f32 to vector<16xf32>
      %parallel_loop3A_426 = arith.mulf %parallel_loop3A_423, %parallel_loop3A_425 : vector<16xf32>
      %parallel_loop3A_427 = arith.constant 85 : i32
      %parallel_loop3A_428 = arith.muli %parallel_loop3A_427, %parallel_loop3A_106 : i32
      %parallel_loop3A_429 = arith.constant 10404 : i32
      %parallel_loop3A_430 = arith.addi %parallel_loop3A_429, %parallel_loop3A_428 : i32
      %parallel_loop3A_431 = arith.index_cast %parallel_loop3A_430 : i32 to index
      %parallel_loop3A_432 = tpu.vector_load %arg8[%parallel_loop3A_431] {strides = array<i32>} : memref<13056xf32, #tpu.memory_space<vmem>>, vector<16xf32>,
      tpu.vector_store %arg8[%parallel_loop3A_431], %parallel_loop3A_426 {strides = array<i32>} : memref<13056xf32, #tpu.memory_space<vmem>>, vector<16xf32>,
    } {sc.loop_unroll_factor = 4 : i64, sc.parallel_access}
    %parallel_loop3A_100 = arith.constant 0 : i32
    %parallel_loop3A_101 = arith.constant 16 : i32
    %parallel_loop3A_102 = arith.constant 1 : i32
    scf.for %parallel_loop3A_106 = %parallel_loop3A_100 to %parallel_loop3A_101 step %parallel_loop3A_102  : i32 {
      %parallel_loop3A_107 = arith.constant 0 : i32
      %parallel_loop3A_108 = arith.addi %parallel_loop3A_107, %parallel_loop3A_106 : i32
      %parallel_loop3A_109 = vector.broadcast %parallel_loop3A_108 : i32 to vector<16xi32>
      %parallel_loop3A_110 = arith.addi %mul3A_52, %parallel_loop3A_109 : vector<16xi32>
      %parallel_loop3A_111 = tpu.vector_load_idx %arg8[%parallel_loop3A_110] : memref<13056xf32, #tpu.memory_space<vmem>>[vector<16xi32>], vector<16xf32>,
      %parallel_loop3A_112 = arith.constant 0 : i32
      %parallel_loop3A_113 = arith.addi %parallel_loop3A_106, %parallel_loop3A_112 : i32
      %parallel_loop3A_114 = arith.index_cast %parallel_loop3A_113 : i32 to index
      %parallel_loop3A_115 = arith.constant 0 : index
      %parallel_loop3A_116 = tpu.vector_load %arg7[%parallel_loop3A_114, %parallel_loop3A_115] {strides = array<i32>} : memref<32x384xf32, #tpu.memory_space<vmem>>, vector<16xf32>,
      tpu.vector_store %arg7[%parallel_loop3A_114, %parallel_loop3A_115], %parallel_loop3A_111 {strides = array<i32>} : memref<32x384xf32, #tpu.memory_space<vmem>>, vector<16xf32>,
      %parallel_loop3A_117 = arith.constant 272 : i32
      %parallel_loop3A_118 = arith.addi %parallel_loop3A_117, %parallel_loop3A_106 : i32
      %parallel_loop3A_119 = vector.broadcast %parallel_loop3A_118 : i32 to vector<16xi32>
      %parallel_loop3A_120 = arith.addi %mul3A_52, %parallel_loop3A_119 : vector<16xi32>
      %parallel_loop3A_121 = tpu.vector_load_idx %arg8[%parallel_loop3A_120] : memref<13056xf32, #tpu.memory_space<vmem>>[vector<16xi32>], vector<16xf32>,
      %parallel_loop3A_122 = arith.constant 0 : i32
      %parallel_loop3A_123 = arith.addi %parallel_loop3A_106, %parallel_loop3A_122 : i32
      %parallel_loop3A_124 = arith.index_cast %parallel_loop3A_123 : i32 to index
      %parallel_loop3A_125 = arith.constant 16 : index
      %parallel_loop3A_126 = tpu.vector_load %arg7[%parallel_loop3A_124, %parallel_loop3A_125] {strides = array<i32>} : memref<32x384xf32, #tpu.memory_space<vmem>>, vector<16xf32>,
      tpu.vector_store %arg7[%parallel_loop3A_124, %parallel_loop3A_125], %parallel_loop3A_121 {strides = array<i32>} : memref<32x384xf32, #tpu.memory_space<vmem>>, vector<16xf32>,
      %parallel_loop3A_127 = arith.constant 544 : i32
      %parallel_loop3A_128 = arith.addi %parallel_loop3A_127, %parallel_loop3A_106 : i32
      %parallel_loop3A_129 = vector.broadcast %parallel_loop3A_128 : i32 to vector<16xi32>
      %parallel_loop3A_130 = arith.addi %mul3A_52, %parallel_loop3A_129 : vector<16xi32>
      %parallel_loop3A_131 = tpu.vector_load_idx %arg8[%parallel_loop3A_130] : memref<13056xf32, #tpu.memory_space<vmem>>[vector<16xi32>], vector<16xf32>,
      %parallel_loop3A_132 = arith.constant 0 : i32
      %parallel_loop3A_133 = arith.addi %parallel_loop3A_106, %parallel_loop3A_132 : i32
      %parallel_loop3A_134 = arith.index_cast %parallel_loop3A_133 : i32 to index
      %parallel_loop3A_135 = arith.constant 32 : index
      %parallel_loop3A_136 = tpu.vector_load %arg7[%parallel_loop3A_134, %parallel_loop3A_135] {strides = array<i32>} : memref<32x384xf32, #tpu.memory_space<vmem>>, vector<16xf32>,
      tpu.vector_store %arg7[%parallel_loop3A_134, %parallel_loop3A_135], %parallel_loop3A_131 {strides = array<i32>} : memref<32x384xf32, #tpu.memory_space<vmem>>, vector<16xf32>,
      %parallel_loop3A_137 = arith.constant 816 : i32
      %parallel_loop3A_138 = arith.addi %parallel_loop3A_137, %parallel_loop3A_106 : i32
      %parallel_loop3A_139 = vector.broadcast %parallel_loop3A_138 : i32 to vector<16xi32>
      %parallel_loop3A_140 = arith.addi %mul3A_52, %parallel_loop3A_139 : vector<16xi32>
      %parallel_loop3A_141 = tpu.vector_load_idx %arg8[%parallel_loop3A_140] : memref<13056xf32, #tpu.memory_space<vmem>>[vector<16xi32>], vector<16xf32>,
      %parallel_loop3A_142 = arith.constant 0 : i32
      %parallel_loop3A_143 = arith.addi %parallel_loop3A_106, %parallel_loop3A_142 : i32
      %parallel_loop3A_144 = arith.index_cast %parallel_loop3A_143 : i32 to index
      %parallel_loop3A_145 = arith.constant 48 : index
      %parallel_loop3A_146 = tpu.vector_load %arg7[%parallel_loop3A_144, %parallel_loop3A_145] {strides = array<i32>} : memref<32x384xf32, #tpu.memory_space<vmem>>, vector<16xf32>,
      tpu.vector_store %arg7[%parallel_loop3A_144, %parallel_loop3A_145], %parallel_loop3A_141 {strides = array<i32>} : memref<32x384xf32, #tpu.memory_space<vmem>>, vector<16xf32>,
      %parallel_loop3A_147 = arith.constant 1088 : i32
      %parallel_loop3A_148 = arith.addi %parallel_loop3A_147, %parallel_loop3A_106 : i32
      %parallel_loop3A_149 = vector.broadcast %parallel_loop3A_148 : i32 to vector<16xi32>
      %parallel_loop3A_150 = arith.addi %mul3A_52, %parallel_loop3A_149 : vector<16xi32>
      %parallel_loop3A_151 = tpu.vector_load_idx %arg8[%parallel_loop3A_150] : memref<13056xf32, #tpu.memory_space<vmem>>[vector<16xi32>], vector<16xf32>,
      %parallel_loop3A_152 = arith.constant 0 : i32
      %parallel_loop3A_153 = arith.addi %parallel_loop3A_106, %parallel_loop3A_152 : i32
      %parallel_loop3A_154 = arith.index_cast %parallel_loop3A_153 : i32 to index
      %parallel_loop3A_155 = arith.constant 64 : index
      %parallel_loop3A_156 = tpu.vector_load %arg7[%parallel_loop3A_154, %parallel_loop3A_155] {strides = array<i32>} : memref<32x384xf32, #tpu.memory_space<vmem>>, vector<16xf32>,
      tpu.vector_store %arg7[%parallel_loop3A_154, %parallel_loop3A_155], %parallel_loop3A_151 {strides = array<i32>} : memref<32x384xf32, #tpu.memory_space<vmem>>, vector<16xf32>,
      %parallel_loop3A_157 = arith.constant 1360 : i32
      %parallel_loop3A_158 = arith.addi %parallel_loop3A_157, %parallel_loop3A_106 : i32
      %parallel_loop3A_159 = vector.broadcast %parallel_loop3A_158 : i32 to vector<16xi32>
      %parallel_loop3A_160 = arith.addi %mul3A_52, %parallel_loop3A_159 : vector<16xi32>
      %parallel_loop3A_161 = tpu.vector_load_idx %arg8[%parallel_loop3A_160] : memref<13056xf32, #tpu.memory_space<vmem>>[vector<16xi32>], vector<16xf32>,
      %parallel_loop3A_162 = arith.constant 0 : i32
      %parallel_loop3A_163 = arith.addi %parallel_loop3A_106, %parallel_loop3A_162 : i32
      %parallel_loop3A_164 = arith.index_cast %parallel_loop3A_163 : i32 to index
      %parallel_loop3A_165 = arith.constant 80 : index
      %parallel_loop3A_166 = tpu.vector_load %arg7[%parallel_loop3A_164, %parallel_loop3A_165] {strides = array<i32>} : memref<32x384xf32, #tpu.memory_space<vmem>>, vector<16xf32>,
      tpu.vector_store %arg7[%parallel_loop3A_164, %parallel_loop3A_165], %parallel_loop3A_161 {strides = array<i32>} : memref<32x384xf32, #tpu.memory_space<vmem>>, vector<16xf32>,
      %parallel_loop3A_167 = arith.constant 1632 : i32
      %parallel_loop3A_168 = arith.addi %parallel_loop3A_167, %parallel_loop3A_106 : i32
      %parallel_loop3A_169 = vector.broadcast %parallel_loop3A_168 : i32 to vector<16xi32>
      %parallel_loop3A_170 = arith.addi %mul3A_52, %parallel_loop3A_169 : vector<16xi32>
      %parallel_loop3A_171 = tpu.vector_load_idx %arg8[%parallel_loop3A_170] : memref<13056xf32, #tpu.memory_space<vmem>>[vector<16xi32>], vector<16xf32>,
      %parallel_loop3A_172 = arith.constant 0 : i32
      %parallel_loop3A_173 = arith.addi %parallel_loop3A_106, %parallel_loop3A_172 : i32
      %parallel_loop3A_174 = arith.index_cast %parallel_loop3A_173 : i32 to index
      %parallel_loop3A_175 = arith.constant 96 : index
      %parallel_loop3A_176 = tpu.vector_load %arg7[%parallel_loop3A_174, %parallel_loop3A_175] {strides = array<i32>} : memref<32x384xf32, #tpu.memory_space<vmem>>, vector<16xf32>,
      tpu.vector_store %arg7[%parallel_loop3A_174, %parallel_loop3A_175], %parallel_loop3A_171 {strides = array<i32>} : memref<32x384xf32, #tpu.memory_space<vmem>>, vector<16xf32>,
      %parallel_loop3A_177 = arith.constant 1904 : i32
      %parallel_loop3A_178 = arith.addi %parallel_loop3A_177, %parallel_loop3A_106 : i32
      %parallel_loop3A_179 = vector.broadcast %parallel_loop3A_178 : i32 to vector<16xi32>
      %parallel_loop3A_180 = arith.addi %mul3A_52, %parallel_loop3A_179 : vector<16xi32>
      %parallel_loop3A_181 = tpu.vector_load_idx %arg8[%parallel_loop3A_180] : memref<13056xf32, #tpu.memory_space<vmem>>[vector<16xi32>], vector<16xf32>,
      %parallel_loop3A_182 = arith.constant 0 : i32
      %parallel_loop3A_183 = arith.addi %parallel_loop3A_106, %parallel_loop3A_182 : i32
      %parallel_loop3A_184 = arith.index_cast %parallel_loop3A_183 : i32 to index
      %parallel_loop3A_185 = arith.constant 112 : index
      %parallel_loop3A_186 = tpu.vector_load %arg7[%parallel_loop3A_184, %parallel_loop3A_185] {strides = array<i32>} : memref<32x384xf32, #tpu.memory_space<vmem>>, vector<16xf32>,
      tpu.vector_store %arg7[%parallel_loop3A_184, %parallel_loop3A_185], %parallel_loop3A_181 {strides = array<i32>} : memref<32x384xf32, #tpu.memory_space<vmem>>, vector<16xf32>,
      %parallel_loop3A_187 = arith.constant 2176 : i32
      %parallel_loop3A_188 = arith.addi %parallel_loop3A_187, %parallel_loop3A_106 : i32
      %parallel_loop3A_189 = vector.broadcast %parallel_loop3A_188 : i32 to vector<16xi32>
      %parallel_loop3A_190 = arith.addi %mul3A_52, %parallel_loop3A_189 : vector<16xi32>
      %parallel_loop3A_191 = tpu.vector_load_idx %arg8[%parallel_loop3A_190] : memref<13056xf32, #tpu.memory_space<vmem>>[vector<16xi32>], vector<16xf32>,
      %parallel_loop3A_192 = arith.constant 0 : i32
      %parallel_loop3A_193 = arith.addi %parallel_loop3A_106, %parallel_loop3A_192 : i32
      %parallel_loop3A_194 = arith.index_cast %parallel_loop3A_193 : i32 to index
      %parallel_loop3A_195 = arith.constant 128 : index
      %parallel_loop3A_196 = tpu.vector_load %arg7[%parallel_loop3A_194, %parallel_loop3A_195] {strides = array<i32>} : memref<32x384xf32, #tpu.memory_space<vmem>>, vector<16xf32>,
      tpu.vector_store %arg7[%parallel_loop3A_194, %parallel_loop3A_195], %parallel_loop3A_191 {strides = array<i32>} : memref<32x384xf32, #tpu.memory_space<vmem>>, vector<16xf32>,
      %parallel_loop3A_197 = arith.constant 2448 : i32
      %parallel_loop3A_198 = arith.addi %parallel_loop3A_197, %parallel_loop3A_106 : i32
      %parallel_loop3A_199 = vector.broadcast %parallel_loop3A_198 : i32 to vector<16xi32>
      %parallel_loop3A_200 = arith.addi %mul3A_52, %parallel_loop3A_199 : vector<16xi32>
      %parallel_loop3A_201 = tpu.vector_load_idx %arg8[%parallel_loop3A_200] : memref<13056xf32, #tpu.memory_space<vmem>>[vector<16xi32>], vector<16xf32>,
      %parallel_loop3A_202 = arith.constant 0 : i32
      %parallel_loop3A_203 = arith.addi %parallel_loop3A_106, %parallel_loop3A_202 : i32
      %parallel_loop3A_204 = arith.index_cast %parallel_loop3A_203 : i32 to index
      %parallel_loop3A_205 = arith.constant 144 : index
      %parallel_loop3A_206 = tpu.vector_load %arg7[%parallel_loop3A_204, %parallel_loop3A_205] {strides = array<i32>} : memref<32x384xf32, #tpu.memory_space<vmem>>, vector<16xf32>,
      tpu.vector_store %arg7[%parallel_loop3A_204, %parallel_loop3A_205], %parallel_loop3A_201 {strides = array<i32>} : memref<32x384xf32, #tpu.memory_space<vmem>>, vector<16xf32>,
      %parallel_loop3A_207 = arith.constant 2720 : i32
      %parallel_loop3A_208 = arith.addi %parallel_loop3A_207, %parallel_loop3A_106 : i32
      %parallel_loop3A_209 = vector.broadcast %parallel_loop3A_208 : i32 to vector<16xi32>
      %parallel_loop3A_210 = arith.addi %mul3A_52, %parallel_loop3A_209 : vector<16xi32>
      %parallel_loop3A_211 = tpu.vector_load_idx %arg8[%parallel_loop3A_210] : memref<13056xf32, #tpu.memory_space<vmem>>[vector<16xi32>], vector<16xf32>,
      %parallel_loop3A_212 = arith.constant 0 : i32
      %parallel_loop3A_213 = arith.addi %parallel_loop3A_106, %parallel_loop3A_212 : i32
      %parallel_loop3A_214 = arith.index_cast %parallel_loop3A_213 : i32 to index
      %parallel_loop3A_215 = arith.constant 160 : index
      %parallel_loop3A_216 = tpu.vector_load %arg7[%parallel_loop3A_214, %parallel_loop3A_215] {strides = array<i32>} : memref<32x384xf32, #tpu.memory_space<vmem>>, vector<16xf32>,
      tpu.vector_store %arg7[%parallel_loop3A_214, %parallel_loop3A_215], %parallel_loop3A_211 {strides = array<i32>} : memref<32x384xf32, #tpu.memory_space<vmem>>, vector<16xf32>,
      %parallel_loop3A_217 = arith.constant 2992 : i32
      %parallel_loop3A_218 = arith.addi %parallel_loop3A_217, %parallel_loop3A_106 : i32
      %parallel_loop3A_219 = vector.broadcast %parallel_loop3A_218 : i32 to vector<16xi32>
      %parallel_loop3A_220 = arith.addi %mul3A_52, %parallel_loop3A_219 : vector<16xi32>
      %parallel_loop3A_221 = tpu.vector_load_idx %arg8[%parallel_loop3A_220] : memref<13056xf32, #tpu.memory_space<vmem>>[vector<16xi32>], vector<16xf32>,
      %parallel_loop3A_222 = arith.constant 0 : i32
      %parallel_loop3A_223 = arith.addi %parallel_loop3A_106, %parallel_loop3A_222 : i32
      %parallel_loop3A_224 = arith.index_cast %parallel_loop3A_223 : i32 to index
      %parallel_loop3A_225 = arith.constant 176 : index
      %parallel_loop3A_226 = tpu.vector_load %arg7[%parallel_loop3A_224, %parallel_loop3A_225] {strides = array<i32>} : memref<32x384xf32, #tpu.memory_space<vmem>>, vector<16xf32>,
      tpu.vector_store %arg7[%parallel_loop3A_224, %parallel_loop3A_225], %parallel_loop3A_221 {strides = array<i32>} : memref<32x384xf32, #tpu.memory_space<vmem>>, vector<16xf32>,
      %parallel_loop3A_227 = arith.constant 3264 : i32
      %parallel_loop3A_228 = arith.addi %parallel_loop3A_227, %parallel_loop3A_106 : i32
      %parallel_loop3A_229 = vector.broadcast %parallel_loop3A_228 : i32 to vector<16xi32>
      %parallel_loop3A_230 = arith.addi %mul3A_52, %parallel_loop3A_229 : vector<16xi32>
      %parallel_loop3A_231 = tpu.vector_load_idx %arg8[%parallel_loop3A_230] : memref<13056xf32, #tpu.memory_space<vmem>>[vector<16xi32>], vector<16xf32>,
      %parallel_loop3A_232 = arith.constant 0 : i32
      %parallel_loop3A_233 = arith.addi %parallel_loop3A_106, %parallel_loop3A_232 : i32
      %parallel_loop3A_234 = arith.index_cast %parallel_loop3A_233 : i32 to index
      %parallel_loop3A_235 = arith.constant 192 : index
      %parallel_loop3A_236 = tpu.vector_load %arg7[%parallel_loop3A_234, %parallel_loop3A_235] {strides = array<i32>} : memref<32x384xf32, #tpu.memory_space<vmem>>, vector<16xf32>,
      tpu.vector_store %arg7[%parallel_loop3A_234, %parallel_loop3A_235], %parallel_loop3A_231 {strides = array<i32>} : memref<32x384xf32, #tpu.memory_space<vmem>>, vector<16xf32>,
      %parallel_loop3A_237 = arith.constant 3536 : i32
      %parallel_loop3A_238 = arith.addi %parallel_loop3A_237, %parallel_loop3A_106 : i32
      %parallel_loop3A_239 = vector.broadcast %parallel_loop3A_238 : i32 to vector<16xi32>
      %parallel_loop3A_240 = arith.addi %mul3A_52, %parallel_loop3A_239 : vector<16xi32>
      %parallel_loop3A_241 = tpu.vector_load_idx %arg8[%parallel_loop3A_240] : memref<13056xf32, #tpu.memory_space<vmem>>[vector<16xi32>], vector<16xf32>,
      %parallel_loop3A_242 = arith.constant 0 : i32
      %parallel_loop3A_243 = arith.addi %parallel_loop3A_106, %parallel_loop3A_242 : i32
      %parallel_loop3A_244 = arith.index_cast %parallel_loop3A_243 : i32 to index
      %parallel_loop3A_245 = arith.constant 208 : index
      %parallel_loop3A_246 = tpu.vector_load %arg7[%parallel_loop3A_244, %parallel_loop3A_245] {strides = array<i32>} : memref<32x384xf32, #tpu.memory_space<vmem>>, vector<16xf32>,
      tpu.vector_store %arg7[%parallel_loop3A_244, %parallel_loop3A_245], %parallel_loop3A_241 {strides = array<i32>} : memref<32x384xf32, #tpu.memory_space<vmem>>, vector<16xf32>,
      %parallel_loop3A_247 = arith.constant 3808 : i32
      %parallel_loop3A_248 = arith.addi %parallel_loop3A_247, %parallel_loop3A_106 : i32
      %parallel_loop3A_249 = vector.broadcast %parallel_loop3A_248 : i32 to vector<16xi32>
      %parallel_loop3A_250 = arith.addi %mul3A_52, %parallel_loop3A_249 : vector<16xi32>
      %parallel_loop3A_251 = tpu.vector_load_idx %arg8[%parallel_loop3A_250] : memref<13056xf32, #tpu.memory_space<vmem>>[vector<16xi32>], vector<16xf32>,
      %parallel_loop3A_252 = arith.constant 0 : i32
      %parallel_loop3A_253 = arith.addi %parallel_loop3A_106, %parallel_loop3A_252 : i32
      %parallel_loop3A_254 = arith.index_cast %parallel_loop3A_253 : i32 to index
      %parallel_loop3A_255 = arith.constant 224 : index
      %parallel_loop3A_256 = tpu.vector_load %arg7[%parallel_loop3A_254, %parallel_loop3A_255] {strides = array<i32>} : memref<32x384xf32, #tpu.memory_space<vmem>>, vector<16xf32>,
      tpu.vector_store %arg7[%parallel_loop3A_254, %parallel_loop3A_255], %parallel_loop3A_251 {strides = array<i32>} : memref<32x384xf32, #tpu.memory_space<vmem>>, vector<16xf32>,
      %parallel_loop3A_257 = arith.constant 4080 : i32
      %parallel_loop3A_258 = arith.addi %parallel_loop3A_257, %parallel_loop3A_106 : i32
      %parallel_loop3A_259 = vector.broadcast %parallel_loop3A_258 : i32 to vector<16xi32>
      %parallel_loop3A_260 = arith.addi %mul3A_52, %parallel_loop3A_259 : vector<16xi32>
      %parallel_loop3A_261 = tpu.vector_load_idx %arg8[%parallel_loop3A_260] : memref<13056xf32, #tpu.memory_space<vmem>>[vector<16xi32>], vector<16xf32>,
      %parallel_loop3A_262 = arith.constant 0 : i32
      %parallel_loop3A_263 = arith.addi %parallel_loop3A_106, %parallel_loop3A_262 : i32
      %parallel_loop3A_264 = arith.index_cast %parallel_loop3A_263 : i32 to index
      %parallel_loop3A_265 = arith.constant 240 : index
      %parallel_loop3A_266 = tpu.vector_load %arg7[%parallel_loop3A_264, %parallel_loop3A_265] {strides = array<i32>} : memref<32x384xf32, #tpu.memory_space<vmem>>, vector<16xf32>,
      tpu.vector_store %arg7[%parallel_loop3A_264, %parallel_loop3A_265], %parallel_loop3A_261 {strides = array<i32>} : memref<32x384xf32, #tpu.memory_space<vmem>>, vector<16xf32>,
      %parallel_loop3A_267 = arith.constant 4352 : i32
      %parallel_loop3A_268 = arith.addi %parallel_loop3A_267, %parallel_loop3A_106 : i32
      %parallel_loop3A_269 = vector.broadcast %parallel_loop3A_268 : i32 to vector<16xi32>
      %parallel_loop3A_270 = arith.addi %mul3A_52, %parallel_loop3A_269 : vector<16xi32>
      %parallel_loop3A_271 = tpu.vector_load_idx %arg8[%parallel_loop3A_270] : memref<13056xf32, #tpu.memory_space<vmem>>[vector<16xi32>], vector<16xf32>,
      %parallel_loop3A_272 = arith.constant 0 : i32
      %parallel_loop3A_273 = arith.addi %parallel_loop3A_106, %parallel_loop3A_272 : i32
      %parallel_loop3A_274 = arith.index_cast %parallel_loop3A_273 : i32 to index
      %parallel_loop3A_275 = arith.constant 256 : index
      %parallel_loop3A_276 = tpu.vector_load %arg7[%parallel_loop3A_274, %parallel_loop3A_275] {strides = array<i32>} : memref<32x384xf32, #tpu.memory_space<vmem>>, vector<16xf32>,
      tpu.vector_store %arg7[%parallel_loop3A_274, %parallel_loop3A_275], %parallel_loop3A_271 {strides = array<i32>} : memref<32x384xf32, #tpu.memory_space<vmem>>, vector<16xf32>,
      %parallel_loop3A_277 = arith.constant 4624 : i32
      %parallel_loop3A_278 = arith.addi %parallel_loop3A_277, %parallel_loop3A_106 : i32
      %parallel_loop3A_279 = vector.broadcast %parallel_loop3A_278 : i32 to vector<16xi32>
      %parallel_loop3A_280 = arith.addi %mul3A_52, %parallel_loop3A_279 : vector<16xi32>
      %parallel_loop3A_281 = tpu.vector_load_idx %arg8[%parallel_loop3A_280] : memref<13056xf32, #tpu.memory_space<vmem>>[vector<16xi32>], vector<16xf32>,
      %parallel_loop3A_282 = arith.constant 0 : i32
      %parallel_loop3A_283 = arith.addi %parallel_loop3A_106, %parallel_loop3A_282 : i32
      %parallel_loop3A_284 = arith.index_cast %parallel_loop3A_283 : i32 to index
      %parallel_loop3A_285 = arith.constant 272 : index
      %parallel_loop3A_286 = tpu.vector_load %arg7[%parallel_loop3A_284, %parallel_loop3A_285] {strides = array<i32>} : memref<32x384xf32, #tpu.memory_space<vmem>>, vector<16xf32>,
      tpu.vector_store %arg7[%parallel_loop3A_284, %parallel_loop3A_285], %parallel_loop3A_281 {strides = array<i32>} : memref<32x384xf32, #tpu.memory_space<vmem>>, vector<16xf32>,
      %parallel_loop3A_287 = arith.constant 4896 : i32
      %parallel_loop3A_288 = arith.addi %parallel_loop3A_287, %parallel_loop3A_106 : i32
      %parallel_loop3A_289 = vector.broadcast %parallel_loop3A_288 : i32 to vector<16xi32>
      %parallel_loop3A_290 = arith.addi %mul3A_52, %parallel_loop3A_289 : vector<16xi32>
      %parallel_loop3A_291 = tpu.vector_load_idx %arg8[%parallel_loop3A_290] : memref<13056xf32, #tpu.memory_space<vmem>>[vector<16xi32>], vector<16xf32>,
      %parallel_loop3A_292 = arith.constant 0 : i32
      %parallel_loop3A_293 = arith.addi %parallel_loop3A_106, %parallel_loop3A_292 : i32
      %parallel_loop3A_294 = arith.index_cast %parallel_loop3A_293 : i32 to index
      %parallel_loop3A_295 = arith.constant 288 : index
      %parallel_loop3A_296 = tpu.vector_load %arg7[%parallel_loop3A_294, %parallel_loop3A_295] {strides = array<i32>} : memref<32x384xf32, #tpu.memory_space<vmem>>, vector<16xf32>,
      tpu.vector_store %arg7[%parallel_loop3A_294, %parallel_loop3A_295], %parallel_loop3A_291 {strides = array<i32>} : memref<32x384xf32, #tpu.memory_space<vmem>>, vector<16xf32>,
      %parallel_loop3A_297 = arith.constant 5168 : i32
      %parallel_loop3A_298 = arith.addi %parallel_loop3A_297, %parallel_loop3A_106 : i32
      %parallel_loop3A_299 = vector.broadcast %parallel_loop3A_298 : i32 to vector<16xi32>
      %parallel_loop3A_300 = arith.addi %mul3A_52, %parallel_loop3A_299 : vector<16xi32>
      %parallel_loop3A_301 = tpu.vector_load_idx %arg8[%parallel_loop3A_300] : memref<13056xf32, #tpu.memory_space<vmem>>[vector<16xi32>], vector<16xf32>,
      %parallel_loop3A_302 = arith.constant 0 : i32
      %parallel_loop3A_303 = arith.addi %parallel_loop3A_106, %parallel_loop3A_302 : i32
      %parallel_loop3A_304 = arith.index_cast %parallel_loop3A_303 : i32 to index
      %parallel_loop3A_305 = arith.constant 304 : index
      %parallel_loop3A_306 = tpu.vector_load %arg7[%parallel_loop3A_304, %parallel_loop3A_305] {strides = array<i32>} : memref<32x384xf32, #tpu.memory_space<vmem>>, vector<16xf32>,
      tpu.vector_store %arg7[%parallel_loop3A_304, %parallel_loop3A_305], %parallel_loop3A_301 {strides = array<i32>} : memref<32x384xf32, #tpu.memory_space<vmem>>, vector<16xf32>,
      %parallel_loop3A_307 = arith.constant 5440 : i32
      %parallel_loop3A_308 = arith.addi %parallel_loop3A_307, %parallel_loop3A_106 : i32
      %parallel_loop3A_309 = vector.broadcast %parallel_loop3A_308 : i32 to vector<16xi32>
      %parallel_loop3A_310 = arith.addi %mul3A_52, %parallel_loop3A_309 : vector<16xi32>
      %parallel_loop3A_311 = tpu.vector_load_idx %arg8[%parallel_loop3A_310] : memref<13056xf32, #tpu.memory_space<vmem>>[vector<16xi32>], vector<16xf32>,
      %parallel_loop3A_312 = arith.constant 0 : i32
      %parallel_loop3A_313 = arith.addi %parallel_loop3A_106, %parallel_loop3A_312 : i32
      %parallel_loop3A_314 = arith.index_cast %parallel_loop3A_313 : i32 to index
      %parallel_loop3A_315 = arith.constant 320 : index
      %parallel_loop3A_316 = tpu.vector_load %arg7[%parallel_loop3A_314, %parallel_loop3A_315] {strides = array<i32>} : memref<32x384xf32, #tpu.memory_space<vmem>>, vector<16xf32>,
      tpu.vector_store %arg7[%parallel_loop3A_314, %parallel_loop3A_315], %parallel_loop3A_311 {strides = array<i32>} : memref<32x384xf32, #tpu.memory_space<vmem>>, vector<16xf32>,
      %parallel_loop3A_317 = arith.constant 5712 : i32
      %parallel_loop3A_318 = arith.addi %parallel_loop3A_317, %parallel_loop3A_106 : i32
      %parallel_loop3A_319 = vector.broadcast %parallel_loop3A_318 : i32 to vector<16xi32>
      %parallel_loop3A_320 = arith.addi %mul3A_52, %parallel_loop3A_319 : vector<16xi32>
      %parallel_loop3A_321 = tpu.vector_load_idx %arg8[%parallel_loop3A_320] : memref<13056xf32, #tpu.memory_space<vmem>>[vector<16xi32>], vector<16xf32>,
      %parallel_loop3A_322 = arith.constant 0 : i32
      %parallel_loop3A_323 = arith.addi %parallel_loop3A_106, %parallel_loop3A_322 : i32
      %parallel_loop3A_324 = arith.index_cast %parallel_loop3A_323 : i32 to index
      %parallel_loop3A_325 = arith.constant 336 : index
      %parallel_loop3A_326 = tpu.vector_load %arg7[%parallel_loop3A_324, %parallel_loop3A_325] {strides = array<i32>} : memref<32x384xf32, #tpu.memory_space<vmem>>, vector<16xf32>,
      tpu.vector_store %arg7[%parallel_loop3A_324, %parallel_loop3A_325], %parallel_loop3A_321 {strides = array<i32>} : memref<32x384xf32, #tpu.memory_space<vmem>>, vector<16xf32>,
      %parallel_loop3A_327 = arith.constant 5984 : i32
      %parallel_loop3A_328 = arith.addi %parallel_loop3A_327, %parallel_loop3A_106 : i32
      %parallel_loop3A_329 = vector.broadcast %parallel_loop3A_328 : i32 to vector<16xi32>
      %parallel_loop3A_330 = arith.addi %mul3A_52, %parallel_loop3A_329 : vector<16xi32>
      %parallel_loop3A_331 = tpu.vector_load_idx %arg8[%parallel_loop3A_330] : memref<13056xf32, #tpu.memory_space<vmem>>[vector<16xi32>], vector<16xf32>,
      %parallel_loop3A_332 = arith.constant 0 : i32
      %parallel_loop3A_333 = arith.addi %parallel_loop3A_106, %parallel_loop3A_332 : i32
      %parallel_loop3A_334 = arith.index_cast %parallel_loop3A_333 : i32 to index
      %parallel_loop3A_335 = arith.constant 352 : index
      %parallel_loop3A_336 = tpu.vector_load %arg7[%parallel_loop3A_334, %parallel_loop3A_335] {strides = array<i32>} : memref<32x384xf32, #tpu.memory_space<vmem>>, vector<16xf32>,
      tpu.vector_store %arg7[%parallel_loop3A_334, %parallel_loop3A_335], %parallel_loop3A_331 {strides = array<i32>} : memref<32x384xf32, #tpu.memory_space<vmem>>, vector<16xf32>,
      %parallel_loop3A_337 = arith.constant 6256 : i32
      %parallel_loop3A_338 = arith.addi %parallel_loop3A_337, %parallel_loop3A_106 : i32
      %parallel_loop3A_339 = vector.broadcast %parallel_loop3A_338 : i32 to vector<16xi32>
      %parallel_loop3A_340 = arith.addi %mul3A_52, %parallel_loop3A_339 : vector<16xi32>
      %parallel_loop3A_341 = tpu.vector_load_idx %arg8[%parallel_loop3A_340] : memref<13056xf32, #tpu.memory_space<vmem>>[vector<16xi32>], vector<16xf32>,
      %parallel_loop3A_342 = arith.constant 0 : i32
      %parallel_loop3A_343 = arith.addi %parallel_loop3A_106, %parallel_loop3A_342 : i32
      %parallel_loop3A_344 = arith.index_cast %parallel_loop3A_343 : i32 to index
      %parallel_loop3A_345 = arith.constant 368 : index
      %parallel_loop3A_346 = tpu.vector_load %arg7[%parallel_loop3A_344, %parallel_loop3A_345] {strides = array<i32>} : memref<32x384xf32, #tpu.memory_space<vmem>>, vector<16xf32>,
      tpu.vector_store %arg7[%parallel_loop3A_344, %parallel_loop3A_345], %parallel_loop3A_341 {strides = array<i32>} : memref<32x384xf32, #tpu.memory_space<vmem>>, vector<16xf32>,
    } {sc.loop_unroll_factor = 4 : i64, sc.parallel_access}
    %parallel_loop3A_103 = arith.constant 0 : i32
    %parallel_loop3A_104 = arith.constant 16 : i32
    %parallel_loop3A_105 = arith.constant 1 : i32
    scf.for %parallel_loop3A_106 = %parallel_loop3A_103 to %parallel_loop3A_104 step %parallel_loop3A_105  : i32 {
      %parallel_loop3A_107 = arith.constant 6528 : i32
      %parallel_loop3A_108 = arith.addi %parallel_loop3A_107, %parallel_loop3A_106 : i32
      %parallel_loop3A_109 = vector.broadcast %parallel_loop3A_108 : i32 to vector<16xi32>
      %parallel_loop3A_110 = arith.addi %mul3A_52, %parallel_loop3A_109 : vector<16xi32>
      %parallel_loop3A_111 = tpu.vector_load_idx %arg8[%parallel_loop3A_110] : memref<13056xf32, #tpu.memory_space<vmem>>[vector<16xi32>], vector<16xf32>,
      %parallel_loop3A_112 = arith.constant 16 : i32
      %parallel_loop3A_113 = arith.addi %parallel_loop3A_106, %parallel_loop3A_112 : i32
      %parallel_loop3A_114 = arith.index_cast %parallel_loop3A_113 : i32 to index
      %parallel_loop3A_115 = arith.constant 0 : index
      %parallel_loop3A_116 = tpu.vector_load %arg7[%parallel_loop3A_114, %parallel_loop3A_115] {strides = array<i32>} : memref<32x384xf32, #tpu.memory_space<vmem>>, vector<16xf32>,
      tpu.vector_store %arg7[%parallel_loop3A_114, %parallel_loop3A_115], %parallel_loop3A_111 {strides = array<i32>} : memref<32x384xf32, #tpu.memory_space<vmem>>, vector<16xf32>,
      %parallel_loop3A_117 = arith.constant 6800 : i32
      %parallel_loop3A_118 = arith.addi %parallel_loop3A_117, %parallel_loop3A_106 : i32
      %parallel_loop3A_119 = vector.broadcast %parallel_loop3A_118 : i32 to vector<16xi32>
      %parallel_loop3A_120 = arith.addi %mul3A_52, %parallel_loop3A_119 : vector<16xi32>
      %parallel_loop3A_121 = tpu.vector_load_idx %arg8[%parallel_loop3A_120] : memref<13056xf32, #tpu.memory_space<vmem>>[vector<16xi32>], vector<16xf32>,
      %parallel_loop3A_122 = arith.constant 16 : i32
      %parallel_loop3A_123 = arith.addi %parallel_loop3A_106, %parallel_loop3A_122 : i32
      %parallel_loop3A_124 = arith.index_cast %parallel_loop3A_123 : i32 to index
      %parallel_loop3A_125 = arith.constant 16 : index
      %parallel_loop3A_126 = tpu.vector_load %arg7[%parallel_loop3A_124, %parallel_loop3A_125] {strides = array<i32>} : memref<32x384xf32, #tpu.memory_space<vmem>>, vector<16xf32>,
      tpu.vector_store %arg7[%parallel_loop3A_124, %parallel_loop3A_125], %parallel_loop3A_121 {strides = array<i32>} : memref<32x384xf32, #tpu.memory_space<vmem>>, vector<16xf32>,
      %parallel_loop3A_127 = arith.constant 7072 : i32
      %parallel_loop3A_128 = arith.addi %parallel_loop3A_127, %parallel_loop3A_106 : i32
      %parallel_loop3A_129 = vector.broadcast %parallel_loop3A_128 : i32 to vector<16xi32>
      %parallel_loop3A_130 = arith.addi %mul3A_52, %parallel_loop3A_129 : vector<16xi32>
      %parallel_loop3A_131 = tpu.vector_load_idx %arg8[%parallel_loop3A_130] : memref<13056xf32, #tpu.memory_space<vmem>>[vector<16xi32>], vector<16xf32>,
      %parallel_loop3A_132 = arith.constant 16 : i32
      %parallel_loop3A_133 = arith.addi %parallel_loop3A_106, %parallel_loop3A_132 : i32
      %parallel_loop3A_134 = arith.index_cast %parallel_loop3A_133 : i32 to index
      %parallel_loop3A_135 = arith.constant 32 : index
      %parallel_loop3A_136 = tpu.vector_load %arg7[%parallel_loop3A_134, %parallel_loop3A_135] {strides = array<i32>} : memref<32x384xf32, #tpu.memory_space<vmem>>, vector<16xf32>,
      tpu.vector_store %arg7[%parallel_loop3A_134, %parallel_loop3A_135], %parallel_loop3A_131 {strides = array<i32>} : memref<32x384xf32, #tpu.memory_space<vmem>>, vector<16xf32>,
      %parallel_loop3A_137 = arith.constant 7344 : i32
      %parallel_loop3A_138 = arith.addi %parallel_loop3A_137, %parallel_loop3A_106 : i32
      %parallel_loop3A_139 = vector.broadcast %parallel_loop3A_138 : i32 to vector<16xi32>
      %parallel_loop3A_140 = arith.addi %mul3A_52, %parallel_loop3A_139 : vector<16xi32>
      %parallel_loop3A_141 = tpu.vector_load_idx %arg8[%parallel_loop3A_140] : memref<13056xf32, #tpu.memory_space<vmem>>[vector<16xi32>], vector<16xf32>,
      %parallel_loop3A_142 = arith.constant 16 : i32
      %parallel_loop3A_143 = arith.addi %parallel_loop3A_106, %parallel_loop3A_142 : i32
      %parallel_loop3A_144 = arith.index_cast %parallel_loop3A_143 : i32 to index
      %parallel_loop3A_145 = arith.constant 48 : index
      %parallel_loop3A_146 = tpu.vector_load %arg7[%parallel_loop3A_144, %parallel_loop3A_145] {strides = array<i32>} : memref<32x384xf32, #tpu.memory_space<vmem>>, vector<16xf32>,
      tpu.vector_store %arg7[%parallel_loop3A_144, %parallel_loop3A_145], %parallel_loop3A_141 {strides = array<i32>} : memref<32x384xf32, #tpu.memory_space<vmem>>, vector<16xf32>,
      %parallel_loop3A_147 = arith.constant 7616 : i32
      %parallel_loop3A_148 = arith.addi %parallel_loop3A_147, %parallel_loop3A_106 : i32
      %parallel_loop3A_149 = vector.broadcast %parallel_loop3A_148 : i32 to vector<16xi32>
      %parallel_loop3A_150 = arith.addi %mul3A_52, %parallel_loop3A_149 : vector<16xi32>
      %parallel_loop3A_151 = tpu.vector_load_idx %arg8[%parallel_loop3A_150] : memref<13056xf32, #tpu.memory_space<vmem>>[vector<16xi32>], vector<16xf32>,
      %parallel_loop3A_152 = arith.constant 16 : i32
      %parallel_loop3A_153 = arith.addi %parallel_loop3A_106, %parallel_loop3A_152 : i32
      %parallel_loop3A_154 = arith.index_cast %parallel_loop3A_153 : i32 to index
      %parallel_loop3A_155 = arith.constant 64 : index
      %parallel_loop3A_156 = tpu.vector_load %arg7[%parallel_loop3A_154, %parallel_loop3A_155] {strides = array<i32>} : memref<32x384xf32, #tpu.memory_space<vmem>>, vector<16xf32>,
      tpu.vector_store %arg7[%parallel_loop3A_154, %parallel_loop3A_155], %parallel_loop3A_151 {strides = array<i32>} : memref<32x384xf32, #tpu.memory_space<vmem>>, vector<16xf32>,
      %parallel_loop3A_157 = arith.constant 7888 : i32
      %parallel_loop3A_158 = arith.addi %parallel_loop3A_157, %parallel_loop3A_106 : i32
      %parallel_loop3A_159 = vector.broadcast %parallel_loop3A_158 : i32 to vector<16xi32>
      %parallel_loop3A_160 = arith.addi %mul3A_52, %parallel_loop3A_159 : vector<16xi32>
      %parallel_loop3A_161 = tpu.vector_load_idx %arg8[%parallel_loop3A_160] : memref<13056xf32, #tpu.memory_space<vmem>>[vector<16xi32>], vector<16xf32>,
      %parallel_loop3A_162 = arith.constant 16 : i32
      %parallel_loop3A_163 = arith.addi %parallel_loop3A_106, %parallel_loop3A_162 : i32
      %parallel_loop3A_164 = arith.index_cast %parallel_loop3A_163 : i32 to index
      %parallel_loop3A_165 = arith.constant 80 : index
      %parallel_loop3A_166 = tpu.vector_load %arg7[%parallel_loop3A_164, %parallel_loop3A_165] {strides = array<i32>} : memref<32x384xf32, #tpu.memory_space<vmem>>, vector<16xf32>,
      tpu.vector_store %arg7[%parallel_loop3A_164, %parallel_loop3A_165], %parallel_loop3A_161 {strides = array<i32>} : memref<32x384xf32, #tpu.memory_space<vmem>>, vector<16xf32>,
      %parallel_loop3A_167 = arith.constant 8160 : i32
      %parallel_loop3A_168 = arith.addi %parallel_loop3A_167, %parallel_loop3A_106 : i32
      %parallel_loop3A_169 = vector.broadcast %parallel_loop3A_168 : i32 to vector<16xi32>
      %parallel_loop3A_170 = arith.addi %mul3A_52, %parallel_loop3A_169 : vector<16xi32>
      %parallel_loop3A_171 = tpu.vector_load_idx %arg8[%parallel_loop3A_170] : memref<13056xf32, #tpu.memory_space<vmem>>[vector<16xi32>], vector<16xf32>,
      %parallel_loop3A_172 = arith.constant 16 : i32
      %parallel_loop3A_173 = arith.addi %parallel_loop3A_106, %parallel_loop3A_172 : i32
      %parallel_loop3A_174 = arith.index_cast %parallel_loop3A_173 : i32 to index
      %parallel_loop3A_175 = arith.constant 96 : index
      %parallel_loop3A_176 = tpu.vector_load %arg7[%parallel_loop3A_174, %parallel_loop3A_175] {strides = array<i32>} : memref<32x384xf32, #tpu.memory_space<vmem>>, vector<16xf32>,
      tpu.vector_store %arg7[%parallel_loop3A_174, %parallel_loop3A_175], %parallel_loop3A_171 {strides = array<i32>} : memref<32x384xf32, #tpu.memory_space<vmem>>, vector<16xf32>,
      %parallel_loop3A_177 = arith.constant 8432 : i32
      %parallel_loop3A_178 = arith.addi %parallel_loop3A_177, %parallel_loop3A_106 : i32
      %parallel_loop3A_179 = vector.broadcast %parallel_loop3A_178 : i32 to vector<16xi32>
      %parallel_loop3A_180 = arith.addi %mul3A_52, %parallel_loop3A_179 : vector<16xi32>
      %parallel_loop3A_181 = tpu.vector_load_idx %arg8[%parallel_loop3A_180] : memref<13056xf32, #tpu.memory_space<vmem>>[vector<16xi32>], vector<16xf32>,
      %parallel_loop3A_182 = arith.constant 16 : i32
      %parallel_loop3A_183 = arith.addi %parallel_loop3A_106, %parallel_loop3A_182 : i32
      %parallel_loop3A_184 = arith.index_cast %parallel_loop3A_183 : i32 to index
      %parallel_loop3A_185 = arith.constant 112 : index
      %parallel_loop3A_186 = tpu.vector_load %arg7[%parallel_loop3A_184, %parallel_loop3A_185] {strides = array<i32>} : memref<32x384xf32, #tpu.memory_space<vmem>>, vector<16xf32>,
      tpu.vector_store %arg7[%parallel_loop3A_184, %parallel_loop3A_185], %parallel_loop3A_181 {strides = array<i32>} : memref<32x384xf32, #tpu.memory_space<vmem>>, vector<16xf32>,
      %parallel_loop3A_187 = arith.constant 8704 : i32
      %parallel_loop3A_188 = arith.addi %parallel_loop3A_187, %parallel_loop3A_106 : i32
      %parallel_loop3A_189 = vector.broadcast %parallel_loop3A_188 : i32 to vector<16xi32>
      %parallel_loop3A_190 = arith.addi %mul3A_52, %parallel_loop3A_189 : vector<16xi32>
      %parallel_loop3A_191 = tpu.vector_load_idx %arg8[%parallel_loop3A_190] : memref<13056xf32, #tpu.memory_space<vmem>>[vector<16xi32>], vector<16xf32>,
      %parallel_loop3A_192 = arith.constant 16 : i32
      %parallel_loop3A_193 = arith.addi %parallel_loop3A_106, %parallel_loop3A_192 : i32
      %parallel_loop3A_194 = arith.index_cast %parallel_loop3A_193 : i32 to index
      %parallel_loop3A_195 = arith.constant 128 : index
      %parallel_loop3A_196 = tpu.vector_load %arg7[%parallel_loop3A_194, %parallel_loop3A_195] {strides = array<i32>} : memref<32x384xf32, #tpu.memory_space<vmem>>, vector<16xf32>,
      tpu.vector_store %arg7[%parallel_loop3A_194, %parallel_loop3A_195], %parallel_loop3A_191 {strides = array<i32>} : memref<32x384xf32, #tpu.memory_space<vmem>>, vector<16xf32>,
      %parallel_loop3A_197 = arith.constant 8976 : i32
      %parallel_loop3A_198 = arith.addi %parallel_loop3A_197, %parallel_loop3A_106 : i32
      %parallel_loop3A_199 = vector.broadcast %parallel_loop3A_198 : i32 to vector<16xi32>
      %parallel_loop3A_200 = arith.addi %mul3A_52, %parallel_loop3A_199 : vector<16xi32>
      %parallel_loop3A_201 = tpu.vector_load_idx %arg8[%parallel_loop3A_200] : memref<13056xf32, #tpu.memory_space<vmem>>[vector<16xi32>], vector<16xf32>,
      %parallel_loop3A_202 = arith.constant 16 : i32
      %parallel_loop3A_203 = arith.addi %parallel_loop3A_106, %parallel_loop3A_202 : i32
      %parallel_loop3A_204 = arith.index_cast %parallel_loop3A_203 : i32 to index
      %parallel_loop3A_205 = arith.constant 144 : index
      %parallel_loop3A_206 = tpu.vector_load %arg7[%parallel_loop3A_204, %parallel_loop3A_205] {strides = array<i32>} : memref<32x384xf32, #tpu.memory_space<vmem>>, vector<16xf32>,
      tpu.vector_store %arg7[%parallel_loop3A_204, %parallel_loop3A_205], %parallel_loop3A_201 {strides = array<i32>} : memref<32x384xf32, #tpu.memory_space<vmem>>, vector<16xf32>,
      %parallel_loop3A_207 = arith.constant 9248 : i32
      %parallel_loop3A_208 = arith.addi %parallel_loop3A_207, %parallel_loop3A_106 : i32
      %parallel_loop3A_209 = vector.broadcast %parallel_loop3A_208 : i32 to vector<16xi32>
      %parallel_loop3A_210 = arith.addi %mul3A_52, %parallel_loop3A_209 : vector<16xi32>
      %parallel_loop3A_211 = tpu.vector_load_idx %arg8[%parallel_loop3A_210] : memref<13056xf32, #tpu.memory_space<vmem>>[vector<16xi32>], vector<16xf32>,
      %parallel_loop3A_212 = arith.constant 16 : i32
      %parallel_loop3A_213 = arith.addi %parallel_loop3A_106, %parallel_loop3A_212 : i32
      %parallel_loop3A_214 = arith.index_cast %parallel_loop3A_213 : i32 to index
      %parallel_loop3A_215 = arith.constant 160 : index
      %parallel_loop3A_216 = tpu.vector_load %arg7[%parallel_loop3A_214, %parallel_loop3A_215] {strides = array<i32>} : memref<32x384xf32, #tpu.memory_space<vmem>>, vector<16xf32>,
      tpu.vector_store %arg7[%parallel_loop3A_214, %parallel_loop3A_215], %parallel_loop3A_211 {strides = array<i32>} : memref<32x384xf32, #tpu.memory_space<vmem>>, vector<16xf32>,
      %parallel_loop3A_217 = arith.constant 9520 : i32
      %parallel_loop3A_218 = arith.addi %parallel_loop3A_217, %parallel_loop3A_106 : i32
      %parallel_loop3A_219 = vector.broadcast %parallel_loop3A_218 : i32 to vector<16xi32>
      %parallel_loop3A_220 = arith.addi %mul3A_52, %parallel_loop3A_219 : vector<16xi32>
      %parallel_loop3A_221 = tpu.vector_load_idx %arg8[%parallel_loop3A_220] : memref<13056xf32, #tpu.memory_space<vmem>>[vector<16xi32>], vector<16xf32>,
      %parallel_loop3A_222 = arith.constant 16 : i32
      %parallel_loop3A_223 = arith.addi %parallel_loop3A_106, %parallel_loop3A_222 : i32
      %parallel_loop3A_224 = arith.index_cast %parallel_loop3A_223 : i32 to index
      %parallel_loop3A_225 = arith.constant 176 : index
      %parallel_loop3A_226 = tpu.vector_load %arg7[%parallel_loop3A_224, %parallel_loop3A_225] {strides = array<i32>} : memref<32x384xf32, #tpu.memory_space<vmem>>, vector<16xf32>,
      tpu.vector_store %arg7[%parallel_loop3A_224, %parallel_loop3A_225], %parallel_loop3A_221 {strides = array<i32>} : memref<32x384xf32, #tpu.memory_space<vmem>>, vector<16xf32>,
      %parallel_loop3A_227 = arith.constant 9792 : i32
      %parallel_loop3A_228 = arith.addi %parallel_loop3A_227, %parallel_loop3A_106 : i32
      %parallel_loop3A_229 = vector.broadcast %parallel_loop3A_228 : i32 to vector<16xi32>
      %parallel_loop3A_230 = arith.addi %mul3A_52, %parallel_loop3A_229 : vector<16xi32>
      %parallel_loop3A_231 = tpu.vector_load_idx %arg8[%parallel_loop3A_230] : memref<13056xf32, #tpu.memory_space<vmem>>[vector<16xi32>], vector<16xf32>,
      %parallel_loop3A_232 = arith.constant 16 : i32
      %parallel_loop3A_233 = arith.addi %parallel_loop3A_106, %parallel_loop3A_232 : i32
      %parallel_loop3A_234 = arith.index_cast %parallel_loop3A_233 : i32 to index
      %parallel_loop3A_235 = arith.constant 192 : index
      %parallel_loop3A_236 = tpu.vector_load %arg7[%parallel_loop3A_234, %parallel_loop3A_235] {strides = array<i32>} : memref<32x384xf32, #tpu.memory_space<vmem>>, vector<16xf32>,
      tpu.vector_store %arg7[%parallel_loop3A_234, %parallel_loop3A_235], %parallel_loop3A_231 {strides = array<i32>} : memref<32x384xf32, #tpu.memory_space<vmem>>, vector<16xf32>,
      %parallel_loop3A_237 = arith.constant 10064 : i32
      %parallel_loop3A_238 = arith.addi %parallel_loop3A_237, %parallel_loop3A_106 : i32
      %parallel_loop3A_239 = vector.broadcast %parallel_loop3A_238 : i32 to vector<16xi32>
      %parallel_loop3A_240 = arith.addi %mul3A_52, %parallel_loop3A_239 : vector<16xi32>
      %parallel_loop3A_241 = tpu.vector_load_idx %arg8[%parallel_loop3A_240] : memref<13056xf32, #tpu.memory_space<vmem>>[vector<16xi32>], vector<16xf32>,
      %parallel_loop3A_242 = arith.constant 16 : i32
      %parallel_loop3A_243 = arith.addi %parallel_loop3A_106, %parallel_loop3A_242 : i32
      %parallel_loop3A_244 = arith.index_cast %parallel_loop3A_243 : i32 to index
      %parallel_loop3A_245 = arith.constant 208 : index
      %parallel_loop3A_246 = tpu.vector_load %arg7[%parallel_loop3A_244, %parallel_loop3A_245] {strides = array<i32>} : memref<32x384xf32, #tpu.memory_space<vmem>>, vector<16xf32>,
      tpu.vector_store %arg7[%parallel_loop3A_244, %parallel_loop3A_245], %parallel_loop3A_241 {strides = array<i32>} : memref<32x384xf32, #tpu.memory_space<vmem>>, vector<16xf32>,
      %parallel_loop3A_247 = arith.constant 10336 : i32
      %parallel_loop3A_248 = arith.addi %parallel_loop3A_247, %parallel_loop3A_106 : i32
      %parallel_loop3A_249 = vector.broadcast %parallel_loop3A_248 : i32 to vector<16xi32>
      %parallel_loop3A_250 = arith.addi %mul3A_52, %parallel_loop3A_249 : vector<16xi32>
      %parallel_loop3A_251 = tpu.vector_load_idx %arg8[%parallel_loop3A_250] : memref<13056xf32, #tpu.memory_space<vmem>>[vector<16xi32>], vector<16xf32>,
      %parallel_loop3A_252 = arith.constant 16 : i32
      %parallel_loop3A_253 = arith.addi %parallel_loop3A_106, %parallel_loop3A_252 : i32
      %parallel_loop3A_254 = arith.index_cast %parallel_loop3A_253 : i32 to index
      %parallel_loop3A_255 = arith.constant 224 : index
      %parallel_loop3A_256 = tpu.vector_load %arg7[%parallel_loop3A_254, %parallel_loop3A_255] {strides = array<i32>} : memref<32x384xf32, #tpu.memory_space<vmem>>, vector<16xf32>,
      tpu.vector_store %arg7[%parallel_loop3A_254, %parallel_loop3A_255], %parallel_loop3A_251 {strides = array<i32>} : memref<32x384xf32, #tpu.memory_space<vmem>>, vector<16xf32>,
      %parallel_loop3A_257 = arith.constant 10608 : i32
      %parallel_loop3A_258 = arith.addi %parallel_loop3A_257, %parallel_loop3A_106 : i32
      %parallel_loop3A_259 = vector.broadcast %parallel_loop3A_258 : i32 to vector<16xi32>
      %parallel_loop3A_260 = arith.addi %mul3A_52, %parallel_loop3A_259 : vector<16xi32>
      %parallel_loop3A_261 = tpu.vector_load_idx %arg8[%parallel_loop3A_260] : memref<13056xf32, #tpu.memory_space<vmem>>[vector<16xi32>], vector<16xf32>,
      %parallel_loop3A_262 = arith.constant 16 : i32
      %parallel_loop3A_263 = arith.addi %parallel_loop3A_106, %parallel_loop3A_262 : i32
      %parallel_loop3A_264 = arith.index_cast %parallel_loop3A_263 : i32 to index
      %parallel_loop3A_265 = arith.constant 240 : index
      %parallel_loop3A_266 = tpu.vector_load %arg7[%parallel_loop3A_264, %parallel_loop3A_265] {strides = array<i32>} : memref<32x384xf32, #tpu.memory_space<vmem>>, vector<16xf32>,
      tpu.vector_store %arg7[%parallel_loop3A_264, %parallel_loop3A_265], %parallel_loop3A_261 {strides = array<i32>} : memref<32x384xf32, #tpu.memory_space<vmem>>, vector<16xf32>,
      %parallel_loop3A_267 = arith.constant 10880 : i32
      %parallel_loop3A_268 = arith.addi %parallel_loop3A_267, %parallel_loop3A_106 : i32
      %parallel_loop3A_269 = vector.broadcast %parallel_loop3A_268 : i32 to vector<16xi32>
      %parallel_loop3A_270 = arith.addi %mul3A_52, %parallel_loop3A_269 : vector<16xi32>
      %parallel_loop3A_271 = tpu.vector_load_idx %arg8[%parallel_loop3A_270] : memref<13056xf32, #tpu.memory_space<vmem>>[vector<16xi32>], vector<16xf32>,
      %parallel_loop3A_272 = arith.constant 16 : i32
      %parallel_loop3A_273 = arith.addi %parallel_loop3A_106, %parallel_loop3A_272 : i32
      %parallel_loop3A_274 = arith.index_cast %parallel_loop3A_273 : i32 to index
      %parallel_loop3A_275 = arith.constant 256 : index
      %parallel_loop3A_276 = tpu.vector_load %arg7[%parallel_loop3A_274, %parallel_loop3A_275] {strides = array<i32>} : memref<32x384xf32, #tpu.memory_space<vmem>>, vector<16xf32>,
      tpu.vector_store %arg7[%parallel_loop3A_274, %parallel_loop3A_275], %parallel_loop3A_271 {strides = array<i32>} : memref<32x384xf32, #tpu.memory_space<vmem>>, vector<16xf32>,
      %parallel_loop3A_277 = arith.constant 11152 : i32
      %parallel_loop3A_278 = arith.addi %parallel_loop3A_277, %parallel_loop3A_106 : i32
      %parallel_loop3A_279 = vector.broadcast %parallel_loop3A_278 : i32 to vector<16xi32>
      %parallel_loop3A_280 = arith.addi %mul3A_52, %parallel_loop3A_279 : vector<16xi32>
      %parallel_loop3A_281 = tpu.vector_load_idx %arg8[%parallel_loop3A_280] : memref<13056xf32, #tpu.memory_space<vmem>>[vector<16xi32>], vector<16xf32>,
      %parallel_loop3A_282 = arith.constant 16 : i32
      %parallel_loop3A_283 = arith.addi %parallel_loop3A_106, %parallel_loop3A_282 : i32
      %parallel_loop3A_284 = arith.index_cast %parallel_loop3A_283 : i32 to index
      %parallel_loop3A_285 = arith.constant 272 : index
      %parallel_loop3A_286 = tpu.vector_load %arg7[%parallel_loop3A_284, %parallel_loop3A_285] {strides = array<i32>} : memref<32x384xf32, #tpu.memory_space<vmem>>, vector<16xf32>,
      tpu.vector_store %arg7[%parallel_loop3A_284, %parallel_loop3A_285], %parallel_loop3A_281 {strides = array<i32>} : memref<32x384xf32, #tpu.memory_space<vmem>>, vector<16xf32>,
      %parallel_loop3A_287 = arith.constant 11424 : i32
      %parallel_loop3A_288 = arith.addi %parallel_loop3A_287, %parallel_loop3A_106 : i32
      %parallel_loop3A_289 = vector.broadcast %parallel_loop3A_288 : i32 to vector<16xi32>
      %parallel_loop3A_290 = arith.addi %mul3A_52, %parallel_loop3A_289 : vector<16xi32>
      %parallel_loop3A_291 = tpu.vector_load_idx %arg8[%parallel_loop3A_290] : memref<13056xf32, #tpu.memory_space<vmem>>[vector<16xi32>], vector<16xf32>,
      %parallel_loop3A_292 = arith.constant 16 : i32
      %parallel_loop3A_293 = arith.addi %parallel_loop3A_106, %parallel_loop3A_292 : i32
      %parallel_loop3A_294 = arith.index_cast %parallel_loop3A_293 : i32 to index
      %parallel_loop3A_295 = arith.constant 288 : index
      %parallel_loop3A_296 = tpu.vector_load %arg7[%parallel_loop3A_294, %parallel_loop3A_295] {strides = array<i32>} : memref<32x384xf32, #tpu.memory_space<vmem>>, vector<16xf32>,
      tpu.vector_store %arg7[%parallel_loop3A_294, %parallel_loop3A_295], %parallel_loop3A_291 {strides = array<i32>} : memref<32x384xf32, #tpu.memory_space<vmem>>, vector<16xf32>,
      %parallel_loop3A_297 = arith.constant 11696 : i32
      %parallel_loop3A_298 = arith.addi %parallel_loop3A_297, %parallel_loop3A_106 : i32
      %parallel_loop3A_299 = vector.broadcast %parallel_loop3A_298 : i32 to vector<16xi32>
      %parallel_loop3A_300 = arith.addi %mul3A_52, %parallel_loop3A_299 : vector<16xi32>
      %parallel_loop3A_301 = tpu.vector_load_idx %arg8[%parallel_loop3A_300] : memref<13056xf32, #tpu.memory_space<vmem>>[vector<16xi32>], vector<16xf32>,
      %parallel_loop3A_302 = arith.constant 16 : i32
      %parallel_loop3A_303 = arith.addi %parallel_loop3A_106, %parallel_loop3A_302 : i32
      %parallel_loop3A_304 = arith.index_cast %parallel_loop3A_303 : i32 to index
      %parallel_loop3A_305 = arith.constant 304 : index
      %parallel_loop3A_306 = tpu.vector_load %arg7[%parallel_loop3A_304, %parallel_loop3A_305] {strides = array<i32>} : memref<32x384xf32, #tpu.memory_space<vmem>>, vector<16xf32>,
      tpu.vector_store %arg7[%parallel_loop3A_304, %parallel_loop3A_305], %parallel_loop3A_301 {strides = array<i32>} : memref<32x384xf32, #tpu.memory_space<vmem>>, vector<16xf32>,
      %parallel_loop3A_307 = arith.constant 11968 : i32
      %parallel_loop3A_308 = arith.addi %parallel_loop3A_307, %parallel_loop3A_106 : i32
      %parallel_loop3A_309 = vector.broadcast %parallel_loop3A_308 : i32 to vector<16xi32>
      %parallel_loop3A_310 = arith.addi %mul3A_52, %parallel_loop3A_309 : vector<16xi32>
      %parallel_loop3A_311 = tpu.vector_load_idx %arg8[%parallel_loop3A_310] : memref<13056xf32, #tpu.memory_space<vmem>>[vector<16xi32>], vector<16xf32>,
      %parallel_loop3A_312 = arith.constant 16 : i32
      %parallel_loop3A_313 = arith.addi %parallel_loop3A_106, %parallel_loop3A_312 : i32
      %parallel_loop3A_314 = arith.index_cast %parallel_loop3A_313 : i32 to index
      %parallel_loop3A_315 = arith.constant 320 : index
      %parallel_loop3A_316 = tpu.vector_load %arg7[%parallel_loop3A_314, %parallel_loop3A_315] {strides = array<i32>} : memref<32x384xf32, #tpu.memory_space<vmem>>, vector<16xf32>,
      tpu.vector_store %arg7[%parallel_loop3A_314, %parallel_loop3A_315], %parallel_loop3A_311 {strides = array<i32>} : memref<32x384xf32, #tpu.memory_space<vmem>>, vector<16xf32>,
      %parallel_loop3A_317 = arith.constant 12240 : i32
      %parallel_loop3A_318 = arith.addi %parallel_loop3A_317, %parallel_loop3A_106 : i32
      %parallel_loop3A_319 = vector.broadcast %parallel_loop3A_318 : i32 to vector<16xi32>
      %parallel_loop3A_320 = arith.addi %mul3A_52, %parallel_loop3A_319 : vector<16xi32>
      %parallel_loop3A_321 = tpu.vector_load_idx %arg8[%parallel_loop3A_320] : memref<13056xf32, #tpu.memory_space<vmem>>[vector<16xi32>], vector<16xf32>,
      %parallel_loop3A_322 = arith.constant 16 : i32
      %parallel_loop3A_323 = arith.addi %parallel_loop3A_106, %parallel_loop3A_322 : i32
      %parallel_loop3A_324 = arith.index_cast %parallel_loop3A_323 : i32 to index
      %parallel_loop3A_325 = arith.constant 336 : index
      %parallel_loop3A_326 = tpu.vector_load %arg7[%parallel_loop3A_324, %parallel_loop3A_325] {strides = array<i32>} : memref<32x384xf32, #tpu.memory_space<vmem>>, vector<16xf32>,
      tpu.vector_store %arg7[%parallel_loop3A_324, %parallel_loop3A_325], %parallel_loop3A_321 {strides = array<i32>} : memref<32x384xf32, #tpu.memory_space<vmem>>, vector<16xf32>,
      %parallel_loop3A_327 = arith.constant 12512 : i32
      %parallel_loop3A_328 = arith.addi %parallel_loop3A_327, %parallel_loop3A_106 : i32
      %parallel_loop3A_329 = vector.broadcast %parallel_loop3A_328 : i32 to vector<16xi32>
      %parallel_loop3A_330 = arith.addi %mul3A_52, %parallel_loop3A_329 : vector<16xi32>
      %parallel_loop3A_331 = tpu.vector_load_idx %arg8[%parallel_loop3A_330] : memref<13056xf32, #tpu.memory_space<vmem>>[vector<16xi32>], vector<16xf32>,
      %parallel_loop3A_332 = arith.constant 16 : i32
      %parallel_loop3A_333 = arith.addi %parallel_loop3A_106, %parallel_loop3A_332 : i32
      %parallel_loop3A_334 = arith.index_cast %parallel_loop3A_333 : i32 to index
      %parallel_loop3A_335 = arith.constant 352 : index
      %parallel_loop3A_336 = tpu.vector_load %arg7[%parallel_loop3A_334, %parallel_loop3A_335] {strides = array<i32>} : memref<32x384xf32, #tpu.memory_space<vmem>>, vector<16xf32>,
      tpu.vector_store %arg7[%parallel_loop3A_334, %parallel_loop3A_335], %parallel_loop3A_331 {strides = array<i32>} : memref<32x384xf32, #tpu.memory_space<vmem>>, vector<16xf32>,
      %parallel_loop3A_337 = arith.constant 12784 : i32
      %parallel_loop3A_338 = arith.addi %parallel_loop3A_337, %parallel_loop3A_106 : i32
      %parallel_loop3A_339 = vector.broadcast %parallel_loop3A_338 : i32 to vector<16xi32>
      %parallel_loop3A_340 = arith.addi %mul3A_52, %parallel_loop3A_339 : vector<16xi32>
      %parallel_loop3A_341 = tpu.vector_load_idx %arg8[%parallel_loop3A_340] : memref<13056xf32, #tpu.memory_space<vmem>>[vector<16xi32>], vector<16xf32>,
      %parallel_loop3A_342 = arith.constant 16 : i32
      %parallel_loop3A_343 = arith.addi %parallel_loop3A_106, %parallel_loop3A_342 : i32
      %parallel_loop3A_344 = arith.index_cast %parallel_loop3A_343 : i32 to index
      %parallel_loop3A_345 = arith.constant 368 : index
      %parallel_loop3A_346 = tpu.vector_load %arg7[%parallel_loop3A_344, %parallel_loop3A_345] {strides = array<i32>} : memref<32x384xf32, #tpu.memory_space<vmem>>, vector<16xf32>,
      tpu.vector_store %arg7[%parallel_loop3A_344, %parallel_loop3A_345], %parallel_loop3A_341 {strides = array<i32>} : memref<32x384xf32, #tpu.memory_space<vmem>>, vector<16xf32>,
    } {sc.loop_unroll_factor = 4 : i64, sc.parallel_access}
    "tpu.region"() ({
      %run_scoped3A = tpu.sem_alloc : memref<!tpu.dma_semaphore, #tpu.memory_space<semaphore_mem>>
      %dma_start3A_106 = arith.constant 0 : i32
      %dma_start3A_107 = tpu.memref_slice %arg4[%mul3A_2, %dma_start3A_106] : memref<1024x384xf32, #tpu.memory_space<hbm>> -> memref<32x384xf32, #tpu.memory_space<hbm>>
      %dma_start3A_108 = arith.constant 0 : i32
      %dma_start3A_109 = tpu.memref_slice %arg4[%mul3A_2, %dma_start3A_108] : memref<1024x384xf32, #tpu.memory_space<hbm>> -> memref<32x384xf32, #tpu.memory_space<hbm>>
      tpu.enqueue_dma source(%arg7 : memref<32x384xf32, #tpu.memory_space<vmem>>) target(%dma_start3A_109 : memref<32x384xf32, #tpu.memory_space<hbm>>) target_semaphore(%run_scoped3A : memref<!tpu.dma_semaphore, #tpu.memory_space<semaphore_mem>>)
      %dma_wait3A_110 = arith.constant 0 : i32
      %dma_wait3A_111 = tpu.memref_slice %arg4[%mul3A_2, %dma_wait3A_110] : memref<1024x384xf32, #tpu.memory_space<hbm>> -> memref<32x384xf32, #tpu.memory_space<hbm>>
      %dma_wait3A_112 = arith.constant 0 : i32
      %dma_wait3A_113 = tpu.memref_slice %arg4[%mul3A_2, %dma_wait3A_112] : memref<1024x384xf32, #tpu.memory_space<hbm>> -> memref<32x384xf32, #tpu.memory_space<hbm>>
      tpu.wait_dma2 semaphore(%run_scoped3A : memref<!tpu.dma_semaphore, #tpu.memory_space<semaphore_mem>>) src(%arg7 : memref<32x384xf32, #tpu.memory_space<vmem>>) dst(%dma_wait3A_113 : memref<32x384xf32, #tpu.memory_space<hbm>>)
      tpu.yield
    }) : () -> ()
    return
  }
}

</mosaic_0001>

<sc_bundles>
// kernel: kernel.3.cloned.1.call-start
scs
__scs_entry_jumppad:
0x0: {  	(pc) =	sbr.rel $0x88, $3  }
0x1: {  	(tag) =	ssettag $0x0;
	lr =	simm.s32 $0x1  }
0x2: {  	[smem:$0x3F9F] =	sst lr;
	_ =	strace $0xD0000000  }
0x3: {  	_ = 	snop  }
0x4: {  	_ = 	snop  }
0x5: {  	_ = 	snop  }
0x6: {  	_ = 	snop  }
0x7: {  	_ = 	snop  }
__scs_overlays_trampoline_lowered:
0x8: {  	[smem:$0x3FAE] =	sst s0  }
0x9: {  	[smem:$0x3FAF] =	sst s1  }
0xa: {  	[smem:$0x3FB0] =	sst s2  }
0xb: {  	[smem:$0x3FB1] =	sst s3  }
0xc: {  	[smem:$0x3FB2] =	sst s4  }
0xd: {  	[smem:$0x3FB3] =	sst s5  }
0xe: {  	[smem:$0x3FB4] =	sst s6  }
0xf: {  	[smem:$0x3FB5] =	sst s7  }
0x10: {  	[smem:$0x3FB6] =	sst s8  }
0x11: {  	[smem:$0x3FB7] =	sst s9;
	s0 =	simm.s32 @!p0 $0x0  }
0x12: {  	s1 =	sld [smem:$0x3F9D];
	s0 =	simm.s32 @p0 $0x1  }
0x13: {  	[smem:$0x3FB8] =	sst s0;
	s0 =	simm.s32 @!p1 $0x0  }
0x14: {  	s2 =	sld [smem:$0x3F9C];
	s0 =	simm.s32 @p1 $0x1  }
0x15: {  	[smem:$0x3FB9] =	sst s0;
	s0 =	simm.s32 @!p2 $0x0  }
0x16: {  	s3 =	sld [smem:$0x3FDB];
	s0 =	simm.s32 @p2 $0x1  }
0x17: {  	s4 =	simm.s32 $0x1BF5;
	[smem:$0x3FBB] =	sst s0  }
0x18: {  	s0 =	sld [smem:$0x3F9E];
	_ =	swait.ge [sflag:s4], $0x0  }
0x19: {  	s7 =	sld [smem:$0x3F9F]  }
0x1a: {  	s8 =	sadd.s32 $0xFFFFE003, lr  }
0x1b: {  	s9 =	sadd.s32 $0xFFFFFEF7, lr;
	s5 =	simm.s32 $0xFFFFFFFF;
	p2 =	slt.u32 s8, $0xFFFFF086  }
0x1c: {  	p1 =	slt.u32 s9, $0xF7A;
	s5 =	simm.s32 @!p2 $0x0  }
0x1d: {  	s5 =	simm.s32 @p1 $0x1;
	p0 =	seq.s32 s7, s2  }
0x1e: {  	s7 =	smul.u32 @!p0 $0xF7A, s2;
	p2 =	seq.s32 @!p0 s5, $0x0  }
0x1f: {  	s9 =	smul.u32 $0xF7A, s1;
	s8 =	simm.s32 @!p0 $0x1BF5;
	p2 =	por !p2, p0  }
0x20: {  	[sflag:s8] =	ssyncset.s32 @!p0 $0xFFFFF086;
	s6 =	sadd.s32 @!p0 s3, s7;
	s7 =	simm.s32 @!p0 $0x108  }
0x21: {  	s3 =	sadd.s32 s3, s9;
	s6 =	sadd.s32 @!p0 $0x88, s6;
	s7 =	simm.s32 @p2 $0x1082  }
0x22: {  	[simem:s7], [sflag:s8] =	dma.local @!p0 [hbm:s6], $0xF7A  }
0x23: {  	s9 =	sor.u32 $0xD0000000, s2;
	s6 =	simm.s32 $0x108;
	_ =	swait.ge @!p0 [sflag:s8], $0x0  }
0x24: {  	s3 =	sadd.s32 $0x88, s3;
	s6 =	simm.s32 @!p1 $0x1082;
	[sflag:s4] =	ssyncset.s32 $0xFFFFF086  }
0x25: {  	[simem:s6], [sflag:s4] =	dma.local [hbm:s3], $0xF7A  }
0x26: {  	[smem:$0x3F9F] =	sst s1;
	(tag) =	ssettag s2;
	_ =	strace s9  }
0x27: {  	s1 =	sld [smem:$0x3FAF]  }
0x28: {  	s2 =	sld [smem:$0x3FB0]  }
0x29: {  	s4 =	sld [smem:$0x3FB2]  }
0x2a: {  	p0 =	seq.s32 s5, $0x0;
	s5 =	sld [smem:$0x3FB3]  }
0x2b: {  	s6 =	sld [smem:$0x3FB4]  }
0x2c: {  	s7 =	sld [smem:$0x3FB5]  }
0x2d: {  	s3 =	simm.s32 $0x108;
	s8 =	sld [smem:$0x3FB6]  }
0x2e: {  	s3 =	simm.s32 @!p0 $0x1082;
	s9 =	sld [smem:$0x3FB7]  }
0x2f: {  	lr =	sadd.s32 s0, s3;
	s0 =	sld [smem:$0x3FAE]  }
0x30: {  	s3 =	sld [smem:$0x3FB1]  }
0x31: {  	[smem:$0x3FBA] =	sst s10  }
0x32: {  	s10 =	sld [smem:$0x3FB8];
	_ =	sdelay $0x3  }
0x33: {  	p0 =	seq.s32 s10, $0x1;
	s10 =	sld [smem:$0x3FBA];
	_ =	sdelay $0x3  }
0x34: {  	[smem:$0x3FBA] =	sst s10  }
0x35: {  	s10 =	sld [smem:$0x3FB9];
	_ =	sdelay $0x3  }
0x36: {  	p1 =	seq.s32 s10, $0x1;
	s10 =	sld [smem:$0x3FBA];
	_ =	sdelay $0x3  }
0x37: {  	[smem:$0x3FBA] =	sst s10  }
0x38: {  	s10 =	sld [smem:$0x3FBB]  }
0x39: {  	_ = 	snop;
	(pc) =	sbr.ind lr, $3  }
0x3a: {  	_ = 	snop  }
0x3b: {  	_ = 	snop  }
0x3c: {  	p2 =	seq.s32 s10, $0x1;
	s10 =	sld [smem:$0x3FBA]  }
0x3d: {  	_ =	shalt  }
0x3e: {  	_ =	shalt  }
0x3f: {  	_ =	shalt  }
0x40: {  	_ =	shalt  }
0x41: {  	_ =	shalt  }
0x42: {  	_ =	shalt  }
0x43: {  	_ =	shalt  }
0x44: {  	_ =	shalt  }
0x45: {  	_ =	shalt  }
0x46: {  	_ =	shalt  }
0x47: {  	_ =	shalt  }
0x48: {  	_ =	shalt  }
0x49: {  	_ =	shalt  }
0x4a: {  	_ =	shalt  }
0x4b: {  	_ =	shalt  }
0x4c: {  	_ =	shalt  }
0x4d: {  	_ =	shalt  }
0x4e: {  	_ =	shalt  }
0x4f: {  	_ =	shalt  }
0x50: {  	_ =	shalt  }
0x51: {  	_ =	shalt  }
0x52: {  	_ =	shalt  }
0x53: {  	_ =	shalt  }
0x54: {  	_ =	shalt  }
0x55: {  	_ =	shalt  }
0x56: {  	_ =	shalt  }
0x57: {  	_ =	shalt  }
0x58: {  	_ =	shalt  }
0x59: {  	_ =	shalt  }
0x5a: {  	_ =	shalt  }
0x5b: {  	_ =	shalt  }
0x5c: {  	_ =	shalt  }
0x5d: {  	_ =	shalt  }
0x5e: {  	_ =	shalt  }
0x5f: {  	_ =	shalt  }
0x60: {  	_ =	shalt  }
0x61: {  	_ =	shalt  }
0x62: {  	_ =	shalt  }
0x63: {  	_ =	shalt  }
0x64: {  	_ =	shalt  }
0x65: {  	_ =	shalt  }
0x66: {  	_ =	shalt  }
0x67: {  	_ =	shalt  }
0x68: {  	_ =	shalt  }
0x69: {  	_ =	shalt  }
0x6a: {  	_ =	shalt  }
0x6b: {  	_ =	shalt  }
0x6c: {  	_ =	shalt  }
0x6d: {  	_ =	shalt  }
0x6e: {  	_ =	shalt  }
0x6f: {  	_ =	shalt  }
0x70: {  	_ =	shalt  }
0x71: {  	_ =	shalt  }
0x72: {  	_ =	shalt  }
0x73: {  	_ =	shalt  }
0x74: {  	_ =	shalt  }
0x75: {  	_ =	shalt  }
0x76: {  	_ =	shalt  }
0x77: {  	_ =	shalt  }
0x78: {  	_ =	shalt  }
0x79: {  	_ =	shalt  }
0x7a: {  	_ =	shalt  }
0x7b: {  	_ =	shalt  }
0x7c: {  	_ =	shalt  }
0x7d: {  	_ =	shalt  }
0x7e: {  	_ =	shalt  }
0x7f: {  	_ =	shalt  }
0x80: {  	_ =	shalt  }
0x81: {  	_ =	shalt  }
0x82: {  	_ =	shalt  }
0x83: {  	_ =	shalt  }
0x84: {  	_ =	shalt  }
0x85: {  	_ =	shalt  }
0x86: {  	_ =	shalt  }
0x87: {  	_ =	shalt  }
.Lfunc_end0:
.L_simem_size_0:
called_computation_lowered:
.L_overlay_start_0:
0x88: {  	s2 =	sld [smem:$0x3FD9]  }
0x89: {  	s3 =	sld [smem:$0x3FFE];
	_ =	sdelay $0x1  }
0x8a: {  	s1 =	srdreg.scid  }
0x8b: {  	s0 =	sand.u32 $0x1, s1  }
0x8c: {  	s17 =	sshll.u32 s0, $0xA;
	s2 =	sadd.s32 s3, s2  }
0x8d: {  	s2 =	sadd.s32 s2, s17  }
0x8e: {  	[smem:$0x3FC6] =	sst s2  }
0x8f: {  	_ = 	snop  }
0x90: {  	s2 =	sld [smem:$0x3FC9]  }
0x91: {  	s18 =	sld [smem:$0x3FD0];
	(tm) =	ssettm $0x1  }
0x92: {  	s4 =	sld [smem:$0x3FFB];
	_ =	sdelay $0x3  }
0x93: {  	_ =	strace s4  }
0x94: {  	s4 =	sld [smem:$0x3FFC];
	_ =	sdelay $0x3  }
0x95: {  	_ =	strace s4  }
0x96: {  	s4 =	sld [smem:$0x3FFD];
	_ =	sdelay $0x3  }
0x97: {  	_ =	strace s4  }
0x98: {  	_ =	strace $0x8FFFFFFF  }
0x99: {  	s19 =	sld [smem:$0x3FDB];
	_ =	sdelay $0x1  }
0x9a: {  	s5 =	simm.s32 $_scs_section_size  }
0x9b: {  	s6 =	simm.s32 $_size__tile_overlayer_lowered;
	s7 =	simm.s32 $_tile_overlayer_lowered  }
0x9c: {  	s22 =	simm.s32 $0x1BFF;
	s21 =	sshll.u32 s7, $0x1;
	s4 =	sadd.s32 s5, s19  }
0x9d: {  	s8 =	simm.s32 $0x0;
	s20 =	sshll.u32 s6, $0x1;
	s6 =	sadd.s32 s21, s4  }
0x9e: {  	[timem:s8], [sflag:s22] =	dma.local [hbm:s6], s20  }
0x9f: {  	_ =	swait.ge [sflag:s22], s20  }
0xa0: {  	s5 =	ssub.s32 $0x0, s20;
	[sflag:s22] =	ssyncset.done $0x0  }
0xa1: {  	[sflag:s22] =	ssyncadd.s32 s5;
	_ =	sdelay $0x1  }
0xa2: {  	s23 =	simm.s32 $0x1B8B  }
0xa3: {  	_ =	swait.ge [sflag:s23], $0x1  }
0xa4: {  	[sflag:s23] =	ssyncset.done $0x0  }
0xa5: {  	s25 =	simm.s32 $0x1B8E;
	s24 =	sld [smem:$0x3FFE];
	[sflag:s23] =	ssyncadd.s32 $0xFFFFFFFF  }
0xa6: {  	s26 =	simm.s32 $execute0_lowered;
	[smem:$0x3FD2] =	sst s25  }
0xa7: {  	s6 =	sshll.u32 s26, $0x1;
	_ =	strace $0x80000046;
	[dreg:$0x1] =	wrdreg $0xFFFFFFFF  }
0xa8: {  	s28 =	simm.s32 $_size_execute0_lowered;
	s4 =	sadd.s32 s4, s6;
	[dreg:$0x0] =	wrdreg $0x0  }
0xa9: {  	s6 =	sshll.u32 s28, $0x1;
	[dreg:$0x2] =	wrdreg s4  }
0xaa: {  	[dreg:$0x3] =	wrdreg s6  }
0xab: {  	[dreg:$0x4] =	wrdreg $0xC0  }
0xac: {  	_ =	task [dreg:s8], $0x5FFFF  }
0xad: {  	[dreg:$0x1] =	wrdreg $0xFFFFFFFF  }
0xae: {  	[dreg:$0x0] =	wrdreg $0x60  }
0xaf: {  	[dreg:$0x2] =	wrdreg s2  }
0xb0: {  	[dreg:$0x3] =	wrdreg s24  }
0xb1: {  	[dreg:$0x4] =	wrdreg s18  }
0xb2: {  	[dreg:$0x5] =	wrdreg $0x9  }
0xb3: {  	_ =	task.clear_ibuf [dreg:s8], $0x6FFFF;
	_ =	strace $0x90000046  }
0xb4: {  	s29 =	simm.s32 $0x9;
	_ =	strace $0x80000048  }
0xb5: {  	_ =	swait.ge [sflag:s29], $0x1  }
0xb6: {  	[sflag:s29] =	ssyncadd.s32 $0xFFFFFFFF  }
0xb7: {  	_ =	strace $0x90000048  }
0xb8: {  	_ =	sfence  }
0xb9: {  	s30 =	sld [smem:$0x0];
	_ =	sdelay $0x2  }
0xba: {  	s31 =	sshll.u32 s1, $0xD;
	s1 =	sshrl.u32 s1, $0x2  }
0xbb: {  	s3 =	sand.u32 $0x4000, s31;
	s1 =	sadd.s32 s1, s30  }
0xbc: {  	s0 =	sor.u32 s3, s0;
	s1 =	sshll.u32 s1, $0x11  }
0xbd: {  	s0 =	sor.u32 s1, s0  }
0xbe: {  	s0 =	sadd.s32 $0x8F2B, s0  }
0xbf: {  	[sflag:s0] =	ssyncadd.remote.s32 $0x1  }
0xc0: {  	_ =	sfence.sel $0xFFFF  }
0xc1: {  	[dreg:$0x0] =	wrdreg $0xFFFFFFFF;
	(pc) =	sbr.abs _section_cstart, $3  }
0xc2: {  	[dreg:$0x1] =	wrdreg $0xFFFFFFFF  }
0xc3: {  	_ =	task.clear_ibuf [dreg:s8], $0x2FFFF;
	_ =	strace $0x9FFFFFFF  }
0xc4: {  	(tm) =	ssettm $0x7FFFFFFF  }
0xc5: {  	_ =	shalt  }
tec
execute0_lowered:
.L_overlay_start_1:
0x0: {  	(tag) =	ssettag $0x1  }
0x1: {  	v0 =	vlaneseq.u32;
	v2 =	vimm.s32 $0xB80  }
0x2: {  	vm0 =	vcmask $0x300;
	v3 =	vimm.s32 $0x1B80;
	vm1 =	vcmask $0x704  }
0x3: {  	s0 =	rddreg [dreg:$0x0];
	vm15 =	vcmask $0xB08;
	v2 =	vsel vm0, $0x0, v2;
	v3 =	vsel vm0, $0x1000, v3  }
0x4: {  	s1 =	rddreg [dreg:$0x1];
	vm4 =	vcmask $0xF0C;
	v2 =	vsel vm1, $0x80, v2;
	v3 =	vsel vm1, $0x1080, v3  }
0x5: {  	s2 =	rddreg [dreg:$0x2];
	vm5 =	vcmask $0x1310;
	v2 =	vsel vm15, $0x100, v2;
	v3 =	vsel vm15, $0x1100, v3  }
0x6: {  	s3 =	srdreg.scid;
	s13 =	simm.s32 $0x0;
	s4 =	stileid.u32;
	vm6 =	vcmask $0x1714;
	v2 =	vsel vm4, $0x180, v2;
	v3 =	vsel vm4, $0x1180, v3  }
0x7: {  	vm7 =	vcmask $0x1B18;
	s3 =	sand.u32 $0x1, s3;
	[smem:$0x7FF] =	sst s13;
	s4 =	sshll.u32 s4, $0x6;
	v2 =	vsel vm5, $0x200, v2;
	v3 =	vsel vm5, $0x1200, v3  }
0x8: {  	vm8 =	vcmask $0x1F1C;
	s1 =	sadd.s32 $0x400, s1;
	s5 =	sshll.u32 s3, $0x5;
	s3 =	ssub.s32 $0x2, s3;
	v2 =	vsel vm6, $0x280, v2;
	v3 =	vsel vm6, $0x1280, v3  }
0x9: {  	vm9 =	vcmask $0x2320;
	_ =	strace $0x80000047;
	s4 =	sor.u32 s5, s4;
	s24 =	sshrl.u32 s3, $0x1;
	v2 =	vsel vm7, $0x300, v2;
	v3 =	vsel vm7, $0x1300, v3  }
0xa: {  	vm10 =	vcmask $0x2724;
	s6 =	sshll.u32 s4, $0x4;
	s3 =	ssub.s32 s3, s24;
	s25 =	sshrl.u32 s4, $0x3;
	v2 =	vsel vm8, $0x380, v2;
	v3 =	vsel vm8, $0x1380, v3  }
0xb: {  	vm11 =	vcmask $0x2B28;
	s4 =	sshll.u32 s4, $0x5;
	s6 =	sadd.s32 s0, s6;
	s26 =	sor.u32 $0x2, s25;
	v2 =	vsel vm9, $0x800, v2;
	v3 =	vsel vm9, $0x1800, v3  }
0xc: {  	vm12 =	vcmask $0x2F2C;
	s5 =	smul.u32 $0x180, s25;
	s4 =	sadd.s32 s1, s4;
	[dreg:$0x4] =	wrdreg s6;
	v2 =	vsel vm10, $0x880, v2;
	v3 =	vsel vm10, $0x1880, v3  }
0xd: {  	vm13 =	vcmask $0x3330;
	s31 =	smax.u32 s3, $0x1;
	[dreg:$0x5] =	wrdreg s4;
	s28 =	sshll.u32 s26, $0x7;
	v2 =	vsel vm11, $0x900, v2;
	v3 =	vsel vm11, $0x1900, v3  }
0xe: {  	vm14 =	vcmask $0x3734;
	s6 =	sshll.u32 s26, $0x8;
	[dreg:$0x9] =	wrdreg s31;
	s0 =	sadd.s32 s0, s28;
	v2 =	vsel vm12, $0x980, v2;
	v3 =	vsel vm12, $0x1980, v3  }
0xf: {  	v1 =	vmul.u32 $0x80, v0;
	s29 =	sadd.s32 s1, s6;
	[dreg:$0x6] =	wrdreg s0;
	v2 =	vsel vm13, $0xA00, v2;
	v3 =	vsel vm13, $0x1A00, v3  }
0x10: {  	s9 =	simm.s32 $0x1000;
	vm15 =	vcmask $0x3B38;
	s30 =	sadd.s32 s2, s5;
	[dreg:$0x7] =	wrdreg s29;
	v2 =	vsel vm14, $0xA80, v2;
	v4 =	vsel vm14, $0x1A80, v3  }
0x11: {  	s16 =	simm.s32 $0x6000;
	s14 =	simm.s32 $0x0;
	[dreg:$0x8] =	wrdreg s30;
	v3 =	vor.u32 $0x800, v1;
	v2 =	vsel vm15, $0xB00, v2;
	v4 =	vsel vm15, $0x1B00, v4  }
.LBB2_1:
0x12: {  	[dreg:$0xa] =	wrdreg s14  }
0x13: {  	s0 =	rddreg [dreg:$0x4]  }
0x14: {  	[tilespmem:s13], [sflag:$0x1] =	stream.linear.gather [hbm4b:s0+s13], $0x800, $0x38;
	[tilespmem:$0x9300] =	vst v63  }
0x15: {  	s23 =	rddreg [dreg:$0x5]  }
0x16: {  	[tilespmem:s9], [sflag:$0x3] =	stream.linear.gather [hbm4b:s23+s13], $0x1000, $0x38;
	[tilespmem:$0x9300] =	vst v63  }
0x17: {  	s24 =	rddreg [dreg:$0x6];
	s1 =	simm.s32 $0x800  }
0x18: {  	[tilespmem:s1], [sflag:$0x2] =	stream.linear.gather [hbm4b:s24+s13], $0x800, $0x38;
	[tilespmem:$0x9300] =	vst v63  }
0x19: {  	s25 =	rddreg [dreg:$0x7];
	s26 =	simm.s32 $0x2000;
	s28 =	simm.s32 $0x1  }
0x1a: {  	[tilespmem:s26], [sflag:$0x4] =	stream.linear.gather [hbm4b:s25+s13], $0x1000, $0x38;
	[tilespmem:$0x9300] =	vst v63  }
0x1b: {  	_ =	swait.ge [sflag:s28], $0x800  }
0x1c: {  	[sflag:s28] =	ssyncset.done $0x0  }
0x1d: {  	s29 =	simm.s32 $0x3;
	[sflag:s28] =	ssyncadd.s32 $0xFFFFF800  }
0x1e: {  	_ =	swait.ge [sflag:s29], $0x1000  }
0x1f: {  	[sflag:s29] =	ssyncset.done $0x0  }
0x20: {  	s30 =	simm.s32 $0x2;
	[sflag:s29] =	ssyncadd.s32 $0xFFFFF000  }
0x21: {  	_ =	swait.ge [sflag:s30], $0x800  }
0x22: {  	[sflag:s30] =	ssyncset.done $0x0  }
0x23: {  	s31 =	simm.s32 $0x4;
	[sflag:s30] =	ssyncadd.s32 $0xFFFFF800  }
0x24: {  	s21 =	simm.s32 $0x6B;
	s22 =	simm.s32 $0x89A3;
	_ =	swait.ge [sflag:s31], $0x1000  }
0x25: {  	s23 =	simm.s32 $0x8013;
	s24 =	simm.s32 $0x99;
	[sflag:s31] =	ssyncset.done $0x0  }
0x26: {  	s25 =	simm.s32 $0x6000;
	s26 =	simm.s32 $0x0;
	[sflag:s31] =	ssyncadd.s32 $0xFFFFF000  }
.LBB2_2:
0x27: {  	v5 =	vmov s26  }
0x28: {  	v5 =	vand.u32 $0x7C, v5  }
0x29: {  	s0 =	sadd.s32 $0xFFFFFF95, s21;
	v17 =	vbroadcast v5, $0x0  }
0x2a: {  	v6 =	vor.u32 s0, v2  }
0x2b: {  	v5 =	vor.u32 v1, v17;
	_ =	sdelay $0x3  }
0x2c: {  	s20 =	simm.s32 $0x0;
	v6 =	vld.idx.msk [tilespmem:v6+s9+$0x0], $0xffff  }
0x2d: {  	v5 =	vld.idx.msk [tilespmem:v5+s20+$0x0], $0xffff;
	_ =	sdelay $0x1  }
0x2e: {  	s5 =	sadd.s32 $0xFFFFFF96, s21  }
0x2f: {  	v7 =	vor.u32 s5, v2;
	_ =	sdelay $0x1  }
0x30: {  	v6 =	vmul.f32 v6, v5;
	_ =	sdelay $0x1  }
0x31: {  	[tilespmem:s25+$0x0] =	vst v6  }
0x32: {  	v6 =	vld.idx.msk [tilespmem:v7+s9+$0x0], $0xffff  }
0x33: {  	s1 =	sadd.s32 $0x1, s26  }
0x34: {  	s3 =	sadd.s32 $0xFFFFFF97, s21;
	v7 =	vmov s1  }
0x35: {  	v8 =	vor.u32 s3, v2;
	v7 =	vand.u32 $0x7D, v7  }
0x36: {  	v21 =	vbroadcast v7, $0x0  }
0x37: {  	v6 =	vmul.f32 v6, v5  }
0x38: {  	s6 =	sadd.s32 $0xFFFFFF98, s21;
	v7 =	vor.u32 v1, v21  }
0x39: {  	[tilespmem:s25+$0x11] =	vst v6;
	v6 =	vor.u32 s6, v2  }
0x3a: {  	s29 =	sadd.s32 $0xFFFFFF99, s21;
	s30 =	sadd.s32 $0xFFFFFFB5, s21;
	v8 =	vld.idx.msk [tilespmem:v8+s9+$0x0], $0xffff  }
0x3b: {  	s2 =	sadd.s32 $0xFFFFFFF5, s21;
	s31 =	sadd.s32 $0xFFFFFFB6, s21;
	s7 =	sadd.s32 $0xFFFFFFF7, s21;
	v9 =	vmov s29;
	v34 =	vmov s30  }
0x3c: {  	s8 =	sadd.s32 $0xFFFFFFB7, s21;
	v11 =	vmov s2;
	v37 =	vmov s31;
	v41 =	vmov s7  }
0x3d: {  	s2 =	sadd.s32 $0xFFFFFFF6, s21;
	v42 =	vmov s8;
	v10 =	vshll.u32 v9, $0x3;
	v35 =	vshll.u32 v11, $0x3;
	v7 =	vld.idx.msk [tilespmem:v7+s20+$0x0], $0xffff  }
0x3e: {  	v36 =	vand.u32 $0x7C, v11;
	v14 =	vmov s2;
	v43 =	vshll.u32 v41, $0x3;
	v6 =	vld.idx.msk [tilespmem:v6+s9+$0x0], $0xffff  }
0x3f: {  	v33 =	vand.u32 $0x7FFFFC00, v10;
	v8 =	vmul.f32 v8, v5;
	v5 =	vand.u32 $0x7C, v9  }
0x40: {  	v44 =	vand.u32 $0x7E, v41;
	v10 =	vand.u32 $0xFD, v37;
	v18 =	vor.u32 v5, v33  }
0x41: {  	v16 =	vshll.u32 v14, $0x3;
	v14 =	vand.u32 $0x7D, v14;
	v12 =	vadd.s32 v2, v18  }
0x42: {  	v45 =	vand.u32 $0x400, v43;
	v15 =	vadd.s32 v1, v10;
	v16 =	vand.u32 $0x400, v16  }
0x43: {  	v14 =	vor.u32 v14, v16;
	v16 =	vor.u32 v44, v45;
	v6 =	vmul.f32 v6, v7  }
0x44: {  	s4 =	sadd.s32 $0xFFFFFF9A, s21;
	v20 =	vor.u32 v2, v14;
	v9 =	vand.u32 $0x400, v35;
	v5 =	vand.u32 $0xFC, v34  }
0x45: {  	v9 =	vor.u32 v36, v9;
	v13 =	vadd.s32 v1, v5;
	[tilespmem:s25+$0x33] =	vst v6;
	v6 =	vmov s4  }
0x46: {  	v38 =	vor.u32 v2, v9;
	[tilespmem:s25+$0x22] =	vst v8;
	v8 =	vor.u32 v2, v16;
	v12 =	vld.idx.msk [tilespmem:v12+s9+$0x0], $0xffff;
	v19 =	vshll.u32 v6, $0x3  }
0x47: {  	v24 =	vld.idx.msk [tilespmem:v15+s20+$0x0], $0xffff;
	v15 =	vand.u32 $0xFE, v42;
	v6 =	vand.u32 $0x7D, v6;
	v39 =	vand.u32 $0x7FFFFC00, v19  }
0x48: {  	v46 =	vadd.s32 v1, v15;
	v19 =	vor.u32 v6, v39  }
0x49: {  	v20 =	vld.idx.msk [tilespmem:v20+s9+$0x0], $0xffff;
	v6 =	vadd.s32 v2, v19  }
0x4a: {  	v22 =	vld.idx.msk [tilespmem:v13+s20+$0x0], $0xffff  }
0x4b: {  	v23 =	vld.idx.msk [tilespmem:v38+s9+$0x0], $0xffff;
	v40 =	vmul.f32 v12, v7  }
0x4c: {  	s14 =	sadd.s32 $0xFFFFFFFA, s21;
	v30 =	vld.idx.msk [tilespmem:v8+s9+$0x0], $0xffff  }
0x4d: {  	s10 =	sadd.s32 $0xFFFFFFF8, s21;
	s17 =	sadd.s32 $0x2, s26;
	v49 =	vmov s14;
	v28 =	vld.idx.msk [tilespmem:v46+s20+$0x0], $0xffff;
	[tilespmem:s25+$0x44] =	vst v40  }
0x4e: {  	v47 =	vmov s10;
	v58 =	vmov s17;
	v34 =	vshll.u32 v49, $0x3;
	v6 =	vld.idx.msk [tilespmem:v6+s9+$0x0], $0xffff  }
0x4f: {  	v45 =	vor.u32 s0, v4;
	v34 =	vand.u32 $0x7FFFFC00, v34;
	s4 =	sadd.s32 $0xFFFFFF9B, s21;
	v8 =	vand.u32 $0x7D, v49  }
0x50: {  	v63 =	vor.u32 s4, v2;
	v27 =	vmul.f32 v20, v24;
	v25 =	vmul.f32 v23, v22  }
0x51: {  	v8 =	vor.u32 v8, v34;
	v51 =	vmul.f32 v30, v24;
	v52 =	vmul.f32 v24, v23  }
0x52: {  	s11 =	sadd.s32 $0xFFFFFFB8, s21;
	v37 =	vadd.s32 v2, v8;
	v35 =	vmul.f32 v30, v28;
	v36 =	vmul.f32 v28, v20  }
0x53: {  	v26 =	vmul.f32 v6, v7;
	v6 =	vmov s11;
	v7 =	vshll.u32 v47, $0x3  }
0x54: {  	s12 =	sadd.s32 $0xFFFFFFF9, s21;
	v12 =	vand.u32 $0xFF, v6;
	v6 =	vand.u32 $0x7F, v47;
	v7 =	vand.u32 $0x7FFFFC00, v7  }
0x55: {  	s13 =	sadd.s32 $0xFFFFFFB9, s21;
	v29 =	vadd.s32 v1, v12;
	v11 =	vor.u32 v6, v7;
	v6 =	vmov s12  }
0x56: {  	v7 =	vmov s13;
	v31 =	vadd.s32 v2, v11;
	v48 =	vshll.u32 v6, $0x3  }
0x57: {  	v13 =	vand.u32 $0xFC, v7;
	v6 =	vand.u32 $0x7C, v6;
	v7 =	vand.u32 $0x7FFFFC00, v48  }
0x58: {  	s15 =	sadd.s32 $0xFFFFFFBA, s21;
	v38 =	vadd.f32 v27, v25;
	v32 =	vadd.s32 v1, v13;
	v6 =	vor.u32 v6, v7  }
0x59: {  	v30 =	vmul.f32 v30, v22;
	v7 =	vmov s15;
	v33 =	vadd.s32 v2, v6  }
0x5a: {  	v28 =	vmul.f32 v28, v23;
	v20 =	vmul.f32 v20, v22;
	[tilespmem:s25+$0x55] =	vst v26;
	v7 =	vand.u32 $0xFD, v7  }
0x5b: {  	v56 =	vsub.f32 $0.0e+00, v25;
	v26 =	vand.u32 $0x7E, v58;
	v50 =	vadd.s32 v1, v7;
	v29 =	vld.idx.msk [tilespmem:v29+s20+$0x0], $0xffff  }
0x5c: {  	v53 =	vadd.f32 v35, v38;
	v54 =	vsub.f32 v51, v36;
	v26 =	vbroadcast v26, $0x0;
	v31 =	vld.idx.msk [tilespmem:v31+s9+$0x0], $0xffff  }
0x5d: {  	v27 =	vmul.f32 $8.164966110e-01, v27;
	v55 =	vsub.f32 v28, v30;
	v39 =	vsub.f32 v20, v52;
	v23 =	vld.idx.msk [tilespmem:v32+s20+$0x0], $0xffff  }
0x5e: {  	v28 =	vadd.f32 v30, v28;
	v57 =	vsub.f32 v56, v35;
	v60 =	vor.u32 v1, v26;
	v33 =	vld.idx.msk [tilespmem:v33+s9+$0x0], $0xffff  }
0x5f: {  	s18 =	sadd.s32 $0xFFFFFF67, s24;
	v20 =	vadd.f32 v20, v52;
	v24 =	vmul.f32 $5.773502590e-01, v53;
	v38 =	vmul.f32 $7.071067690e-01, v55;
	v37 =	vld.idx.msk [tilespmem:v37+s9+$0x0], $0xffff  }
0x60: {  	s19 =	sadd.s32 $0xFFFFFF9C, s21;
	s1 =	sand.u32 $0x7FC, s18;
	v34 =	vadd.f32 v51, v36;
	v39 =	vmul.f32 $7.071067690e-01, v39;
	v32 =	vmul.f32 $7.071067690e-01, v54;
	v40 =	vld.idx.msk [tilespmem:v50+s20+$0x0], $0xffff  }
0x61: {  	v61 =	vsub.f32 v35, v25;
	v28 =	vmul.f32 $7.071067690e-01, v28;
	v59 =	vmul.f32 $4.082483050e-01, v57;
	[tilespmem:s23+$0xFFFFE64D] =	vst v24  }
0x62: {  	v51 =	vmov s19;
	v35 =	vld.idx.msk [tilespmem:v63+s9+$0x0], $0xffff;
	v20 =	vmul.f32 $7.071067690e-01, v20;
	v44 =	vmul.f32 $7.071067690e-01, v34;
	[tilespmem:s1+$0x6880] =	vst v32  }
0x63: {  	v36 =	vshll.u32 v51, $0x3;
	[tilespmem:s25+$0x891] =	vst v38;
	v50 =	vld.idx.msk [tilespmem:v60+s20+$0x0], $0xffff;
	v41 =	vmul.f32 v31, v29;
	v42 =	vmul.f32 v33, v23  }
0x64: {  	v55 =	vand.u32 $0x7FFFFC00, v36;
	v22 =	vadd.f32 v59, v27;
	v24 =	vmul.f32 $7.071067690e-01, v61;
	[tilespmem:s25+$0x8A2] =	vst v39  }
0x65: {  	v48 =	vmul.f32 v37, v29;
	[tilespmem:s22+$0xFFFFE53D] =	vst v28;
	v30 =	vmul.f32 v37, v40;
	v43 =	vadd.f32 v42, v41  }
0x66: {  	[tilespmem:s22+$0xFFFFE54E] =	vst v20;
	v20 =	vadd.s32 s19, v55;
	v46 =	vmul.f32 v37, v23;
	v47 =	vmul.f32 v40, v33  }
0x67: {  	[tilespmem:s22+$0xFFFFE55F] =	vst v22;
	v29 =	vmul.f32 v33, v29;
	v49 =	vmul.f32 v40, v31;
	v62 =	vadd.f32 v30, v43  }
0x68: {  	[tilespmem:s22+$0xFFFFE570] =	vst v44;
	v23 =	vmul.f32 v23, v31;
	v61 =	vmul.f32 v35, v50;
	v52 =	vsub.f32 v46, v47  }
0x69: {  	[tilespmem:s22+$0xFFFFE581] =	vst v24;
	v53 =	vsub.f32 $0.0e+00, v41;
	v54 =	vsub.f32 v49, v48;
	v25 =	vmul.f32 $5.773502590e-01, v62  }
0x6a: {  	s28 =	sadd.s32 $0xFFFFFF9A, s24;
	v58 =	vadd.s32 v2, v20;
	v59 =	vsub.f32 v29, v23;
	[tilespmem:s25+$0x66] =	vst v61;
	v57 =	vmul.f32 $7.071067690e-01, v52  }
0x6b: {  	s0 =	sand.u32 $0x7FF, s28;
	v56 =	vsub.f32 v53, v30;
	v28 =	vadd.f32 v48, v49;
	v22 =	vmul.f32 $7.071067690e-01, v54;
	[tilespmem:s23+$0xFFFFE65E] =	vst v25  }
0x6c: {  	v23 =	vadd.f32 v29, v23;
	v60 =	vmul.f32 $8.164966110e-01, v42;
	v63 =	vmul.f32 $7.071067690e-01, v59;
	[tilespmem:s0+$0x6880] =	vst v57  }
0x6d: {  	v17 =	vor.u32 v3, v17;
	v31 =	vmul.f32 $4.082483050e-01, v56;
	v35 =	vmul.f32 $7.071067690e-01, v28;
	[tilespmem:s25+$0x8C4] =	vst v22  }
0x6e: {  	s29 =	sadd.s32 $0xFFFFFF9D, s21;
	v21 =	vor.u32 v3, v21;
	v37 =	vsub.f32 v30, v41;
	v23 =	vmul.f32 $7.071067690e-01, v23;
	[tilespmem:s25+$0x8D5] =	vst v63  }
0x6f: {  	v36 =	vadd.f32 v46, v47;
	v62 =	vmov s29;
	v24 =	vadd.f32 v31, v60;
	[tilespmem:s22+$0xFFFFE592] =	vst v35  }
0x70: {  	v41 =	vor.u32 s6, v4;
	v29 =	vld.idx.msk [tilespmem:v58+s9+$0x0], $0xffff;
	v42 =	vmul.f32 $7.071067690e-01, v37;
	v38 =	vshll.u32 v62, $0x3;
	[tilespmem:s22+$0xFFFFE5A3] =	vst v23  }
0x71: {  	v40 =	vand.u32 $0x7C, v62;
	v30 =	vand.u32 $0x7FFFFC00, v38;
	v22 =	vmul.f32 $7.071067690e-01, v36;
	[tilespmem:s22+$0xFFFFE5B4] =	vst v24  }
0x72: {  	v43 =	vld.idx.msk [tilespmem:v45+s9+$0x0], $0xffff;
	v23 =	vor.u32 v40, v30;
	[tilespmem:s22+$0xFFFFE5D6] =	vst v42  }
0x73: {  	s7 =	sadd.s32 $0xFFFFFFFC, s21;
	v36 =	vld.idx.msk [tilespmem:v17+s20+$0x0], $0xffff;
	v25 =	vadd.s32 v2, v23;
	[tilespmem:s22+$0xFFFFE5C5] =	vst v22  }
0x74: {  	s30 =	sadd.s32 $0x3, s26;
	v55 =	vmov s7;
	v47 =	vor.u32 s5, v4;
	s6 =	sadd.s32 $0xFFFFFFFB, s21;
	v35 =	vld.idx.msk [tilespmem:v21+s20+$0x0], $0xffff  }
0x75: {  	s8 =	sadd.s32 $0xFFFFFF9E, s21;
	v49 =	vmov s30;
	v51 =	vmov s6;
	v44 =	vmul.f32 v29, v50;
	v45 =	vld.idx.msk [tilespmem:v41+s9+$0x0], $0xffff  }
0x76: {  	s10 =	sadd.s32 $0xFFFFFFBC, s21;
	v58 =	vshll.u32 v55, $0x3;
	v59 =	vor.u32 s8, v2;
	v28 =	vadd.s32 v4, v18  }
0x77: {  	v52 =	vand.u32 $0x7F, v49;
	v53 =	vshll.u32 v51, $0x3;
	v60 =	vmov s10;
	[tilespmem:s25+$0x77] =	vst v44  }
0x78: {  	v18 =	vand.u32 $0x7FFFFC00, v53;
	v30 =	vbroadcast v52, $0x0;
	v24 =	vand.u32 $0xFF, v60;
	v22 =	vld.idx.msk [tilespmem:v25+s9+$0x0], $0xffff  }
0x79: {  	s12 =	sadd.s32 $0xFFFFFFFD, s21;
	v63 =	vadd.s32 v1, v24;
	v21 =	vand.u32 $0x7E, v51;
	v46 =	vmul.f32 v43, v36  }
0x7a: {  	v56 =	vor.u32 v1, v30;
	v48 =	vmul.f32 v45, v35;
	v45 =	vmov s12  }
0x7b: {  	v18 =	vor.u32 v21, v18;
	v21 =	vand.u32 $0x7F, v55;
	[tilespmem:s1+$0x7980] =	vst v46;
	v46 =	vshll.u32 v45, $0x3  }
0x7c: {  	s31 =	sadd.s32 $0xFFFFFFBB, s21;
	v57 =	vadd.s32 v2, v18;
	v25 =	vand.u32 $0x7C, v45;
	[tilespmem:s0+$0x7980] =	vst v48;
	v48 =	vand.u32 $0x7FFFFC00, v46  }
0x7d: {  	v49 =	vld.idx.msk [tilespmem:v59+s9+$0x0], $0xffff;
	v25 =	vor.u32 v25, v48;
	v29 =	vmul.f32 v22, v50;
	v50 =	vmov s31  }
0x7e: {  	s11 =	sadd.s32 $0xFFFFFFBD, s21;
	v62 =	vld.idx.msk [tilespmem:v47+s9+$0x0], $0xffff;
	v22 =	vand.u32 $0x7FFFFC00, v58;
	v53 =	vadd.s32 v2, v25;
	v17 =	vand.u32 $0xFE, v50  }
0x7f: {  	v61 =	vmov s11;
	v32 =	vld.idx.msk [tilespmem:v56+s20+$0x0], $0xffff;
	v21 =	vor.u32 v21, v22;
	v54 =	vadd.s32 v1, v17  }
0x80: {  	s13 =	sadd.s32 $0xFFFFFF9F, s21;
	v28 =	vld.idx.msk [tilespmem:v28+s9+$0x0], $0xffff;
	v22 =	vand.u32 $0xFC, v61;
	v44 =	vadd.s32 v2, v21;
	[tilespmem:s25+$0x88] =	vst v29  }
0x81: {  	v47 =	vmov s13;
	v51 =	vadd.s32 v1, v22;
	v33 =	vld.idx.msk [tilespmem:v57+s9+$0x0], $0xffff  }
0x82: {  	v50 =	vshll.u32 v47, $0x3;
	v38 =	vld.idx.msk [tilespmem:v63+s20+$0x0], $0xffff  }
0x83: {  	v52 =	vand.u32 $0x7FFFFC00, v50;
	v41 =	vld.idx.msk [tilespmem:v53+s9+$0x0], $0xffff  }
0x84: {  	v34 =	vadd.s32 s13, v52;
	v31 =	vld.idx.msk [tilespmem:v54+s20+$0x0], $0xffff  }
0x85: {  	v27 =	vadd.s32 v2, v34;
	v39 =	vld.idx.msk [tilespmem:v44+s9+$0x0], $0xffff  }
0x86: {  	v29 =	vld.idx.msk [tilespmem:v51+s20+$0x0], $0xffff  }
0x87: {  	s14 =	sadd.s32 $0xFFFFFFA0, s21;
	s17 =	sadd.s32 $0xFFFFFFFE, s21;
	s15 =	sadd.s32 $0xFFFFFFBE, s21;
	v40 =	vmul.f32 v49, v32;
	v37 =	vmul.f32 v62, v36;
	v49 =	vor.u32 s3, v4  }
0x88: {  	s18 =	sadd.s32 $0xFFFFFFBF, s21;
	v62 =	vmov s15;
	v63 =	vmov s17;
	v54 =	vmov s14  }
0x89: {  	[tilespmem:s25+$0x99] =	vst v40;
	v28 =	vmul.f32 v28, v35;
	v56 =	vshll.u32 v54, $0x3;
	v54 =	vmov s18  }
0x8a: {  	s19 =	sadd.s32 $0xFFFFFFFF, s21;
	v55 =	vld.idx.msk [tilespmem:v27+s9+$0x0], $0xffff;
	v27 =	vand.u32 $0x7FFFFC00, v56;
	v46 =	vmul.f32 v41, v38;
	v40 =	vmul.f32 v33, v31  }
0x8b: {  	v56 =	vmov s19;
	v43 =	vmul.f32 v39, v38;
	v45 =	vmul.f32 v41, v29  }
0x8c: {  	v27 =	vadd.s32 s14, v27;
	v48 =	vmul.f32 v29, v39;
	v41 =	vmul.f32 v41, v31  }
0x8d: {  	v44 =	vadd.s32 v2, v27;
	v29 =	vmul.f32 v29, v33;
	v31 =	vmul.f32 v39, v31  }
0x8e: {  	v33 =	vmul.f32 v38, v33;
	v38 =	vadd.s32 v4, v19;
	v47 =	vadd.f32 v43, v40  }
0x8f: {  	v42 =	vmul.f32 v55, v32;
	v57 =	vsub.f32 v46, v48;
	v58 =	vsub.f32 v29, v41  }
0x90: {  	v19 =	vand.u32 $0xFD, v62;
	v59 =	vsub.f32 v31, v33;
	v50 =	vsub.f32 $0.0e+00, v40  }
0x91: {  	v60 =	vadd.f32 v41, v29;
	v52 =	vadd.f32 v31, v33;
	v55 =	vshll.u32 v63, $0x3;
	[tilespmem:s25+$0xAA] =	vst v42  }
0x92: {  	v31 =	vand.u32 $0x7D, v63;
	v47 =	vadd.f32 v45, v47;
	v51 =	vmul.f32 $7.071067690e-01, v57;
	v42 =	vld.idx.msk [tilespmem:v44+s9+$0x0], $0xffff  }
0x93: {  	v39 =	vmul.f32 $7.071067690e-01, v58;
	v41 =	vmul.f32 $7.071067690e-01, v59;
	v61 =	vsub.f32 v50, v45  }
0x94: {  	s28 =	sadd.s32 $0xFFFFFFC0, s21;
	[tilespmem:s25+$0x1991] =	vst v37;
	v50 =	vmul.f32 $7.071067690e-01, v60;
	v58 =	vshll.u32 v56, $0x3;
	v44 =	vmul.f32 $5.773502590e-01, v47  }
0x95: {  	s29 =	sadd.s32 $0xFFFFFFCD, s24;
	[tilespmem:s25+$0x19C4] =	vst v28;
	v57 =	vmov s28;
	v59 =	vand.u32 $0x7E, v56;
	v60 =	vand.u32 $0x7FFFFC00, v58  }
0x96: {  	s30 =	sand.u32 $0x7FE, s29;
	v53 =	vmul.f32 $4.082483050e-01, v61;
	v47 =	vadd.s32 v1, v19;
	v29 =	vor.u32 v59, v60;
	[tilespmem:s23+$0xFFFFE66F] =	vst v44  }
0x97: {  	v61 =	vmov s21;
	[tilespmem:s30+$0x6880] =	vst v51;
	v33 =	vmul.f32 v42, v32;
	v32 =	vand.u32 $0x7FFFFC00, v55  }
0x98: {  	v63 =	vadd.s32 v2, v29;
	[tilespmem:s25+$0x908] =	vst v41;
	v41 =	vld.idx.msk [tilespmem:v49+s9+$0x0], $0xffff;
	v49 =	vand.u32 $0x7F, v61;
	v28 =	vor.u32 v31, v32  }
0x99: {  	v31 =	vand.u32 $0xFE, v54;
	v54 =	vshll.u32 v61, $0x3;
	v44 =	vadd.s32 v2, v28  }
0x9a: {  	v32 =	vand.u32 $0xFF, v57;
	v62 =	vadd.s32 v1, v31;
	v55 =	vand.u32 $0x7FFFFC00, v54  }
0x9b: {  	v43 =	vmul.f32 $8.164966110e-01, v43;
	v38 =	vld.idx.msk [tilespmem:v38+s9+$0x0], $0xffff;
	[tilespmem:s25+$0xBB] =	vst v33;
	v56 =	vadd.s32 v1, v32;
	v33 =	vor.u32 v49, v55  }
0x9c: {  	v46 =	vadd.f32 v46, v48;
	v47 =	vld.idx.msk [tilespmem:v47+s20+$0x0], $0xffff;
	v58 =	vadd.s32 v2, v33  }
0x9d: {  	v40 =	vsub.f32 v45, v40;
	v43 =	vadd.f32 v53, v43;
	[tilespmem:s25+$0x8F7] =	vst v39;
	v61 =	vld.idx.msk [tilespmem:v63+s9+$0x0], $0xffff  }
0x9e: {  	v26 =	vor.u32 v3, v26;
	v59 =	vmul.f32 $7.071067690e-01, v46;
	[tilespmem:s22+$0xFFFFE5E7] =	vst v50;
	v44 =	vld.idx.msk [tilespmem:v44+s9+$0x0], $0xffff  }
0x9f: {  	v10 =	vadd.s32 v3, v10;
	v40 =	vmul.f32 $7.071067690e-01, v40;
	v60 =	vor.u32 s4, v4;
	[tilespmem:s22+$0xFFFFE609] =	vst v43;
	v39 =	vld.idx.msk [tilespmem:v62+s20+$0x0], $0xffff  }
0xa0: {  	v14 =	vor.u32 v4, v14;
	v5 =	vadd.s32 v3, v5;
	v57 =	vmul.f32 $7.071067690e-01, v52;
	[tilespmem:s22+$0xFFFFE61A] =	vst v59;
	v37 =	vld.idx.msk [tilespmem:v56+s20+$0x0], $0xffff  }
0xa1: {  	v9 =	vor.u32 v4, v9;
	v16 =	vor.u32 v4, v16;
	[tilespmem:s22+$0xFFFFE62B] =	vst v40;
	v62 =	vld.idx.msk [tilespmem:v58+s9+$0x0], $0xffff  }
0xa2: {  	v15 =	vadd.s32 v3, v15;
	v8 =	vadd.s32 v4, v8;
	v12 =	vadd.s32 v3, v12;
	[tilespmem:s22+$0xFFFFE5F8] =	vst v57  }
0xa3: {  	v11 =	vadd.s32 v4, v11;
	v13 =	vadd.s32 v3, v13;
	v6 =	vadd.s32 v4, v6;
	v26 =	vld.idx.msk [tilespmem:v26+s20+$0x0], $0xffff  }
0xa4: {  	v7 =	vadd.s32 v3, v7;
	v42 =	vld.idx.msk [tilespmem:v60+s9+$0x0], $0xffff;
	v45 =	vmul.f32 v44, v47;
	v63 =	vmul.f32 v61, v39  }
0xa5: {  	v20 =	vadd.s32 v4, v20;
	v35 =	vmul.f32 v38, v35;
	v36 =	vmul.f32 v41, v36  }
0xa6: {  	v43 =	vmul.f32 v61, v47;
	v41 =	vmul.f32 v62, v37;
	v52 =	vadd.f32 v63, v45  }
0xa7: {  	v23 =	vadd.s32 v4, v23;
	v56 =	vmul.f32 v37, v61;
	v55 =	vmul.f32 v62, v39  }
0xa8: {  	v40 =	vmul.f32 v62, v47;
	v37 =	vmul.f32 v37, v44;
	v54 =	vadd.f32 v41, v52  }
0xa9: {  	[tilespmem:s25+$0x19A2] =	vst v36;
	v53 =	vmul.f32 v42, v26;
	v39 =	vmul.f32 v39, v44;
	v59 =	vsub.f32 v55, v56  }
0xaa: {  	[tilespmem:s25+$0x19D5] =	vst v35;
	v5 =	vld.idx.msk [tilespmem:v5+s20+$0x0], $0xffff;
	v57 =	vsub.f32 $0.0e+00, v45;
	v60 =	vsub.f32 v37, v40;
	v38 =	vmul.f32 $5.773502590e-01, v54  }
0xab: {  	v24 =	vadd.s32 v3, v24;
	v9 =	vld.idx.msk [tilespmem:v9+s9+$0x0], $0xffff;
	[tilespmem:s30+$0x7980] =	vst v53;
	v46 =	vsub.f32 v43, v39;
	v47 =	vmul.f32 $7.071067690e-01, v59  }
0xac: {  	s31 =	sand.u32 $0x7FD, s24;
	v10 =	vld.idx.msk [tilespmem:v10+s20+$0x0], $0xffff;
	v58 =	vsub.f32 v57, v41;
	v61 =	vadd.f32 v40, v37;
	v50 =	vmul.f32 $7.071067690e-01, v60;
	[tilespmem:s23+$0xFFFFE680] =	vst v38  }
0xad: {  	v14 =	vld.idx.msk [tilespmem:v14+s9+$0x0], $0xffff;
	v63 =	vmul.f32 $8.164966110e-01, v63;
	v39 =	vadd.f32 v43, v39;
	v36 =	vmul.f32 $7.071067690e-01, v46;
	[tilespmem:s31+$0x6880] =	vst v47  }
0xae: {  	v30 =	vor.u32 v3, v30;
	v15 =	vld.idx.msk [tilespmem:v15+s20+$0x0], $0xffff;
	v62 =	vmul.f32 $4.082483050e-01, v58;
	v35 =	vmul.f32 $7.071067690e-01, v61;
	[tilespmem:s25+$0x92A] =	vst v50  }
0xaf: {  	v18 =	vadd.s32 v4, v18;
	v16 =	vld.idx.msk [tilespmem:v16+s9+$0x0], $0xffff;
	v49 =	vadd.f32 v55, v56;
	v39 =	vmul.f32 $7.071067690e-01, v39;
	[tilespmem:s25+$0x93B] =	vst v36  }
0xb0: {  	v12 =	vld.idx.msk [tilespmem:v12+s20+$0x0], $0xffff;
	v41 =	vsub.f32 v41, v45;
	v37 =	vadd.f32 v62, v63;
	[tilespmem:s22+$0xFFFFE63C] =	vst v35  }
0xb1: {  	v11 =	vld.idx.msk [tilespmem:v11+s9+$0x0], $0xffff;
	v51 =	vmul.f32 v9, v5;
	v58 =	vor.u32 s8, v4;
	v38 =	vmul.f32 $7.071067690e-01, v49;
	[tilespmem:s22+$0xFFFFE64D] =	vst v39  }
0xb2: {  	v25 =	vadd.s32 v4, v25;
	v20 =	vld.idx.msk [tilespmem:v20+s9+$0x0], $0xffff;
	v52 =	vmul.f32 v14, v10;
	v57 =	vmul.f32 $7.071067690e-01, v41;
	[tilespmem:s22+$0xFFFFE65E] =	vst v37  }
0xb3: {  	v17 =	vadd.s32 v3, v17;
	v21 =	vadd.s32 v4, v21;
	v13 =	vld.idx.msk [tilespmem:v13+s20+$0x0], $0xffff;
	[tilespmem:s22+$0xFFFFE66F] =	vst v38  }
0xb4: {  	v6 =	vld.idx.msk [tilespmem:v6+s9+$0x0], $0xffff;
	v53 =	vmul.f32 v16, v15;
	v54 =	vadd.f32 v52, v51;
	[tilespmem:s22+$0xFFFFE680] =	vst v57  }
0xb5: {  	v22 =	vadd.s32 v3, v22;
	v55 =	vmul.f32 v16, v10;
	v56 =	vmul.f32 v15, v14;
	v30 =	vld.idx.msk [tilespmem:v30+s20+$0x0], $0xffff  }
0xb6: {  	v16 =	vmul.f32 v16, v5;
	v15 =	vmul.f32 v15, v9;
	v35 =	vadd.f32 v53, v54;
	v38 =	vld.idx.msk [tilespmem:v58+s9+$0x0], $0xffff  }
0xb7: {  	v7 =	vld.idx.msk [tilespmem:v7+s20+$0x0], $0xffff;
	v5 =	vmul.f32 v14, v5;
	v20 =	vmul.f32 v20, v26;
	v59 =	vsub.f32 v55, v56  }
0xb8: {  	v8 =	vld.idx.msk [tilespmem:v8+s9+$0x0], $0xffff;
	v9 =	vmul.f32 v10, v9;
	v61 =	vsub.f32 v15, v16;
	v35 =	vmul.f32 $5.773502590e-01, v35  }
0xb9: {  	v34 =	vadd.s32 v4, v34;
	v48 =	vadd.s32 v4, v27;
	[tilespmem:s25+$0x19F7] =	vst v20;
	v37 =	vmul.f32 $7.071067690e-01, v59  }
0xba: {  	v29 =	vadd.s32 v4, v29;
	v10 =	vmul.f32 $7.071067690e-01, v61;
	v62 =	vsub.f32 v5, v9;
	v23 =	vld.idx.msk [tilespmem:v23+s9+$0x0], $0xffff;
	[tilespmem:s23+$0xFFFFFFCD] =	vst v35  }
0xbb: {  	v42 =	vmul.f32 v11, v12;
	v5 =	vadd.f32 v5, v9;
	[tilespmem:s1+$0x8200] =	vst v37;
	v40 =	vmul.f32 v38, v30  }
0xbc: {  	v43 =	vmul.f32 v6, v13;
	v15 =	vadd.f32 v16, v15;
	v16 =	vmul.f32 $7.071067690e-01, v62;
	[tilespmem:s25+$0x2211] =	vst v10  }
0xbd: {  	v32 =	vadd.s32 v3, v32;
	v45 =	vmul.f32 v8, v7;
	v5 =	vmul.f32 $7.071067690e-01, v5;
	[tilespmem:s31+$0x7980] =	vst v40  }
0xbe: {  	v60 =	vsub.f32 $0.0e+00, v51;
	v63 =	vmul.f32 $8.164966110e-01, v52;
	v47 =	vmul.f32 v8, v13;
	[tilespmem:s25+$0x2222] =	vst v16;
	v34 =	vld.idx.msk [tilespmem:v34+s9+$0x0], $0xffff  }
0xbf: {  	v41 =	vsub.f32 v53, v51;
	v8 =	vmul.f32 v8, v12;
	[tilespmem:s22+$0xFFFFFECE] =	vst v5;
	v5 =	vmul.f32 v23, v26  }
0xc0: {  	v14 =	vsub.f32 v60, v53;
	v12 =	vmul.f32 v6, v12;
	v6 =	vmul.f32 v7, v6  }
0xc1: {  	v46 =	vadd.f32 v43, v42;
	v7 =	vmul.f32 v7, v11;
	v11 =	vmul.f32 v13, v11;
	[tilespmem:s25+$0x1A08] =	vst v5  }
0xc2: {  	v14 =	vmul.f32 $4.082483050e-01, v14;
	v39 =	vmul.f32 $7.071067690e-01, v15;
	v50 =	vsub.f32 v47, v6;
	v17 =	vld.idx.msk [tilespmem:v17+s20+$0x0], $0xffff  }
0xc3: {  	v51 =	vsub.f32 v7, v8;
	v7 =	vadd.f32 v8, v7;
	v18 =	vld.idx.msk [tilespmem:v18+s9+$0x0], $0xffff;
	v49 =	vmul.f32 v34, v30  }
0xc4: {  	v44 =	vmul.f32 $7.071067690e-01, v41;
	v35 =	vadd.f32 v55, v56;
	v37 =	vadd.f32 v14, v63;
	[tilespmem:s22+$0xFFFFFEBD] =	vst v39;
	v24 =	vld.idx.msk [tilespmem:v24+s20+$0x0], $0xffff  }
0xc5: {  	v15 =	vmul.f32 $8.164966110e-01, v43;
	v53 =	vsub.f32 v12, v11;
	v23 =	vadd.f32 v45, v46;
	v21 =	vld.idx.msk [tilespmem:v21+s9+$0x0], $0xffff;
	[tilespmem:s25+$0x1A2A] =	vst v49  }
0xc6: {  	v11 =	vadd.f32 v12, v11;
	v9 =	vmul.f32 $7.071067690e-01, v35;
	[tilespmem:s22+$0xFFFFFEDF] =	vst v37;
	v5 =	vsub.f32 $0.0e+00, v42;
	v54 =	vld.idx.msk [tilespmem:v48+s9+$0x0], $0xffff  }
0xc7: {  	v6 =	vadd.f32 v47, v6;
	v57 =	vmul.f32 $7.071067690e-01, v51;
	[tilespmem:s22+$0xFFFFFF01] =	vst v44;
	v52 =	vmul.f32 $5.773502590e-01, v23;
	v58 =	vld.idx.msk [tilespmem:v25+s9+$0x0], $0xffff  }
0xc8: {  	v8 =	vmul.f32 $7.071067690e-01, v53;
	v55 =	vmul.f32 $7.071067690e-01, v50;
	[tilespmem:s22+$0xFFFFFEF0] =	vst v9;
	v56 =	vld.idx.msk [tilespmem:v22+s20+$0x0], $0xffff;
	v5 =	vsub.f32 v5, v45  }
0xc9: {  	v59 =	vadd.s32 v3, v19;
	v7 =	vmul.f32 $7.071067690e-01, v7;
	v11 =	vmul.f32 $7.071067690e-01, v11;
	[tilespmem:s23+$0xFFFFFFDE] =	vst v52  }
0xca: {  	v62 =	vadd.s32 v4, v28;
	v6 =	vmul.f32 $7.071067690e-01, v6;
	[tilespmem:s0+$0x8200] =	vst v55;
	v5 =	vmul.f32 $4.082483050e-01, v5  }
0xcb: {  	v28 =	vadd.s32 v3, v31;
	[tilespmem:s25+$0x2244] =	vst v57;
	v61 =	vmul.f32 v18, v17;
	v27 =	vmul.f32 v54, v30  }
0xcc: {  	v60 =	vsub.f32 v45, v42;
	[tilespmem:s25+$0x2255] =	vst v8;
	v63 =	vmul.f32 v21, v24;
	v34 =	vmul.f32 v58, v24  }
0xcd: {  	v36 =	vadd.s32 v4, v33;
	v35 =	vmul.f32 v56, v21;
	v10 =	vmul.f32 v58, v17;
	[tilespmem:s25+$0x1A3B] =	vst v27  }
0xce: {  	v5 =	vadd.f32 v5, v15;
	v13 =	vmul.f32 v56, v18;
	v17 =	vmul.f32 v21, v17;
	v12 =	vld.idx.msk [tilespmem:v59+s20+$0x0], $0xffff  }
0xcf: {  	v31 =	vadd.f32 v63, v61;
	v37 =	vsub.f32 v34, v35;
	v30 =	vmul.f32 v58, v56;
	v15 =	vld.idx.msk [tilespmem:v62+s9+$0x0], $0xffff  }
0xd0: {  	[tilespmem:s22+$0xFFFFFF12] =	vst v7;
	v18 =	vmul.f32 v24, v18;
	v39 =	vsub.f32 v13, v10;
	v40 =	vsub.f32 $0.0e+00, v61;
	v19 =	vld.idx.msk [tilespmem:v28+s20+$0x0], $0xffff  }
0xd1: {  	v7 =	vmul.f32 $7.071067690e-01, v60;
	[tilespmem:s22+$0xFFFFFF23] =	vst v11;
	v10 =	vadd.f32 v10, v13;
	v22 =	vadd.f32 v30, v31;
	v9 =	vld.idx.msk [tilespmem:v29+s9+$0x0], $0xffff  }
0xd2: {  	[tilespmem:s22+$0xFFFFFF34] =	vst v5;
	v41 =	vsub.f32 v17, v18;
	v17 =	vadd.f32 v17, v18;
	v5 =	vmul.f32 $7.071067690e-01, v37;
	v16 =	vld.idx.msk [tilespmem:v32+s20+$0x0], $0xffff  }
0xd3: {  	[tilespmem:s22+$0xFFFFFF45] =	vst v6;
	v46 =	vadd.f32 v34, v35;
	v6 =	vmul.f32 $7.071067690e-01, v39;
	v43 =	vld.idx.msk [tilespmem:v36+s9+$0x0], $0xffff;
	v38 =	vmul.f32 $5.773502590e-01, v22  }
0xd4: {  	[tilespmem:s22+$0xFFFFFF56] =	vst v7;
	v7 =	vmul.f32 $7.071067690e-01, v41;
	v10 =	vmul.f32 $7.071067690e-01, v10  }
0xd5: {  	v44 =	vmul.f32 $7.071067690e-01, v17;
	v49 =	vmul.f32 $7.071067690e-01, v46;
	v42 =	vsub.f32 v40, v30;
	[tilespmem:s23+$0xFFFFFFEF] =	vst v38  }
0xd6: {  	[tilespmem:s30+$0x8200] =	vst v5;
	v47 =	vmul.f32 v15, v12;
	v48 =	vmul.f32 v9, v19  }
0xd7: {  	v45 =	vmul.f32 $4.082483050e-01, v42;
	v5 =	vsub.f32 v30, v61;
	[tilespmem:s25+$0x2277] =	vst v6;
	v6 =	vmul.f32 $8.164966110e-01, v63  }
0xd8: {  	[tilespmem:s25+$0x2288] =	vst v7;
	v7 =	vmul.f32 v43, v16;
	v51 =	vmul.f32 v43, v19;
	v50 =	vadd.f32 v48, v47  }
0xd9: {  	v52 =	vmul.f32 v16, v9;
	v54 =	vmul.f32 v43, v12;
	[tilespmem:s22+$0xFFFFFF67] =	vst v10;
	v6 =	vadd.f32 v45, v6  }
0xda: {  	v16 =	vmul.f32 v16, v15;
	v9 =	vmul.f32 v9, v12;
	[tilespmem:s22+$0xFFFFFF78] =	vst v44;
	v53 =	vadd.f32 v7, v50  }
0xdb: {  	v55 =	vmul.f32 v19, v15;
	v5 =	vmul.f32 $7.071067690e-01, v5;
	[tilespmem:s22+$0xFFFFFF89] =	vst v6;
	v6 =	vsub.f32 v51, v52  }
0xdc: {  	[tilespmem:s22+$0xFFFFFF9A] =	vst v49;
	v57 =	vsub.f32 v16, v54;
	v58 =	vsub.f32 $0.0e+00, v47;
	v56 =	vmul.f32 $5.773502590e-01, v53  }
0xdd: {  	[tilespmem:s22+$0xFFFFFFAB] =	vst v5;
	v5 =	vmul.f32 $7.071067690e-01, v6;
	v6 =	vsub.f32 v9, v55  }
0xde: {  	v16 =	vadd.f32 v54, v16;
	v59 =	vmul.f32 $7.071067690e-01, v57;
	v60 =	vsub.f32 v58, v7;
	[tilespmem:s23+$0x0] =	vst v56  }
0xdf: {  	v62 =	vmul.f32 $8.164966110e-01, v48;
	v9 =	vadd.f32 v9, v55;
	[tilespmem:s31+$0x8200] =	vst v5;
	v5 =	vmul.f32 $7.071067690e-01, v6  }
0xe0: {  	v61 =	vmul.f32 $4.082483050e-01, v60;
	v6 =	vmul.f32 $7.071067690e-01, v16;
	[tilespmem:s25+$0x22AA] =	vst v59  }
0xe1: {  	p0 =	slt.u32 s26, $0x1C;
	v63 =	vadd.f32 v51, v52;
	[tilespmem:s25+$0x22BB] =	vst v5;
	v5 =	vmul.f32 $7.071067690e-01, v9  }
.Ltmp0:
0xe2: {  	v7 =	vsub.f32 v7, v47;
	[tilespmem:s22+$0xFFFFFFBC] =	vst v6;
	v6 =	vadd.f32 v61, v62;
	(pc) =	sbr.rel @p0 .LBB2_2-.Ltmp0, $4  }
0xe3: {  	[tilespmem:s22+$0xFFFFFFCD] =	vst v5;
	v5 =	vmul.f32 $7.071067690e-01, v63  }
0xe4: {  	s26 =	sadd.s32 $0x4, s26;
	[tilespmem:s22+$0xFFFFFFDE] =	vst v6;
	v6 =	vmul.f32 $7.071067690e-01, v7  }
0xe5: {  	s2 =	simm.s32 $0x180;
	s24 =	sadd.s32 $0xCC, s24;
	s21 =	sadd.s32 $0xC, s21;
	[tilespmem:s22+$0xFFFFFFEF] =	vst v5  }
0xe6: {  	s23 =	sadd.s32 $0x44, s23;
	s25 =	sadd.s32 $0xCC, s25;
	[tilespmem:s22+$0x0] =	vst v6;
	s22 =	sadd.s32 $0x154, s22  }
0xe7: {  	v5 =	vmul.u32 $0x11, v0;
	_ =	sdelay $0x1  }
0xe8: {  	s0 =	simm.s32 $0x1;
	v6 =	vadd.s32 s20, v5  }
0xe9: {  	v7 =	vadd.s32 s0, v5;
	_ =	sdelay $0x2  }
0xea: {  	s13 =	simm.s32 $0x0  }
0xeb: {  	s1 =	simm.s32 $0x110;
	s0 =	smul.u32 $0x3000, s13;
	v6 =	vld.idx.msk [tilespmem:v6+s16+$0x0], $0xffff  }
0xec: {  	s14 =	simm.s32 $0x111;
	v8 =	vadd.s32 s1, v5;
	v7 =	vld.idx.msk [tilespmem:v7+s16+$0x0], $0xffff  }
0xed: {  	s15 =	simm.s32 $0x2;
	s3 =	simm.s32 $0x0;
	v9 =	vadd.s32 s14, v5;
	s4 =	sshra.s32 s0, $0x2  }
0xee: {  	s17 =	simm.s32 $0x80;
	v10 =	vadd.s32 s15, v5;
	s0 =	sand.u32 $0x200, s3;
	s10 =	sadd.s32 $0x3000, s4  }
0xef: {  	s5 =	sand.u32 $0x280, s17;
	s6 =	sor.u32 s0, s10  }
0xf0: {  	s18 =	simm.s32 $0x3;
	s8 =	sor.u32 s5, s10;
	[tilespmem:s6+$0x0] =	vst v6  }
0xf1: {  	s19 =	simm.s32 $0x220;
	v6 =	vadd.s32 s18, v5;
	[tilespmem:s8+$0x0] =	vst v7;
	v7 =	vld.idx.msk [tilespmem:v8+s16+$0x0], $0xffff  }
0xf2: {  	s21 =	simm.s32 $0x221;
	v8 =	vld.idx.msk [tilespmem:v9+s16+$0x0], $0xffff;
	v9 =	vadd.s32 s19, v5  }
0xf3: {  	s22 =	simm.s32 $0x112;
	v11 =	vadd.s32 s21, v5;
	v10 =	vld.idx.msk [tilespmem:v10+s16+$0x0], $0xffff  }
0xf4: {  	v12 =	vadd.s32 s22, v5  }
0xf5: {  	s23 =	simm.s32 $0x100  }
0xf6: {  	s24 =	simm.s32 $0x113;
	s1 =	sand.u32 $0x300, s23;
	v6 =	vld.idx.msk [tilespmem:v6+s16+$0x0], $0xffff;
	[tilespmem:s6+$0x10] =	vst v7  }
0xf7: {  	s25 =	simm.s32 $0x330;
	s7 =	sor.u32 s1, s10;
	v7 =	vadd.s32 s24, v5;
	[tilespmem:s8+$0x10] =	vst v8;
	v9 =	vld.idx.msk [tilespmem:v9+s16+$0x0], $0xffff  }
0xf8: {  	s11 =	simm.s32 $0x331;
	[tilespmem:s7+$0x0] =	vst v10;
	v10 =	vadd.s32 s25, v5;
	v8 =	vld.idx.msk [tilespmem:v11+s16+$0x0], $0xffff  }
0xf9: {  	s26 =	simm.s32 $0x222;
	s3 =	sand.u32 $0x380, s2;
	v11 =	vld.idx.msk [tilespmem:v12+s16+$0x0], $0xffff;
	v12 =	vadd.s32 s11, v5  }
0xfa: {  	v13 =	vadd.s32 s26, v5;
	s10 =	sor.u32 s3, s10  }
0xfb: {  	[tilespmem:s10+$0x0] =	vst v6  }
0xfc: {  	s11 =	simm.s32 $0x223;
	v6 =	vld.idx.msk [tilespmem:v7+s16+$0x0], $0xffff;
	[tilespmem:s6+$0x20] =	vst v9  }
0xfd: {  	s12 =	simm.s32 $0x440;
	v7 =	vadd.s32 s11, v5;
	[tilespmem:s8+$0x20] =	vst v8;
	v9 =	vld.idx.msk [tilespmem:v10+s16+$0x0], $0xffff  }
0xfe: {  	s13 =	simm.s32 $0x441;
	[tilespmem:s7+$0x10] =	vst v11;
	v8 =	vld.idx.msk [tilespmem:v12+s16+$0x0], $0xffff;
	v10 =	vadd.s32 s12, v5  }
0xff: {  	s14 =	simm.s32 $0x332;
	v11 =	vld.idx.msk [tilespmem:v13+s16+$0x0], $0xffff;
	v12 =	vadd.s32 s13, v5  }
0x100: {  	v13 =	vadd.s32 s14, v5  }
0x101: {  	[tilespmem:s10+$0x10] =	vst v6  }
0x102: {  	s15 =	simm.s32 $0x333;
	v6 =	vld.idx.msk [tilespmem:v7+s16+$0x0], $0xffff;
	[tilespmem:s6+$0x30] =	vst v9  }
0x103: {  	s17 =	simm.s32 $0x550;
	v7 =	vadd.s32 s15, v5;
	[tilespmem:s8+$0x30] =	vst v8;
	v9 =	vld.idx.msk [tilespmem:v10+s16+$0x0], $0xffff  }
0x104: {  	s18 =	simm.s32 $0x551;
	[tilespmem:s7+$0x20] =	vst v11;
	v8 =	vld.idx.msk [tilespmem:v12+s16+$0x0], $0xffff;
	v10 =	vadd.s32 s17, v5  }
0x105: {  	s19 =	simm.s32 $0x442;
	v11 =	vld.idx.msk [tilespmem:v13+s16+$0x0], $0xffff;
	v12 =	vadd.s32 s18, v5  }
0x106: {  	v13 =	vadd.s32 s19, v5  }
0x107: {  	[tilespmem:s10+$0x20] =	vst v6  }
0x108: {  	s21 =	simm.s32 $0x443;
	v6 =	vld.idx.msk [tilespmem:v7+s16+$0x0], $0xffff;
	[tilespmem:s6+$0x40] =	vst v9  }
0x109: {  	s22 =	simm.s32 $0x660;
	v7 =	vadd.s32 s21, v5;
	[tilespmem:s8+$0x40] =	vst v8;
	v9 =	vld.idx.msk [tilespmem:v10+s16+$0x0], $0xffff  }
0x10a: {  	s23 =	simm.s32 $0x661;
	[tilespmem:s7+$0x30] =	vst v11;
	v8 =	vld.idx.msk [tilespmem:v12+s16+$0x0], $0xffff;
	v10 =	vadd.s32 s22, v5  }
0x10b: {  	s24 =	simm.s32 $0x552;
	v11 =	vld.idx.msk [tilespmem:v13+s16+$0x0], $0xffff;
	v12 =	vadd.s32 s23, v5  }
0x10c: {  	v13 =	vadd.s32 s24, v5  }
0x10d: {  	[tilespmem:s10+$0x30] =	vst v6  }
0x10e: {  	s25 =	simm.s32 $0x553;
	v6 =	vld.idx.msk [tilespmem:v7+s16+$0x0], $0xffff;
	[tilespmem:s6+$0x50] =	vst v9  }
0x10f: {  	s26 =	simm.s32 $0x770;
	v7 =	vadd.s32 s25, v5;
	[tilespmem:s8+$0x50] =	vst v8;
	v9 =	vld.idx.msk [tilespmem:v10+s16+$0x0], $0xffff  }
0x110: {  	s11 =	simm.s32 $0x771;
	[tilespmem:s7+$0x40] =	vst v11;
	v8 =	vld.idx.msk [tilespmem:v12+s16+$0x0], $0xffff;
	v10 =	vadd.s32 s26, v5  }
0x111: {  	s12 =	simm.s32 $0x662;
	v11 =	vld.idx.msk [tilespmem:v13+s16+$0x0], $0xffff;
	v12 =	vadd.s32 s11, v5  }
0x112: {  	v13 =	vadd.s32 s12, v5  }
0x113: {  	[tilespmem:s10+$0x40] =	vst v6  }
0x114: {  	s13 =	simm.s32 $0x663;
	v6 =	vld.idx.msk [tilespmem:v7+s16+$0x0], $0xffff;
	[tilespmem:s6+$0x60] =	vst v9  }
0x115: {  	s14 =	simm.s32 $0x880;
	v7 =	vadd.s32 s13, v5;
	[tilespmem:s8+$0x60] =	vst v8;
	v9 =	vld.idx.msk [tilespmem:v10+s16+$0x0], $0xffff  }
0x116: {  	s15 =	simm.s32 $0x881;
	[tilespmem:s7+$0x50] =	vst v11;
	v8 =	vld.idx.msk [tilespmem:v12+s16+$0x0], $0xffff;
	v10 =	vadd.s32 s14, v5  }
0x117: {  	s17 =	simm.s32 $0x772;
	v11 =	vld.idx.msk [tilespmem:v13+s16+$0x0], $0xffff;
	v12 =	vadd.s32 s15, v5  }
0x118: {  	v13 =	vadd.s32 s17, v5  }
0x119: {  	[tilespmem:s10+$0x50] =	vst v6  }
0x11a: {  	s18 =	simm.s32 $0x773;
	v6 =	vld.idx.msk [tilespmem:v7+s16+$0x0], $0xffff;
	[tilespmem:s6+$0x70] =	vst v9  }
0x11b: {  	s19 =	simm.s32 $0x990;
	v7 =	vadd.s32 s18, v5;
	[tilespmem:s8+$0x70] =	vst v8;
	v9 =	vld.idx.msk [tilespmem:v10+s16+$0x0], $0xffff  }
0x11c: {  	s21 =	simm.s32 $0x991;
	[tilespmem:s7+$0x60] =	vst v11;
	v8 =	vld.idx.msk [tilespmem:v12+s16+$0x0], $0xffff;
	v10 =	vadd.s32 s19, v5  }
0x11d: {  	s22 =	simm.s32 $0x882;
	v11 =	vadd.s32 s21, v5;
	v12 =	vld.idx.msk [tilespmem:v13+s16+$0x0], $0xffff  }
0x11e: {  	s23 =	sadd.s32 $0x3400, s4;
	v13 =	vadd.s32 s22, v5  }
0x11f: {  	s6 =	sor.u32 s0, s23;
	[tilespmem:s10+$0x60] =	vst v6  }
0x120: {  	s24 =	simm.s32 $0x883;
	s14 =	sor.u32 s5, s23;
	v6 =	vld.idx.msk [tilespmem:v7+s16+$0x0], $0xffff;
	[tilespmem:s6+$0x0] =	vst v9  }
0x121: {  	s25 =	simm.s32 $0xAA0;
	v7 =	vadd.s32 s24, v5;
	[tilespmem:s14+$0x0] =	vst v8;
	v9 =	vld.idx.msk [tilespmem:v10+s16+$0x0], $0xffff  }
0x122: {  	s26 =	simm.s32 $0xAA1;
	[tilespmem:s7+$0x70] =	vst v12;
	v8 =	vld.idx.msk [tilespmem:v11+s16+$0x0], $0xffff;
	v10 =	vadd.s32 s25, v5  }
0x123: {  	s11 =	simm.s32 $0x992;
	v11 =	vadd.s32 s26, v5;
	v12 =	vld.idx.msk [tilespmem:v13+s16+$0x0], $0xffff  }
0x124: {  	v13 =	vadd.s32 s11, v5  }
0x125: {  	[tilespmem:s10+$0x70] =	vst v6  }
0x126: {  	s12 =	simm.s32 $0x993;
	v6 =	vld.idx.msk [tilespmem:v7+s16+$0x0], $0xffff;
	[tilespmem:s6+$0x10] =	vst v9  }
0x127: {  	s13 =	simm.s32 $0xBB0;
	s7 =	sor.u32 s1, s23;
	v7 =	vadd.s32 s12, v5;
	[tilespmem:s14+$0x10] =	vst v8;
	v9 =	vld.idx.msk [tilespmem:v10+s16+$0x0], $0xffff  }
0x128: {  	s15 =	simm.s32 $0xBB1;
	[tilespmem:s7+$0x0] =	vst v12;
	v8 =	vld.idx.msk [tilespmem:v11+s16+$0x0], $0xffff;
	v10 =	vadd.s32 s13, v5  }
0x129: {  	s17 =	simm.s32 $0xAA2;
	v11 =	vadd.s32 s15, v5;
	v12 =	vld.idx.msk [tilespmem:v13+s16+$0x0], $0xffff  }
0x12a: {  	s13 =	sor.u32 s3, s23;
	v13 =	vadd.s32 s17, v5  }
0x12b: {  	[tilespmem:s13+$0x0] =	vst v6  }
0x12c: {  	s18 =	simm.s32 $0xAA3;
	v6 =	vld.idx.msk [tilespmem:v7+s16+$0x0], $0xffff;
	[tilespmem:s6+$0x20] =	vst v9  }
0x12d: {  	s19 =	simm.s32 $0xCC0;
	v7 =	vadd.s32 s18, v5;
	[tilespmem:s14+$0x20] =	vst v8;
	v9 =	vld.idx.msk [tilespmem:v10+s16+$0x0], $0xffff  }
0x12e: {  	s21 =	simm.s32 $0xCC1;
	[tilespmem:s7+$0x10] =	vst v12;
	v8 =	vld.idx.msk [tilespmem:v11+s16+$0x0], $0xffff;
	v10 =	vadd.s32 s19, v5  }
0x12f: {  	s22 =	simm.s32 $0xBB2;
	v11 =	vadd.s32 s21, v5;
	v12 =	vld.idx.msk [tilespmem:v13+s16+$0x0], $0xffff  }
0x130: {  	v13 =	vadd.s32 s22, v5  }
0x131: {  	[tilespmem:s13+$0x10] =	vst v6  }
0x132: {  	s23 =	simm.s32 $0xBB3;
	v6 =	vld.idx.msk [tilespmem:v7+s16+$0x0], $0xffff;
	[tilespmem:s6+$0x30] =	vst v9  }
0x133: {  	s24 =	simm.s32 $0xDD0;
	v7 =	vadd.s32 s23, v5;
	[tilespmem:s14+$0x30] =	vst v8;
	v9 =	vld.idx.msk [tilespmem:v10+s16+$0x0], $0xffff  }
0x134: {  	s25 =	simm.s32 $0xDD1;
	[tilespmem:s7+$0x20] =	vst v12;
	v8 =	vld.idx.msk [tilespmem:v11+s16+$0x0], $0xffff;
	v10 =	vadd.s32 s24, v5  }
0x135: {  	s26 =	simm.s32 $0xCC2;
	v11 =	vadd.s32 s25, v5;
	v12 =	vld.idx.msk [tilespmem:v13+s16+$0x0], $0xffff  }
0x136: {  	s21 =	simm.s32 $0x4;
	v13 =	vadd.s32 s26, v5  }
0x137: {  	s8 =	simm.s32 $0x5;
	[tilespmem:s13+$0x20] =	vst v6;
	v6 =	vadd.s32 s21, v5  }
0x138: {  	s10 =	simm.s32 $0xCC3;
	v7 =	vld.idx.msk [tilespmem:v7+s16+$0x0], $0xffff;
	[tilespmem:s6+$0x40] =	vst v9;
	v9 =	vadd.s32 s8, v5  }
0x139: {  	v14 =	vadd.s32 s10, v5;
	s15 =	simm.s32 $0x6;
	[tilespmem:s14+$0x40] =	vst v8;
	v10 =	vld.idx.msk [tilespmem:v10+s16+$0x0], $0xffff  }
0x13a: {  	s24 =	simm.s32 $0x7;
	[tilespmem:s7+$0x30] =	vst v12;
	v12 =	vadd.s32 s15, v5;
	v8 =	vld.idx.msk [tilespmem:v11+s16+$0x0], $0xffff  }
0x13b: {  	s12 =	simm.s32 $0x0;
	s18 =	simm.s32 $0xEE1;
	v16 =	vadd.s32 s24, v5;
	v13 =	vld.idx.msk [tilespmem:v13+s16+$0x0], $0xffff  }
0x13c: {  	s17 =	smul.u32 $0x3000, s12;
	v15 =	vadd.s32 s18, v5;
	s19 =	simm.s32 $0x114;
	v6 =	vld.idx.msk [tilespmem:v6+s16+$0x0], $0xffff  }
0x13d: {  	s11 =	simm.s32 $0xEE0;
	s12 =	simm.s32 $0x280;
	s22 =	simm.s32 $0x115;
	[tilespmem:s13+$0x30] =	vst v7;
	v7 =	vld.idx.msk [tilespmem:v9+s16+$0x0], $0xffff;
	v9 =	vadd.s32 s19, v5  }
0x13e: {  	s23 =	sshra.s32 s17, $0x2;
	s25 =	simm.s32 $0xDD2;
	s26 =	simm.s32 $0x200;
	v11 =	vadd.s32 s11, v5;
	v14 =	vld.idx.msk [tilespmem:v14+s16+$0x0], $0xffff;
	[tilespmem:s6+$0x50] =	vst v10  }
0x13f: {  	s2 =	sadd.s32 $0x3000, s23;
	v10 =	vadd.s32 s22, v5;
	s22 =	sand.u32 $0x200, s26;
	[tilespmem:s14+$0x50] =	vst v8;
	v8 =	vld.idx.msk [tilespmem:v12+s16+$0x0], $0xffff;
	v12 =	vadd.s32 s25, v5;
	s25 =	simm.s32 $0x116  }
0x140: {  	s24 =	sand.u32 $0x280, s12;
	s15 =	simm.s32 $0xDD3;
	[tilespmem:s7+$0x40] =	vst v13;
	v13 =	vld.idx.msk [tilespmem:v16+s16+$0x0], $0xffff;
	s11 =	sor.u32 s22, s2;
	v18 =	vadd.s32 s25, v5  }
0x141: {  	s17 =	simm.s32 $0xFF1;
	s12 =	sor.u32 s24, s2;
	[tilespmem:s11+$0x0] =	vst v6;
	v6 =	vld.idx.msk [tilespmem:v15+s16+$0x0], $0xffff;
	v15 =	vadd.s32 s15, v5;
	s15 =	simm.s32 $0x300  }
0x142: {  	s28 =	simm.s32 $0x380;
	s26 =	simm.s32 $0x117;
	s25 =	sand.u32 $0x300, s15;
	[tilespmem:s12+$0x0] =	vst v7;
	v7 =	vld.idx.msk [tilespmem:v9+s16+$0x0], $0xffff;
	v9 =	vadd.s32 s17, v5  }
0x143: {  	s18 =	simm.s32 $0x224;
	v11 =	vld.idx.msk [tilespmem:v11+s16+$0x0], $0xffff;
	[tilespmem:s13+$0x40] =	vst v14;
	v14 =	vadd.s32 s26, v5;
	s8 =	sor.u32 s25, s2;
	s26 =	sand.u32 $0x380, s28  }
0x144: {  	v17 =	vadd.s32 s18, v5;
	s19 =	simm.s32 $0x225;
	v10 =	vld.idx.msk [tilespmem:v10+s16+$0x0], $0xffff;
	s10 =	sor.u32 s26, s2;
	[tilespmem:s8+$0x0] =	vst v8  }
0x145: {  	v16 =	vadd.s32 s19, v5;
	v18 =	vld.idx.msk [tilespmem:v18+s16+$0x0], $0xffff;
	[tilespmem:s10+$0x0] =	vst v13  }
0x146: {  	s17 =	simm.s32 $0xFF0;
	[tilespmem:s14+$0x60] =	vst v6;
	v15 =	vld.idx.msk [tilespmem:v15+s16+$0x0], $0xffff  }
0x147: {  	v6 =	vadd.s32 s17, v5;
	s17 =	simm.s32 $0x226;
	[tilespmem:s11+$0x10] =	vst v7;
	v7 =	vld.idx.msk [tilespmem:v9+s16+$0x0], $0xffff  }
0x148: {  	s18 =	simm.s32 $0xEE3;
	v13 =	vld.idx.msk [tilespmem:v14+s16+$0x0], $0xffff;
	v14 =	vadd.s32 s17, v5  }
0x149: {  	s15 =	simm.s32 $0x1101;
	v9 =	vld.idx.msk [tilespmem:v17+s16+$0x0], $0xffff;
	[tilespmem:s12+$0x10] =	vst v10;
	v10 =	vadd.s32 s18, v5  }
0x14a: {  	s19 =	simm.s32 $0x334;
	[tilespmem:s6+$0x60] =	vst v11;
	v8 =	vld.idx.msk [tilespmem:v16+s16+$0x0], $0xffff;
	v16 =	vadd.s32 s15, v5  }
0x14b: {  	v12 =	vld.idx.msk [tilespmem:v12+s16+$0x0], $0xffff;
	v17 =	vadd.s32 s19, v5;
	s15 =	simm.s32 $0x335;
	[tilespmem:s8+$0x10] =	vst v18  }
0x14c: {  	s19 =	simm.s32 $0x227;
	v11 =	vadd.s32 s15, v5;
	v6 =	vld.idx.msk [tilespmem:v6+s16+$0x0], $0xffff;
	[tilespmem:s13+$0x50] =	vst v15  }
0x14d: {  	s18 =	simm.s32 $0xEE2;
	v15 =	vadd.s32 s19, v5;
	[tilespmem:s14+$0x70] =	vst v7;
	v14 =	vld.idx.msk [tilespmem:v14+s16+$0x0], $0xffff  }
0x14e: {  	v7 =	vadd.s32 s18, v5;
	s14 =	simm.s32 $0x336;
	[tilespmem:s10+$0x10] =	vst v13;
	v10 =	vld.idx.msk [tilespmem:v10+s16+$0x0], $0xffff  }
0x14f: {  	s15 =	simm.s32 $0xFF3;
	[tilespmem:s11+$0x20] =	vst v9;
	v13 =	vadd.s32 s14, v5;
	v9 =	vld.idx.msk [tilespmem:v16+s16+$0x0], $0xffff  }
0x150: {  	s17 =	simm.s32 $0x1211;
	v16 =	vld.idx.msk [tilespmem:v17+s16+$0x0], $0xffff;
	[tilespmem:s12+$0x20] =	vst v8;
	v8 =	vadd.s32 s15, v5  }
0x151: {  	[tilespmem:s7+$0x50] =	vst v12;
	s18 =	simm.s32 $0x444;
	v17 =	vadd.s32 s17, v5;
	v11 =	vld.idx.msk [tilespmem:v11+s16+$0x0], $0xffff  }
0x152: {  	s4 =	sadd.s32 $0x3800, s4;
	s19 =	simm.s32 $0x445;
	v18 =	vadd.s32 s18, v5;
	v15 =	vld.idx.msk [tilespmem:v15+s16+$0x0], $0xffff;
	[tilespmem:s8+$0x20] =	vst v14  }
0x153: {  	s5 =	sor.u32 s5, s4;
	v12 =	vadd.s32 s19, v5;
	s17 =	simm.s32 $0x337;
	v7 =	vld.idx.msk [tilespmem:v7+s16+$0x0], $0xffff;
	[tilespmem:s13+$0x60] =	vst v10  }
0x154: {  	s15 =	simm.s32 $0xFF2;
	v10 =	vadd.s32 s17, v5;
	v13 =	vld.idx.msk [tilespmem:v13+s16+$0x0], $0xffff;
	[tilespmem:s5+$0x0] =	vst v9  }
0x155: {  	s18 =	simm.s32 $0x1103;
	v9 =	vadd.s32 s15, v5;
	v8 =	vld.idx.msk [tilespmem:v8+s16+$0x0], $0xffff;
	[tilespmem:s11+$0x30] =	vst v16  }
0x156: {  	s19 =	simm.s32 $0x1321;
	v16 =	vld.idx.msk [tilespmem:v17+s16+$0x0], $0xffff;
	[tilespmem:s12+$0x30] =	vst v11;
	v11 =	vadd.s32 s18, v5  }
0x157: {  	v14 =	vadd.s32 s19, v5;
	s15 =	simm.s32 $0x554;
	v17 =	vld.idx.msk [tilespmem:v18+s16+$0x0], $0xffff;
	[tilespmem:s10+$0x20] =	vst v15  }
0x158: {  	v18 =	vadd.s32 s15, v5;
	s18 =	simm.s32 $0x446;
	v12 =	vld.idx.msk [tilespmem:v12+s16+$0x0], $0xffff;
	[tilespmem:s7+$0x60] =	vst v7  }
0x159: {  	s17 =	simm.s32 $0x555;
	v15 =	vadd.s32 s18, v5;
	v10 =	vld.idx.msk [tilespmem:v10+s16+$0x0], $0xffff;
	[tilespmem:s8+$0x30] =	vst v13  }
0x15a: {  	s19 =	simm.s32 $0x1102;
	v7 =	vadd.s32 s17, v5;
	v9 =	vld.idx.msk [tilespmem:v9+s16+$0x0], $0xffff;
	[tilespmem:s13+$0x70] =	vst v8  }
0x15b: {  	s14 =	simm.s32 $0x447;
	v8 =	vadd.s32 s19, v5;
	[tilespmem:s5+$0x10] =	vst v16;
	v11 =	vld.idx.msk [tilespmem:v11+s16+$0x0], $0xffff  }
0x15c: {  	s15 =	simm.s32 $0x1213;
	[tilespmem:s11+$0x40] =	vst v17;
	v16 =	vadd.s32 s14, v5;
	v14 =	vld.idx.msk [tilespmem:v14+s16+$0x0], $0xffff  }
0x15d: {  	s17 =	simm.s32 $0x1431;
	v17 =	vld.idx.msk [tilespmem:v18+s16+$0x0], $0xffff;
	[tilespmem:s12+$0x40] =	vst v12;
	v12 =	vadd.s32 s15, v5  }
0x15e: {  	[tilespmem:s6+$0x70] =	vst v6;
	s18 =	simm.s32 $0x664;
	v13 =	vadd.s32 s17, v5;
	v15 =	vld.idx.msk [tilespmem:v15+s16+$0x0], $0xffff  }
0x15f: {  	s19 =	simm.s32 $0x665;
	v18 =	vadd.s32 s18, v5;
	v7 =	vld.idx.msk [tilespmem:v7+s16+$0x0], $0xffff;
	[tilespmem:s7+$0x70] =	vst v9  }
0x160: {  	s29 =	sor.u32 s3, s4;
	[tilespmem:s10+$0x30] =	vst v10;
	v9 =	vadd.s32 s19, v5;
	s7 =	simm.s32 $0x556;
	v8 =	vld.idx.msk [tilespmem:v8+s16+$0x0], $0xffff  }
0x161: {  	s13 =	simm.s32 $0x1212;
	v10 =	vadd.s32 s7, v5;
	v16 =	vld.idx.msk [tilespmem:v16+s16+$0x0], $0xffff;
	[tilespmem:s29+$0x0] =	vst v11  }
0x162: {  	s14 =	simm.s32 $0x557;
	v11 =	vadd.s32 s13, v5;
	[tilespmem:s5+$0x20] =	vst v14;
	v12 =	vld.idx.msk [tilespmem:v12+s16+$0x0], $0xffff  }
0x163: {  	s15 =	simm.s32 $0x1323;
	[tilespmem:s11+$0x50] =	vst v17;
	v14 =	vadd.s32 s14, v5;
	v13 =	vld.idx.msk [tilespmem:v13+s16+$0x0], $0xffff  }
0x164: {  	s17 =	simm.s32 $0x1541;
	v17 =	vld.idx.msk [tilespmem:v18+s16+$0x0], $0xffff;
	[tilespmem:s12+$0x50] =	vst v7;
	v7 =	vadd.s32 s15, v5  }
0x165: {  	s30 =	sor.u32 s1, s4;
	s18 =	simm.s32 $0x774;
	[tilespmem:s8+$0x40] =	vst v15;
	v15 =	vadd.s32 s17, v5;
	v9 =	vld.idx.msk [tilespmem:v9+s16+$0x0], $0xffff  }
0x166: {  	s19 =	simm.s32 $0x775;
	v18 =	vadd.s32 s18, v5;
	v10 =	vld.idx.msk [tilespmem:v10+s16+$0x0], $0xffff;
	[tilespmem:s30+$0x0] =	vst v8  }
0x167: {  	s2 =	simm.s32 $0x666;
	v8 =	vadd.s32 s19, v5;
	[tilespmem:s10+$0x40] =	vst v16;
	v11 =	vld.idx.msk [tilespmem:v11+s16+$0x0], $0xffff  }
0x168: {  	s3 =	simm.s32 $0x1322;
	v16 =	vadd.s32 s2, v5;
	v14 =	vld.idx.msk [tilespmem:v14+s16+$0x0], $0xffff;
	[tilespmem:s29+$0x10] =	vst v12  }
0x169: {  	s7 =	simm.s32 $0x667;
	v12 =	vadd.s32 s3, v5;
	[tilespmem:s5+$0x30] =	vst v13;
	v7 =	vld.idx.msk [tilespmem:v7+s16+$0x0], $0xffff  }
0x16a: {  	s13 =	simm.s32 $0x1433;
	[tilespmem:s11+$0x60] =	vst v17;
	v13 =	vadd.s32 s7, v5;
	v15 =	vld.idx.msk [tilespmem:v15+s16+$0x0], $0xffff  }
0x16b: {  	s15 =	simm.s32 $0x884;
	v17 =	vld.idx.msk [tilespmem:v18+s16+$0x0], $0xffff;
	[tilespmem:s12+$0x60] =	vst v9;
	v9 =	vadd.s32 s13, v5  }
0x16c: {  	s14 =	simm.s32 $0x1651;
	v18 =	vadd.s32 s15, v5;
	v8 =	vld.idx.msk [tilespmem:v8+s16+$0x0], $0xffff;
	[tilespmem:s8+$0x50] =	vst v10  }
0x16d: {  	s17 =	simm.s32 $0x885;
	v10 =	vadd.s32 s14, v5;
	v16 =	vld.idx.msk [tilespmem:v16+s16+$0x0], $0xffff;
	[tilespmem:s30+$0x10] =	vst v11  }
0x16e: {  	s18 =	simm.s32 $0x1100;
	v11 =	vadd.s32 s17, v5;
	[tilespmem:s10+$0x50] =	vst v14;
	v12 =	vld.idx.msk [tilespmem:v12+s16+$0x0], $0xffff  }
0x16f: {  	s19 =	simm.s32 $0x776;
	v14 =	vadd.s32 s18, v5;
	v13 =	vld.idx.msk [tilespmem:v13+s16+$0x0], $0xffff;
	[tilespmem:s29+$0x20] =	vst v7  }
0x170: {  	s2 =	simm.s32 $0x777;
	v7 =	vadd.s32 s19, v5;
	[tilespmem:s11+$0x70] =	vst v17;
	v9 =	vld.idx.msk [tilespmem:v9+s16+$0x0], $0xffff  }
0x171: {  	s3 =	simm.s32 $0x1543;
	[tilespmem:s5+$0x40] =	vst v15;
	v15 =	vadd.s32 s2, v5;
	v17 =	vld.idx.msk [tilespmem:v18+s16+$0x0], $0xffff  }
0x172: {  	s11 =	simm.s32 $0x994;
	v10 =	vld.idx.msk [tilespmem:v10+s16+$0x0], $0xffff;
	[tilespmem:s12+$0x70] =	vst v8;
	v8 =	vadd.s32 s3, v5  }
0x173: {  	s7 =	simm.s32 $0x1761;
	v18 =	vadd.s32 s11, v5;
	v11 =	vld.idx.msk [tilespmem:v11+s16+$0x0], $0xffff;
	[tilespmem:s8+$0x60] =	vst v16  }
0x174: {  	v6 =	vadd.s32 s7, v5;
	s12 =	simm.s32 $0x995;
	v14 =	vld.idx.msk [tilespmem:v14+s16+$0x0], $0xffff;
	[tilespmem:s10+$0x60] =	vst v13  }
0x175: {  	s13 =	simm.s32 $0x1210;
	s2 =	sadd.s32 $0x3400, s23;
	v16 =	vadd.s32 s12, v5;
	v7 =	vld.idx.msk [tilespmem:v7+s16+$0x0], $0xffff;
	[tilespmem:s30+$0x20] =	vst v12  }
0x176: {  	s14 =	simm.s32 $0x886;
	s31 =	sor.u32 s22, s2;
	v13 =	vadd.s32 s13, v5;
	v15 =	vld.idx.msk [tilespmem:v15+s16+$0x0], $0xffff;
	[tilespmem:s29+$0x30] =	vst v9  }
0x177: {  	s15 =	simm.s32 $0x887;
	v9 =	vadd.s32 s14, v5;
	[tilespmem:s31+$0x0] =	vst v17;
	v8 =	vld.idx.msk [tilespmem:v8+s16+$0x0], $0xffff  }
0x178: {  	s17 =	simm.s32 $0x1653;
	s3 =	sor.u32 s24, s2;
	[tilespmem:s5+$0x50] =	vst v10;
	v10 =	vadd.s32 s15, v5;
	v17 =	vld.idx.msk [tilespmem:v18+s16+$0x0], $0xffff  }
0x179: {  	s1 =	sor.u32 s0, s4;
	s18 =	simm.s32 $0x1871;
	v6 =	vld.idx.msk [tilespmem:v6+s16+$0x0], $0xffff;
	[tilespmem:s3+$0x0] =	vst v11;
	v11 =	vadd.s32 s17, v5  }
0x17a: {  	s19 =	simm.s32 $0xAA4;
	[tilespmem:s1+$0x0] =	vst v14;
	v14 =	vadd.s32 s18, v5;
	v16 =	vld.idx.msk [tilespmem:v16+s16+$0x0], $0xffff  }
0x17b: {  	s6 =	simm.s32 $0xAA5;
	v18 =	vadd.s32 s19, v5;
	[tilespmem:s8+$0x70] =	vst v7;
	v7 =	vld.idx.msk [tilespmem:v13+s16+$0x0], $0xffff  }
0x17c: {  	s7 =	simm.s32 $0x1320;
	v13 =	vadd.s32 s6, v5;
	[tilespmem:s10+$0x70] =	vst v15;
	v9 =	vld.idx.msk [tilespmem:v9+s16+$0x0], $0xffff  }
0x17d: {  	s8 =	simm.s32 $0x996;
	v15 =	vadd.s32 s7, v5;
	v10 =	vld.idx.msk [tilespmem:v10+s16+$0x0], $0xffff;
	[tilespmem:s29+$0x40] =	vst v8  }
0x17e: {  	s10 =	simm.s32 $0x997;
	v8 =	vadd.s32 s8, v5;
	[tilespmem:s5+$0x60] =	vst v6;
	v6 =	vld.idx.msk [tilespmem:v11+s16+$0x0], $0xffff  }
0x17f: {  	s11 =	simm.s32 $0x1763;
	[tilespmem:s31+$0x10] =	vst v17;
	v11 =	vadd.s32 s10, v5;
	v20 =	vld.idx.msk [tilespmem:v14+s16+$0x0], $0xffff  }
0x180: {  	s12 =	simm.s32 $0x1432;
	v14 =	vld.idx.msk [tilespmem:v18+s16+$0x0], $0xffff;
	[tilespmem:s3+$0x10] =	vst v16;
	v16 =	vadd.s32 s11, v5  }
0x181: {  	s13 =	simm.s32 $0xBB4;
	s17 =	sor.u32 s25, s2;
	[tilespmem:s1+$0x10] =	vst v7;
	v7 =	vadd.s32 s12, v5;
	v13 =	vld.idx.msk [tilespmem:v13+s16+$0x0], $0xffff  }
0x182: {  	s4 =	sor.u32 s26, s2;
	s14 =	simm.s32 $0xBB5;
	v17 =	vadd.s32 s13, v5;
	[tilespmem:s17+$0x0] =	vst v9;
	v9 =	vld.idx.msk [tilespmem:v15+s16+$0x0], $0xffff  }
0x183: {  	s15 =	simm.s32 $0x1430;
	v15 =	vadd.s32 s14, v5;
	v8 =	vld.idx.msk [tilespmem:v8+s16+$0x0], $0xffff;
	[tilespmem:s4+$0x0] =	vst v10  }
0x184: {  	s18 =	simm.s32 $0xAA6;
	v10 =	vadd.s32 s15, v5;
	v11 =	vld.idx.msk [tilespmem:v11+s16+$0x0], $0xffff;
	[tilespmem:s29+$0x50] =	vst v6  }
0x185: {  	s19 =	simm.s32 $0xAA7;
	v6 =	vadd.s32 s18, v5;
	v12 =	vld.idx.msk [tilespmem:v16+s16+$0x0], $0xffff;
	[tilespmem:s31+$0x20] =	vst v14  }
0x186: {  	s2 =	simm.s32 $0x1873;
	v14 =	vadd.s32 s19, v5;
	v7 =	vld.idx.msk [tilespmem:v7+s16+$0x0], $0xffff;
	[tilespmem:s5+$0x70] =	vst v20  }
0x187: {  	s6 =	simm.s32 $0x1542;
	v16 =	vld.idx.msk [tilespmem:v17+s16+$0x0], $0xffff;
	[tilespmem:s3+$0x20] =	vst v13;
	v13 =	vadd.s32 s2, v5  }
0x188: {  	s7 =	simm.s32 $0xCC4;
	v17 =	vadd.s32 s6, v5;
	v15 =	vld.idx.msk [tilespmem:v15+s16+$0x0], $0xffff;
	[tilespmem:s1+$0x20] =	vst v9  }
0x189: {  	s8 =	simm.s32 $0xCC5;
	v18 =	vadd.s32 s7, v5;
	[tilespmem:s17+$0x10] =	vst v8;
	v8 =	vld.idx.msk [tilespmem:v10+s16+$0x0], $0xffff  }
0x18a: {  	s10 =	simm.s32 $0x1540;
	v10 =	vadd.s32 s8, v5;
	v6 =	vld.idx.msk [tilespmem:v6+s16+$0x0], $0xffff;
	[tilespmem:s4+$0x10] =	vst v11  }
0x18b: {  	s11 =	simm.s32 $0xBB6;
	v11 =	vadd.s32 s10, v5;
	v19 =	vld.idx.msk [tilespmem:v14+s16+$0x0], $0xffff;
	[tilespmem:s29+$0x60] =	vst v12  }
0x18c: {  	s12 =	simm.s32 $0xBB7;
	v21 =	vadd.s32 s11, v5;
	[tilespmem:s30+$0x30] =	vst v7;
	v9 =	vld.idx.msk [tilespmem:v13+s16+$0x0], $0xffff  }
0x18d: {  	v7 =	vadd.s32 s12, v5;
	[tilespmem:s31+$0x30] =	vst v16;
	v12 =	vld.idx.msk [tilespmem:v17+s16+$0x0], $0xffff  }
0x18e: {  	v14 =	vld.idx.msk [tilespmem:v18+s16+$0x0], $0xffff;
	[tilespmem:s3+$0x30] =	vst v15  }
0x18f: {  	s15 =	simm.s32 $0x1652;
	v15 =	vld.idx.msk [tilespmem:v10+s16+$0x0], $0xffff;
	[tilespmem:s1+$0x30] =	vst v8  }
0x190: {  	s18 =	simm.s32 $0xDD4;
	v13 =	vadd.s32 s15, v5;
	[tilespmem:s17+$0x20] =	vst v6;
	v11 =	vld.idx.msk [tilespmem:v11+s16+$0x0], $0xffff  }
0x191: {  	s13 =	simm.s32 $0xCC6;
	s14 =	simm.s32 $0x1650;
	s19 =	simm.s32 $0xDD5;
	v16 =	vadd.s32 s18, v5;
	v17 =	vld.idx.msk [tilespmem:v21+s16+$0x0], $0xffff;
	[tilespmem:s4+$0x20] =	vst v19  }
0x192: {  	s0 =	simm.s32 $0x0;
	s6 =	simm.s32 $0x8;
	s10 =	simm.s32 $0xCC7;
	v18 =	vadd.s32 s19, v5;
	v8 =	vadd.s32 s13, v5;
	v10 =	vadd.s32 s14, v5;
	v6 =	vmovc v5;
	v19 =	vld.idx.msk [tilespmem:v7+s16+$0x0], $0xffff;
	v7 =	vmovc v5  }
.LBB2_4:
0x193: {  	s5 =	sshrl.u32 s6, $0x3  }
0x194: {  	s7 =	sadd.s32 $0xCC3, s6;
	[tilespmem:s30+$0x40] =	vst v12;
	s2 =	smov.u32 s6;
	s11 =	sadd.s32 $0x4, s6  }
0x195: {  	p0 =	slt.u32 s6, $0xC;
	v12 =	vadd.s32 s10, v6;
	s5 =	smul.u32 $0x3000, s5;
	s8 =	sadd.s32 $0xCC2, s2;
	[tilespmem:s31+$0x40] =	vst v14;
	v13 =	vld.idx.msk [tilespmem:v13+s16+$0x0], $0xffff  }
0x196: {  	v14 =	vadd.s32 s2, v5;
	s12 =	sadd.s32 $0x1, s2;
	s10 =	smov.u32 s7;
	v20 =	vadd.s32 s8, v5;
	v16 =	vld.idx.msk [tilespmem:v16+s16+$0x0], $0xffff;
	[tilespmem:s3+$0x40] =	vst v15  }
0x197: {  	s7 =	sadd.s32 $0xEE0, s21;
	v15 =	vadd.s32 s12, v5;
	s6 =	sshra.s32 s5, $0x2;
	s5 =	sadd.s32 $0x2, s2;
	v18 =	vld.idx.msk [tilespmem:v18+s16+$0x0], $0xffff;
	[tilespmem:s1+$0x40] =	vst v11  }
0x198: {  	v21 =	vadd.s32 s7, v6;
	s7 =	sadd.s32 $0x1762, s0;
	v11 =	vadd.s32 s5, v5;
	s5 =	sadd.s32 $0x3, s2;
	[tilespmem:s17+$0x30] =	vst v17;
	v10 =	vld.idx.msk [tilespmem:v10+s16+$0x0], $0xffff  }
0x199: {  	v17 =	vadd.s32 s5, v5;
	v22 =	vld.idx.msk [tilespmem:v8+s16+$0x0], $0xffff;
	[tilespmem:s4+$0x30] =	vst v19;
	s5 =	sadd.s32 $0x1760, s0;
	v19 =	vadd.s32 s7, v7;
	v8 =	vmov v20  }
0x19a: {  	v12 =	vld.idx.msk [tilespmem:v12+s16+$0x0], $0xffff;
	v20 =	vadd.s32 s5, v7  }
0x19b: {  	s7 =	sadd.s32 $0x1870, s0;
	v14 =	vld.idx.msk [tilespmem:v14+s16+$0x0], $0xffff;
	[tilespmem:s30+$0x50] =	vst v13  }
0x19c: {  	s8 =	sadd.s32 $0xEE1, s21;
	s0 =	sadd.s32 $0x1872, s0;
	s5 =	sadd.s32 $0x110, s2;
	v13 =	vld.idx.msk [tilespmem:v15+s16+$0x0], $0xffff;
	[tilespmem:s31+$0x50] =	vst v16  }
0x19d: {  	s28 =	sadd.s32 $0x200, s28;
	v15 =	vadd.s32 s5, v5;
	s5 =	sadd.s32 $0x111, s2;
	v16 =	vld.idx.msk [tilespmem:v21+s16+$0x0], $0xffff;
	[tilespmem:s3+$0x50] =	vst v18;
	v18 =	vadd.s32 s8, v6;
	s8 =	sadd.s32 $0xDD2, s21  }
0x19e: {  	s13 =	sadd.s32 $0x112, s2;
	s14 =	sadd.s32 $0x113, s2;
	s12 =	sadd.s32 $0xFFFFFE80, s28;
	v21 =	vadd.s32 s5, v5;
	[tilespmem:s1+$0x50] =	vst v10;
	v10 =	vld.idx.msk [tilespmem:v19+s16+$0x0], $0xffff  }
0x19f: {  	s15 =	sadd.s32 $0xFFFFFF00, s28;
	s19 =	sadd.s32 $0x3000, s6;
	s5 =	sand.u32 $0x200, s12;
	v19 =	vadd.s32 s13, v5;
	v11 =	vld.idx.msk [tilespmem:v11+s16+$0x0], $0xffff;
	[tilespmem:s17+$0x40] =	vst v22  }
0x1a0: {  	s18 =	sand.u32 $0x280, s15;
	s15 =	sadd.s32 $0xFFFFFF80, s28;
	s12 =	sor.u32 s5, s19;
	v22 =	vadd.s32 s14, v5;
	[tilespmem:s4+$0x40] =	vst v12;
	v12 =	vld.idx.msk [tilespmem:v20+s16+$0x0], $0xffff;
	v20 =	vadd.s32 s0, v7  }
0x1a1: {  	v23 =	vadd.s32 s7, v7;
	s13 =	sor.u32 s18, s19;
	s14 =	sand.u32 $0x300, s15;
	v7 =	vmovc v6;
	s0 =	smov.u32 s21;
	[tilespmem:s12+$0x0] =	vst v14;
	v14 =	vld.idx.msk [tilespmem:v17+s16+$0x0], $0xffff;
	v17 =	vadd.s32 s8, v6;
	v6 =	vmov v5  }
0x1a2: {  	s15 =	sand.u32 $0x380, s28;
	s7 =	sor.u32 s14, s19;
	s21 =	sadd.s32 $0xDD3, s0;
	[tilespmem:s13+$0x0] =	vst v13;
	v13 =	vld.idx.msk [tilespmem:v18+s16+$0x0], $0xffff  }
0x1a3: {  	s8 =	sor.u32 s15, s19;
	s19 =	sadd.s32 $0xFF1, s0;
	v15 =	vld.idx.msk [tilespmem:v15+s16+$0x0], $0xffff;
	[tilespmem:s31+$0x60] =	vst v16;
	v16 =	vadd.s32 s21, v7;
	s21 =	smov.u32 s2  }
0x1a4: {  	s2 =	sadd.s32 $0x220, s21;
	v18 =	vld.idx.msk [tilespmem:v21+s16+$0x0], $0xffff;
	v21 =	vadd.s32 s19, v7;
	[tilespmem:s30+$0x60] =	vst v10  }
0x1a5: {  	v10 =	vadd.s32 s2, v6;
	s2 =	sadd.s32 $0x221, s21;
	v20 =	vld.idx.msk [tilespmem:v20+s16+$0x0], $0xffff;
	[tilespmem:s29+$0x70] =	vst v9  }
0x1a6: {  	v9 =	vadd.s32 s2, v6;
	s2 =	sadd.s32 $0x222, s21;
	v17 =	vld.idx.msk [tilespmem:v17+s16+$0x0], $0xffff;
	[tilespmem:s1+$0x60] =	vst v12  }
0x1a7: {  	[tilespmem:s7+$0x0] =	vst v11;
	v11 =	vadd.s32 s2, v6;
	s2 =	sadd.s32 $0x223, s21;
	v12 =	vld.idx.msk [tilespmem:v23+s16+$0x0], $0xffff  }
0x1a8: {  	v23 =	vadd.s32 s2, v6;
	s2 =	sadd.s32 $0xFF0, s0;
	[tilespmem:s3+$0x60] =	vst v13;
	v13 =	vld.idx.msk [tilespmem:v16+s16+$0x0], $0xffff  }
0x1a9: {  	[tilespmem:s12+$0x10] =	vst v15;
	v15 =	vadd.s32 s2, v7;
	v16 =	vld.idx.msk [tilespmem:v21+s16+$0x0], $0xffff;
	s2 =	sadd.s32 $0xEE3, s0  }
0x1aa: {  	s19 =	sadd.s32 $0x1101, s0;
	v10 =	vld.idx.msk [tilespmem:v10+s16+$0x0], $0xffff;
	[tilespmem:s13+$0x10] =	vst v18;
	v18 =	vadd.s32 s2, v7  }
0x1ab: {  	v24 =	vadd.s32 s19, v7;
	s2 =	sadd.s32 $0x330, s21;
	v21 =	vld.idx.msk [tilespmem:v9+s16+$0x0], $0xffff;
	[tilespmem:s30+$0x70] =	vst v20  }
0x1ac: {  	v20 =	vadd.s32 s2, v6;
	s2 =	sadd.s32 $0x331, s21;
	v19 =	vld.idx.msk [tilespmem:v19+s16+$0x0], $0xffff;
	[tilespmem:s8+$0x0] =	vst v14  }
0x1ad: {  	v14 =	vadd.s32 s2, v6;
	v22 =	vld.idx.msk [tilespmem:v22+s16+$0x0], $0xffff;
	[tilespmem:s1+$0x70] =	vst v12  }
0x1ae: {  	s1 =	sadd.s32 $0xEE2, s0;
	v9 =	vld.idx.msk [tilespmem:v15+s16+$0x0], $0xffff;
	[tilespmem:s4+$0x50] =	vst v13  }
0x1af: {  	v12 =	vadd.s32 s1, v7;
	[tilespmem:s3+$0x70] =	vst v16;
	v13 =	vld.idx.msk [tilespmem:v18+s16+$0x0], $0xffff  }
0x1b0: {  	s1 =	sadd.s32 $0xFF3, s0;
	[tilespmem:s12+$0x20] =	vst v10;
	v10 =	vld.idx.msk [tilespmem:v24+s16+$0x0], $0xffff  }
0x1b1: {  	s2 =	sadd.s32 $0x1211, s0;
	v16 =	vadd.s32 s1, v7;
	v15 =	vld.idx.msk [tilespmem:v20+s16+$0x0], $0xffff;
	[tilespmem:s13+$0x20] =	vst v21  }
0x1b2: {  	s1 =	sadd.s32 $0x440, s21;
	v18 =	vadd.s32 s2, v7;
	v14 =	vld.idx.msk [tilespmem:v14+s16+$0x0], $0xffff;
	[tilespmem:s7+$0x10] =	vst v19  }
0x1b3: {  	v19 =	vadd.s32 s1, v6;
	s1 =	sadd.s32 $0x441, s21;
	v11 =	vld.idx.msk [tilespmem:v11+s16+$0x0], $0xffff;
	[tilespmem:s17+$0x50] =	vst v17  }
0x1b4: {  	s2 =	sadd.s32 $0x332, s21;
	v17 =	vadd.s32 s1, v6;
	s1 =	sadd.s32 $0x3800, s23;
	s23 =	smov.u32 s6;
	[tilespmem:s8+$0x10] =	vst v22;
	v12 =	vld.idx.msk [tilespmem:v12+s16+$0x0], $0xffff  }
0x1b5: {  	v20 =	vadd.s32 s2, v6;
	s2 =	sadd.s32 $0xFF2, s0;
	s6 =	sor.u32 s24, s1;
	s24 =	smov.u32 s18;
	v21 =	vld.idx.msk [tilespmem:v23+s16+$0x0], $0xffff;
	[tilespmem:s4+$0x60] =	vst v13  }
0x1b6: {  	s3 =	sadd.s32 $0x333, s21;
	[tilespmem:s6+$0x0] =	vst v10;
	v10 =	vadd.s32 s2, v7;
	v13 =	vld.idx.msk [tilespmem:v16+s16+$0x0], $0xffff  }
0x1b7: {  	s2 =	sadd.s32 $0x1103, s0;
	[tilespmem:s12+$0x30] =	vst v15;
	v15 =	vadd.s32 s3, v6;
	v16 =	vld.idx.msk [tilespmem:v18+s16+$0x0], $0xffff  }
0x1b8: {  	s3 =	sadd.s32 $0x1321, s0;
	v18 =	vld.idx.msk [tilespmem:v19+s16+$0x0], $0xffff;
	[tilespmem:s13+$0x30] =	vst v14;
	v14 =	vadd.s32 s2, v7  }
0x1b9: {  	s2 =	sadd.s32 $0x550, s21;
	v17 =	vld.idx.msk [tilespmem:v17+s16+$0x0], $0xffff;
	[tilespmem:s7+$0x20] =	vst v11;
	v11 =	vadd.s32 s3, v7  }
0x1ba: {  	v19 =	vadd.s32 s2, v6;
	s2 =	sadd.s32 $0x551, s21;
	v20 =	vld.idx.msk [tilespmem:v20+s16+$0x0], $0xffff;
	[tilespmem:s17+$0x60] =	vst v12  }
0x1bb: {  	v12 =	vadd.s32 s2, v6;
	s2 =	sadd.s32 $0x442, s21;
	[tilespmem:s8+$0x20] =	vst v21;
	v10 =	vld.idx.msk [tilespmem:v10+s16+$0x0], $0xffff  }
0x1bc: {  	v21 =	vadd.s32 s2, v6;
	s2 =	sadd.s32 $0x1102, s0;
	v15 =	vld.idx.msk [tilespmem:v15+s16+$0x0], $0xffff;
	[tilespmem:s4+$0x70] =	vst v13  }
0x1bd: {  	s3 =	sadd.s32 $0x443, s21;
	v13 =	vadd.s32 s2, v7;
	[tilespmem:s6+$0x10] =	vst v16;
	v14 =	vld.idx.msk [tilespmem:v14+s16+$0x0], $0xffff  }
0x1be: {  	s2 =	sadd.s32 $0x1213, s0;
	v16 =	vadd.s32 s3, v6;
	[tilespmem:s12+$0x40] =	vst v18;
	v11 =	vld.idx.msk [tilespmem:v11+s16+$0x0], $0xffff  }
0x1bf: {  	s3 =	sadd.s32 $0x1431, s0;
	v18 =	vld.idx.msk [tilespmem:v19+s16+$0x0], $0xffff;
	[tilespmem:s13+$0x40] =	vst v17;
	v17 =	vadd.s32 s2, v7  }
0x1c0: {  	s2 =	sadd.s32 $0x660, s21;
	v19 =	vadd.s32 s3, v7;
	v12 =	vld.idx.msk [tilespmem:v12+s16+$0x0], $0xffff;
	[tilespmem:s7+$0x30] =	vst v20  }
0x1c1: {  	v20 =	vadd.s32 s2, v6;
	s2 =	sadd.s32 $0x661, s21;
	v21 =	vld.idx.msk [tilespmem:v21+s16+$0x0], $0xffff;
	[tilespmem:s17+$0x70] =	vst v10  }
0x1c2: {  	s29 =	sor.u32 s26, s1;
	s26 =	smov.u32 s15;
	v10 =	vadd.s32 s2, v6;
	s2 =	sadd.s32 $0x552, s21;
	[tilespmem:s8+$0x30] =	vst v15;
	v13 =	vld.idx.msk [tilespmem:v13+s16+$0x0], $0xffff  }
0x1c3: {  	v15 =	vadd.s32 s2, v6;
	s2 =	sadd.s32 $0x1212, s0;
	v16 =	vld.idx.msk [tilespmem:v16+s16+$0x0], $0xffff;
	[tilespmem:s29+$0x0] =	vst v14  }
0x1c4: {  	s3 =	sadd.s32 $0x553, s21;
	[tilespmem:s6+$0x20] =	vst v11;
	v11 =	vadd.s32 s2, v7;
	v14 =	vld.idx.msk [tilespmem:v17+s16+$0x0], $0xffff  }
0x1c5: {  	v17 =	vadd.s32 s3, v6;
	s2 =	sadd.s32 $0x1323, s0;
	[tilespmem:s12+$0x50] =	vst v18;
	v18 =	vld.idx.msk [tilespmem:v19+s16+$0x0], $0xffff  }
0x1c6: {  	s3 =	sadd.s32 $0x1541, s0;
	v19 =	vld.idx.msk [tilespmem:v20+s16+$0x0], $0xffff;
	[tilespmem:s13+$0x50] =	vst v12;
	v12 =	vadd.s32 s2, v7  }
0x1c7: {  	s30 =	sor.u32 s25, s1;
	s25 =	smov.u32 s14;
	s2 =	sadd.s32 $0x770, s21;
	v20 =	vadd.s32 s3, v7;
	v10 =	vld.idx.msk [tilespmem:v10+s16+$0x0], $0xffff;
	[tilespmem:s7+$0x40] =	vst v21  }
0x1c8: {  	v21 =	vadd.s32 s2, v6;
	s2 =	sadd.s32 $0x771, s21;
	v15 =	vld.idx.msk [tilespmem:v15+s16+$0x0], $0xffff;
	[tilespmem:s30+$0x0] =	vst v13  }
0x1c9: {  	v13 =	vadd.s32 s2, v6;
	s2 =	sadd.s32 $0x662, s21;
	[tilespmem:s8+$0x40] =	vst v16;
	v11 =	vld.idx.msk [tilespmem:v11+s16+$0x0], $0xffff  }
0x1ca: {  	v16 =	vadd.s32 s2, v6;
	s2 =	sadd.s32 $0x1322, s0;
	v17 =	vld.idx.msk [tilespmem:v17+s16+$0x0], $0xffff;
	[tilespmem:s29+$0x10] =	vst v14  }
0x1cb: {  	s3 =	sadd.s32 $0x663, s21;
	v14 =	vadd.s32 s2, v7;
	[tilespmem:s6+$0x30] =	vst v18;
	v12 =	vld.idx.msk [tilespmem:v12+s16+$0x0], $0xffff  }
0x1cc: {  	s2 =	sadd.s32 $0x1100, s0;
	v18 =	vadd.s32 s3, v6;
	s3 =	sadd.s32 $0x1433, s0;
	[tilespmem:s12+$0x60] =	vst v19;
	v19 =	vld.idx.msk [tilespmem:v20+s16+$0x0], $0xffff  }
0x1cd: {  	v20 =	vld.idx.msk [tilespmem:v21+s16+$0x0], $0xffff;
	[tilespmem:s13+$0x60] =	vst v10;
	v10 =	vadd.s32 s2, v7;
	s2 =	sadd.s32 $0x1651, s0;
	v21 =	vadd.s32 s3, v7  }
0x1ce: {  	s3 =	sadd.s32 $0x880, s21;
	v13 =	vld.idx.msk [tilespmem:v13+s16+$0x0], $0xffff;
	[tilespmem:s7+$0x50] =	vst v15;
	v15 =	vadd.s32 s2, v7  }
0x1cf: {  	v22 =	vadd.s32 s3, v6;
	s2 =	sadd.s32 $0x881, s21;
	v16 =	vld.idx.msk [tilespmem:v16+s16+$0x0], $0xffff;
	[tilespmem:s30+$0x10] =	vst v11  }
0x1d0: {  	v11 =	vadd.s32 s2, v6;
	[tilespmem:s8+$0x50] =	vst v17;
	v14 =	vld.idx.msk [tilespmem:v14+s16+$0x0], $0xffff  }
0x1d1: {  	s2 =	sadd.s32 $0x772, s21;
	v17 =	vld.idx.msk [tilespmem:v18+s16+$0x0], $0xffff;
	[tilespmem:s29+$0x20] =	vst v12  }
0x1d2: {  	v12 =	vadd.s32 s2, v6;
	s2 =	sadd.s32 $0x773, s21;
	[tilespmem:s6+$0x40] =	vst v19;
	v18 =	vld.idx.msk [tilespmem:v21+s16+$0x0], $0xffff  }
0x1d3: {  	s3 =	sadd.s32 $0x1543, s0;
	v19 =	vadd.s32 s2, v6;
	s2 =	sadd.s32 $0x1210, s0;
	[tilespmem:s12+$0x70] =	vst v20;
	v15 =	vld.idx.msk [tilespmem:v15+s16+$0x0], $0xffff  }
0x1d4: {  	v21 =	vadd.s32 s3, v7;
	v20 =	vld.idx.msk [tilespmem:v22+s16+$0x0], $0xffff;
	[tilespmem:s13+$0x70] =	vst v13;
	v13 =	vadd.s32 s2, v7;
	s2 =	sadd.s32 $0x1761, s0  }
0x1d5: {  	s3 =	sadd.s32 $0x990, s21;
	v11 =	vld.idx.msk [tilespmem:v11+s16+$0x0], $0xffff;
	[tilespmem:s31+$0x70] =	vst v9;
	v9 =	vadd.s32 s2, v7  }
0x1d6: {  	v22 =	vadd.s32 s3, v6;
	s2 =	sadd.s32 $0x991, s21;
	[tilespmem:s7+$0x60] =	vst v16;
	v10 =	vld.idx.msk [tilespmem:v10+s16+$0x0], $0xffff  }
0x1d7: {  	v16 =	vadd.s32 s2, v6;
	v12 =	vld.idx.msk [tilespmem:v12+s16+$0x0], $0xffff;
	[tilespmem:s8+$0x60] =	vst v17  }
0x1d8: {  	s3 =	sadd.s32 $0x882, s21;
	s2 =	sadd.s32 $0x3400, s23;
	v17 =	vld.idx.msk [tilespmem:v19+s16+$0x0], $0xffff;
	[tilespmem:s29+$0x30] =	vst v18  }
0x1d9: {  	s4 =	sadd.s32 $0x883, s21;
	s31 =	sor.u32 s5, s2;
	v18 =	vadd.s32 s3, v6;
	[tilespmem:s6+$0x50] =	vst v15;
	v15 =	vld.idx.msk [tilespmem:v21+s16+$0x0], $0xffff  }
0x1da: {  	s12 =	sadd.s32 $0x1653, s0;
	s3 =	sor.u32 s24, s2;
	v19 =	vadd.s32 s4, v6;
	s4 =	sadd.s32 $0x1320, s0;
	[tilespmem:s31+$0x0] =	vst v20;
	v9 =	vld.idx.msk [tilespmem:v9+s16+$0x0], $0xffff  }
0x1db: {  	s1 =	sor.u32 s22, s1;
	s22 =	smov.u32 s5;
	v21 =	vadd.s32 s12, v7;
	v20 =	vld.idx.msk [tilespmem:v22+s16+$0x0], $0xffff;
	[tilespmem:s3+$0x0] =	vst v11;
	v11 =	vadd.s32 s4, v7;
	s4 =	sadd.s32 $0x1871, s0  }
0x1dc: {  	s5 =	sadd.s32 $0xAA0, s21;
	v16 =	vld.idx.msk [tilespmem:v16+s16+$0x0], $0xffff;
	[tilespmem:s1+$0x0] =	vst v10;
	v10 =	vadd.s32 s4, v7  }
0x1dd: {  	v22 =	vadd.s32 s5, v6;
	s4 =	sadd.s32 $0xAA1, s21;
	[tilespmem:s7+$0x70] =	vst v12;
	v12 =	vld.idx.msk [tilespmem:v13+s16+$0x0], $0xffff  }
0x1de: {  	v13 =	vadd.s32 s4, v6;
	v18 =	vld.idx.msk [tilespmem:v18+s16+$0x0], $0xffff;
	[tilespmem:s8+$0x70] =	vst v17  }
0x1df: {  	s4 =	sadd.s32 $0x992, s21;
	v17 =	vld.idx.msk [tilespmem:v19+s16+$0x0], $0xffff;
	[tilespmem:s29+$0x40] =	vst v15  }
0x1e0: {  	v15 =	vadd.s32 s4, v6;
	s4 =	sadd.s32 $0x993, s21;
	[tilespmem:s6+$0x60] =	vst v9;
	v9 =	vld.idx.msk [tilespmem:v21+s16+$0x0], $0xffff  }
0x1e1: {  	s5 =	sadd.s32 $0x1763, s0;
	v19 =	vadd.s32 s4, v6;
	s4 =	sadd.s32 $0x1430, s0;
	[tilespmem:s31+$0x10] =	vst v20;
	v20 =	vld.idx.msk [tilespmem:v10+s16+$0x0], $0xffff  }
0x1e2: {  	v21 =	vadd.s32 s5, v7;
	v10 =	vld.idx.msk [tilespmem:v22+s16+$0x0], $0xffff;
	[tilespmem:s3+$0x10] =	vst v16;
	v16 =	vadd.s32 s4, v7;
	s4 =	sadd.s32 $0x1432, s0  }
0x1e3: {  	s17 =	sor.u32 s25, s2;
	s5 =	sadd.s32 $0xBB0, s21;
	v13 =	vld.idx.msk [tilespmem:v13+s16+$0x0], $0xffff;
	[tilespmem:s1+$0x10] =	vst v12;
	v12 =	vadd.s32 s4, v7  }
0x1e4: {  	v22 =	vadd.s32 s5, v6;
	s5 =	sadd.s32 $0xBB1, s21;
	s4 =	sor.u32 s26, s2;
	[tilespmem:s17+$0x0] =	vst v18;
	v11 =	vld.idx.msk [tilespmem:v11+s16+$0x0], $0xffff  }
0x1e5: {  	v18 =	vadd.s32 s5, v6;
	v15 =	vld.idx.msk [tilespmem:v15+s16+$0x0], $0xffff;
	[tilespmem:s4+$0x0] =	vst v17  }
0x1e6: {  	s2 =	sadd.s32 $0xAA2, s21;
	v17 =	vld.idx.msk [tilespmem:v19+s16+$0x0], $0xffff;
	[tilespmem:s29+$0x50] =	vst v9  }
0x1e7: {  	v9 =	vadd.s32 s2, v6;
	s2 =	sadd.s32 $0xAA3, s21;
	[tilespmem:s30+$0x20] =	vst v14;
	v14 =	vld.idx.msk [tilespmem:v21+s16+$0x0], $0xffff  }
0x1e8: {  	s5 =	sadd.s32 $0x1873, s0;
	[tilespmem:s31+$0x20] =	vst v10;
	v10 =	vadd.s32 s2, v6;
	s2 =	sadd.s32 $0x1540, s0;
	v12 =	vld.idx.msk [tilespmem:v12+s16+$0x0], $0xffff  }
0x1e9: {  	v19 =	vld.idx.msk [tilespmem:v22+s16+$0x0], $0xffff;
	[tilespmem:s3+$0x20] =	vst v13;
	v21 =	vadd.s32 s2, v7;
	s2 =	sadd.s32 $0x1542, s0;
	v13 =	vadd.s32 s5, v7  }
0x1ea: {  	s5 =	sadd.s32 $0xCC0, s21;
	v18 =	vld.idx.msk [tilespmem:v18+s16+$0x0], $0xffff;
	[tilespmem:s1+$0x20] =	vst v11;
	v11 =	vadd.s32 s2, v7  }
0x1eb: {  	v22 =	vadd.s32 s5, v6;
	s2 =	sadd.s32 $0xCC1, s21;
	[tilespmem:s17+$0x10] =	vst v15;
	v16 =	vld.idx.msk [tilespmem:v16+s16+$0x0], $0xffff  }
0x1ec: {  	v15 =	vadd.s32 s2, v6;
	v23 =	vld.idx.msk [tilespmem:v9+s16+$0x0], $0xffff;
	[tilespmem:s4+$0x10] =	vst v17  }
0x1ed: {  	s2 =	sadd.s32 $0xBB2, s21;
	v24 =	vld.idx.msk [tilespmem:v10+s16+$0x0], $0xffff;
	[tilespmem:s29+$0x60] =	vst v14  }
0x1ee: {  	v17 =	vadd.s32 s2, v6;
	s2 =	sadd.s32 $0xBB3, s21;
	[tilespmem:s30+$0x30] =	vst v12;
	v9 =	vld.idx.msk [tilespmem:v13+s16+$0x0], $0xffff  }
0x1ef: {  	[tilespmem:s31+$0x30] =	vst v19;
	v19 =	vadd.s32 s2, v6;
	s2 =	sadd.s32 $0x1650, s0;
	v12 =	vld.idx.msk [tilespmem:v11+s16+$0x0], $0xffff  }
.Ltmp1:
0x1f0: {  	v14 =	vld.idx.msk [tilespmem:v22+s16+$0x0], $0xffff;
	[tilespmem:s3+$0x30] =	vst v18;
	v10 =	vadd.s32 s2, v7;
	s2 =	sadd.s32 $0x1652, s0;
	(pc) =	sbr.rel @p0 .LBB2_4-.Ltmp1, $4  }
0x1f1: {  	s5 =	sadd.s32 $0xDD0, s21;
	v15 =	vld.idx.msk [tilespmem:v15+s16+$0x0], $0xffff;
	[tilespmem:s1+$0x30] =	vst v16;
	v13 =	vadd.s32 s2, v7  }
0x1f2: {  	v16 =	vadd.s32 s5, v6;
	s2 =	sadd.s32 $0xDD1, s21;
	[tilespmem:s17+$0x20] =	vst v23;
	v11 =	vld.idx.msk [tilespmem:v21+s16+$0x0], $0xffff  }
0x1f3: {  	v18 =	vadd.s32 s2, v6;
	v17 =	vld.idx.msk [tilespmem:v17+s16+$0x0], $0xffff;
	[tilespmem:s4+$0x20] =	vst v24  }
0x1f4: {  	v19 =	vld.idx.msk [tilespmem:v19+s16+$0x0], $0xffff;
	[tilespmem:s6+$0x70] =	vst v20;
	s6 =	smov.u32 s11  }
0x1f5: {  	v20 =	vadd.s32 s10, v6;
	_ =	sdelay $0x2  }
0x1f6: {  	[tilespmem:s17+$0x30] =	vst v17  }
0x1f7: {  	s5 =	sadd.s32 $0xDD2, s21;
	[tilespmem:s4+$0x30] =	vst v19;
	v8 =	vld.idx.msk [tilespmem:v8+s16+$0x0], $0xffff  }
0x1f8: {  	s2 =	sadd.s32 $0xDD3, s21;
	v33 =	vadd.s32 s5, v6;
	v17 =	vld.idx.msk [tilespmem:v20+s16+$0x0], $0xffff  }
0x1f9: {  	v19 =	vadd.s32 s2, v6  }
0x1fa: {  	[tilespmem:s31+$0x40] =	vst v14  }
0x1fb: {  	[tilespmem:s3+$0x40] =	vst v15;
	v16 =	vld.idx.msk [tilespmem:v16+s16+$0x0], $0xffff  }
0x1fc: {  	s5 =	sadd.s32 $0xEE1, s21;
	v15 =	vld.idx.msk [tilespmem:v18+s16+$0x0], $0xffff;
	[tilespmem:s17+$0x40] =	vst v8  }
0x1fd: {  	s7 =	sadd.s32 $0xEE2, s21;
	[tilespmem:s4+$0x40] =	vst v17;
	v17 =	vadd.s32 s5, v6;
	v14 =	vld.idx.msk [tilespmem:v33+s16+$0x0], $0xffff  }
0x1fe: {  	s6 =	sadd.s32 $0xEE3, s21;
	v34 =	vld.idx.msk [tilespmem:v19+s16+$0x0], $0xffff;
	v19 =	vadd.s32 s7, v6  }
0x1ff: {  	s8 =	sadd.s32 $0xEE0, s21;
	v18 =	vadd.s32 s6, v6  }
0x200: {  	v35 =	vadd.s32 s8, v6;
	[tilespmem:s31+$0x50] =	vst v16  }
0x201: {  	[tilespmem:s3+$0x50] =	vst v15  }
0x202: {  	s10 =	sadd.s32 $0xFF1, s21;
	v15 =	vld.idx.msk [tilespmem:v17+s16+$0x0], $0xffff;
	[tilespmem:s17+$0x50] =	vst v14  }
0x203: {  	s12 =	sadd.s32 $0xFF2, s21;
	v36 =	vadd.s32 s10, v6;
	[tilespmem:s4+$0x50] =	vst v34;
	v16 =	vld.idx.msk [tilespmem:v19+s16+$0x0], $0xffff  }
0x204: {  	s11 =	sadd.s32 $0xFF3, s21;
	v19 =	vadd.s32 s12, v6;
	v17 =	vld.idx.msk [tilespmem:v18+s16+$0x0], $0xffff  }
0x205: {  	s13 =	sadd.s32 $0xFF0, s21;
	v14 =	vadd.s32 s11, v6;
	v18 =	vld.idx.msk [tilespmem:v35+s16+$0x0], $0xffff  }
0x206: {  	v37 =	vadd.s32 s13, v6  }
0x207: {  	[tilespmem:s3+$0x60] =	vst v15  }
0x208: {  	s14 =	sadd.s32 $0x1101, s21;
	v8 =	vld.idx.msk [tilespmem:v36+s16+$0x0], $0xffff;
	[tilespmem:s17+$0x60] =	vst v16  }
0x209: {  	s18 =	sadd.s32 $0x1102, s21;
	v15 =	vadd.s32 s14, v6;
	[tilespmem:s4+$0x60] =	vst v17;
	v17 =	vld.idx.msk [tilespmem:v19+s16+$0x0], $0xffff  }
0x20a: {  	s15 =	sadd.s32 $0x1103, s21;
	[tilespmem:s31+$0x60] =	vst v18;
	v19 =	vadd.s32 s18, v6;
	v14 =	vld.idx.msk [tilespmem:v14+s16+$0x0], $0xffff  }
0x20b: {  	s19 =	sadd.s32 $0x1100, s21;
	v16 =	vadd.s32 s15, v6;
	v18 =	vld.idx.msk [tilespmem:v37+s16+$0x0], $0xffff  }
0x20c: {  	v38 =	vadd.s32 s19, v6  }
0x20d: {  	[tilespmem:s3+$0x70] =	vst v8  }
0x20e: {  	s28 =	sadd.s32 $0x1211, s21;
	v8 =	vld.idx.msk [tilespmem:v15+s16+$0x0], $0xffff;
	[tilespmem:s17+$0x70] =	vst v17  }
0x20f: {  	[tilespmem:s4+$0x70] =	vst v14;
	v14 =	vadd.s32 s28, v6;
	v17 =	vld.idx.msk [tilespmem:v19+s16+$0x0], $0xffff;
	s4 =	sadd.s32 $0x1212, s21  }
0x210: {  	s3 =	sadd.s32 $0x1213, s21;
	[tilespmem:s31+$0x70] =	vst v18;
	v15 =	vld.idx.msk [tilespmem:v16+s16+$0x0], $0xffff;
	v18 =	vadd.s32 s4, v6  }
0x211: {  	s6 =	sadd.s32 $0x3800, s23;
	s5 =	sadd.s32 $0x1210, s21;
	v16 =	vadd.s32 s3, v6;
	v19 =	vld.idx.msk [tilespmem:v38+s16+$0x0], $0xffff  }
0x212: {  	v39 =	vadd.s32 s5, v6;
	s3 =	sor.u32 s24, s6  }
0x213: {  	s5 =	sor.u32 s25, s6;
	[tilespmem:s3+$0x0] =	vst v8  }
0x214: {  	s7 =	sadd.s32 $0x1321, s21;
	s4 =	sor.u32 s26, s6;
	v8 =	vld.idx.msk [tilespmem:v14+s16+$0x0], $0xffff;
	[tilespmem:s5+$0x0] =	vst v17  }
0x215: {  	s10 =	sadd.s32 $0x1322, s21;
	s6 =	sor.u32 s22, s6;
	v14 =	vadd.s32 s7, v6;
	[tilespmem:s4+$0x0] =	vst v15;
	v17 =	vld.idx.msk [tilespmem:v18+s16+$0x0], $0xffff  }
0x216: {  	s8 =	sadd.s32 $0x1323, s21;
	[tilespmem:s6+$0x0] =	vst v19;
	v18 =	vadd.s32 s10, v6;
	v15 =	vld.idx.msk [tilespmem:v16+s16+$0x0], $0xffff  }
0x217: {  	s11 =	sadd.s32 $0x1320, s21;
	v16 =	vadd.s32 s8, v6;
	v19 =	vld.idx.msk [tilespmem:v39+s16+$0x0], $0xffff  }
0x218: {  	v40 =	vadd.s32 s11, v6  }
0x219: {  	[tilespmem:s3+$0x10] =	vst v8  }
0x21a: {  	s12 =	sadd.s32 $0x1431, s21;
	v8 =	vld.idx.msk [tilespmem:v14+s16+$0x0], $0xffff;
	[tilespmem:s5+$0x10] =	vst v17  }
0x21b: {  	s14 =	sadd.s32 $0x1432, s21;
	v14 =	vadd.s32 s12, v6;
	[tilespmem:s4+$0x10] =	vst v15;
	v17 =	vld.idx.msk [tilespmem:v18+s16+$0x0], $0xffff  }
0x21c: {  	s13 =	sadd.s32 $0x1433, s21;
	[tilespmem:s6+$0x10] =	vst v19;
	v18 =	vadd.s32 s14, v6;
	v15 =	vld.idx.msk [tilespmem:v16+s16+$0x0], $0xffff  }
0x21d: {  	s7 =	sadd.s32 $0x1430, s21;
	v16 =	vadd.s32 s13, v6;
	v19 =	vld.idx.msk [tilespmem:v40+s16+$0x0], $0xffff  }
0x21e: {  	v41 =	vadd.s32 s7, v6  }
0x21f: {  	[tilespmem:s3+$0x20] =	vst v8  }
0x220: {  	s15 =	sadd.s32 $0x1541, s21;
	v8 =	vld.idx.msk [tilespmem:v14+s16+$0x0], $0xffff;
	[tilespmem:s5+$0x20] =	vst v17  }
0x221: {  	s18 =	sadd.s32 $0x1542, s21;
	v14 =	vadd.s32 s15, v6;
	[tilespmem:s4+$0x20] =	vst v15;
	v17 =	vld.idx.msk [tilespmem:v18+s16+$0x0], $0xffff  }
0x222: {  	s17 =	sadd.s32 $0x1543, s21;
	[tilespmem:s6+$0x20] =	vst v19;
	v18 =	vadd.s32 s18, v6;
	v15 =	vld.idx.msk [tilespmem:v16+s16+$0x0], $0xffff  }
0x223: {  	s19 =	sadd.s32 $0x1540, s21;
	v16 =	vadd.s32 s17, v6;
	v19 =	vld.idx.msk [tilespmem:v41+s16+$0x0], $0xffff  }
0x224: {  	[tilespmem:s30+$0x40] =	vst v12;
	v12 =	vadd.s32 s19, v6  }
0x225: {  	v13 =	vld.idx.msk [tilespmem:v13+s16+$0x0], $0xffff;
	[tilespmem:s3+$0x30] =	vst v8  }
0x226: {  	s23 =	sadd.s32 $0x1651, s21;
	v14 =	vld.idx.msk [tilespmem:v14+s16+$0x0], $0xffff;
	[tilespmem:s5+$0x30] =	vst v17  }
0x227: {  	s25 =	sadd.s32 $0x1652, s21;
	[tilespmem:s4+$0x30] =	vst v15;
	v15 =	vadd.s32 s23, v6;
	v18 =	vld.idx.msk [tilespmem:v18+s16+$0x0], $0xffff  }
0x228: {  	v43 =	vadd.s32 s25, v6;
	s24 =	sadd.s32 $0x1653, s21;
	[tilespmem:s6+$0x30] =	vst v19;
	v16 =	vld.idx.msk [tilespmem:v16+s16+$0x0], $0xffff  }
0x229: {  	[tilespmem:s1+$0x40] =	vst v11;
	s26 =	sadd.s32 $0x1650, s21;
	v17 =	vadd.s32 s24, v6;
	v12 =	vld.idx.msk [tilespmem:v12+s16+$0x0], $0xffff  }
0x22a: {  	[tilespmem:s30+$0x50] =	vst v13;
	s22 =	sadd.s32 $0x1762, s0;
	v13 =	vadd.s32 s26, v6  }
0x22b: {  	v10 =	vld.idx.msk [tilespmem:v10+s16+$0x0], $0xffff;
	s28 =	sadd.s32 $0x1760, s0;
	v42 =	vadd.s32 s22, v7;
	[tilespmem:s3+$0x40] =	vst v14  }
0x22c: {  	s31 =	sadd.s32 $0x1761, s21;
	v14 =	vadd.s32 s28, v7;
	v15 =	vld.idx.msk [tilespmem:v15+s16+$0x0], $0xffff;
	[tilespmem:s5+$0x40] =	vst v18  }
0x22d: {  	s8 =	sadd.s32 $0x1762, s21;
	[tilespmem:s4+$0x40] =	vst v16;
	v16 =	vadd.s32 s31, v6;
	v11 =	vld.idx.msk [tilespmem:v43+s16+$0x0], $0xffff  }
0x22e: {  	s7 =	sadd.s32 $0x1763, s21;
	[tilespmem:s6+$0x40] =	vst v12;
	v12 =	vadd.s32 s8, v6;
	v17 =	vld.idx.msk [tilespmem:v17+s16+$0x0], $0xffff  }
0x22f: {  	[tilespmem:s29+$0x70] =	vst v9;
	s10 =	sadd.s32 $0x1760, s21;
	v18 =	vadd.s32 s7, v6;
	v44 =	vld.idx.msk [tilespmem:v13+s16+$0x0], $0xffff  }
0x230: {  	[tilespmem:s1+$0x50] =	vst v10;
	s11 =	sadd.s32 $0x1872, s0;
	v45 =	vadd.s32 s10, v6;
	v8 =	vld.idx.msk [tilespmem:v42+s16+$0x0], $0xffff  }
0x231: {  	s12 =	sadd.s32 $0x1870, s0;
	v13 =	vld.idx.msk [tilespmem:v14+s16+$0x0], $0xffff;
	v14 =	vadd.s32 s11, v7;
	[tilespmem:s3+$0x50] =	vst v15  }
0x232: {  	s13 =	sadd.s32 $0x1871, s21;
	v7 =	vadd.s32 s12, v7;
	v15 =	vld.idx.msk [tilespmem:v16+s16+$0x0], $0xffff;
	[tilespmem:s5+$0x50] =	vst v11  }
0x233: {  	s15 =	sadd.s32 $0x1872, s21;
	v16 =	vadd.s32 s13, v6;
	[tilespmem:s4+$0x50] =	vst v17;
	v47 =	vld.idx.msk [tilespmem:v12+s16+$0x0], $0xffff  }
0x234: {  	s14 =	sadd.s32 $0x1873, s21;
	v48 =	vadd.s32 s15, v6;
	[tilespmem:s6+$0x50] =	vst v44;
	v17 =	vld.idx.msk [tilespmem:v18+s16+$0x0], $0xffff  }
0x235: {  	v46 =	vadd.s32 s14, v6;
	s17 =	sadd.s32 $0x1870, s21;
	[tilespmem:s30+$0x60] =	vst v8;
	v8 =	vld.idx.msk [tilespmem:v45+s16+$0x0], $0xffff  }
0x236: {  	v6 =	vadd.s32 s17, v6;
	v12 =	vld.idx.msk [tilespmem:v14+s16+$0x0], $0xffff;
	[tilespmem:s1+$0x60] =	vst v13  }
0x237: {  	v7 =	vld.idx.msk [tilespmem:v7+s16+$0x0], $0xffff;
	[tilespmem:s3+$0x60] =	vst v15  }
0x238: {  	v13 =	vld.idx.msk [tilespmem:v16+s16+$0x0], $0xffff;
	[tilespmem:s5+$0x60] =	vst v47  }
0x239: {  	[tilespmem:s4+$0x60] =	vst v17;
	v9 =	vld.idx.msk [tilespmem:v48+s16+$0x0], $0xffff  }
0x23a: {  	[tilespmem:s6+$0x60] =	vst v8;
	v11 =	vld.idx.msk [tilespmem:v46+s16+$0x0], $0xffff  }
0x23b: {  	s18 =	simm.s32 $0x1983;
	[tilespmem:s30+$0x70] =	vst v12;
	v6 =	vld.idx.msk [tilespmem:v6+s16+$0x0], $0xffff  }
0x23c: {  	s19 =	simm.s32 $0x1981;
	[tilespmem:s1+$0x70] =	vst v7;
	v7 =	vadd.s32 s18, v5  }
0x23d: {  	v49 =	vadd.s32 s19, v5;
	s21 =	simm.s32 $0x1980;
	[tilespmem:s3+$0x70] =	vst v13  }
0x23e: {  	s25 =	simm.s32 $0x2;
	v50 =	vadd.s32 s21, v5;
	[tilespmem:s5+$0x70] =	vst v9  }
0x23f: {  	s2 =	smul.u32 $0x3000, s25;
	s22 =	simm.s32 $0x0;
	[tilespmem:s4+$0x70] =	vst v11  }
0x240: {  	s0 =	smul.u32 $0x3000, s22;
	s24 =	simm.s32 $0x1982;
	[tilespmem:s6+$0x70] =	vst v6  }
0x241: {  	s29 =	simm.s32 $0x1A91;
	s26 =	simm.s32 $0x1A93;
	v6 =	vadd.s32 s24, v5;
	v7 =	vld.idx.msk [tilespmem:v7+s16+$0x0], $0xffff  }
0x242: {  	s2 =	sshra.s32 s2, $0x2;
	v51 =	vadd.s32 s26, v5;
	s0 =	sshra.s32 s0, $0x2;
	s23 =	simm.s32 $0x2;
	v8 =	vld.idx.msk [tilespmem:v49+s16+$0x0], $0xffff  }
0x243: {  	v52 =	vadd.s32 s29, v5;
	s28 =	simm.s32 $0x1A90;
	s7 =	simm.s32 $0x980;
	s1 =	smul.u32 $0x3000, s23;
	v10 =	vld.idx.msk [tilespmem:v50+s16+$0x0], $0xffff  }
0x244: {  	s31 =	simm.s32 $0x1A92;
	s8 =	simm.s32 $0x880;
	v12 =	vadd.s32 s28, v5;
	s5 =	sand.u32 $0x380, s7  }
0x245: {  	s10 =	sand.u32 $0x280, s8;
	s1 =	sshra.s32 s1, $0x2;
	s23 =	sor.u32 s5, s2  }
0x246: {  	s11 =	sand.u32 $0x200, s20;
	s30 =	simm.s32 $0x2;
	s20 =	sor.u32 s10, s1;
	v6 =	vld.idx.msk [tilespmem:v6+s16+$0x0], $0xffff;
	[tilespmem:s23+$0x3000] =	vst v7  }
0x247: {  	s22 =	sor.u32 s11, s0;
	s13 =	simm.s32 $0x1BA3;
	s12 =	smul.u32 $0x3000, s30;
	v7 =	vadd.s32 s31, v5;
	[tilespmem:s20+$0x3000] =	vst v8;
	v53 =	vld.idx.msk [tilespmem:v51+s16+$0x0], $0xffff  }
0x248: {  	s14 =	simm.s32 $0x900;
	s15 =	simm.s32 $0x1BA1;
	v55 =	vadd.s32 s13, v5;
	[tilespmem:s22+$0x4800] =	vst v10;
	v54 =	vld.idx.msk [tilespmem:v52+s16+$0x0], $0xffff  }
0x249: {  	s19 =	simm.s32 $0x1BA0;
	s18 =	sand.u32 $0x300, s14;
	s17 =	sshra.s32 s12, $0x2;
	v56 =	vld.idx.msk [tilespmem:v12+s16+$0x0], $0xffff;
	v12 =	vadd.s32 s15, v5  }
0x24a: {  	v13 =	vadd.s32 s19, v5;
	s21 =	sor.u32 s18, s17  }
0x24b: {  	[tilespmem:s21+$0x3000] =	vst v6  }
0x24c: {  	s24 =	simm.s32 $0x1BA2;
	v6 =	vld.idx.msk [tilespmem:v7+s16+$0x0], $0xffff;
	[tilespmem:s23+$0x3010] =	vst v53  }
0x24d: {  	s25 =	simm.s32 $0x1CB3;
	v7 =	vadd.s32 s24, v5;
	[tilespmem:s20+$0x3010] =	vst v54;
	v8 =	vld.idx.msk [tilespmem:v55+s16+$0x0], $0xffff  }
0x24e: {  	v57 =	vadd.s32 s25, v5;
	s26 =	simm.s32 $0x1CB1;
	[tilespmem:s22+$0x4810] =	vst v56;
	v9 =	vld.idx.msk [tilespmem:v12+s16+$0x0], $0xffff  }
0x24f: {  	s28 =	simm.s32 $0x1CB0;
	v11 =	vld.idx.msk [tilespmem:v13+s16+$0x0], $0xffff;
	v12 =	vadd.s32 s26, v5  }
0x250: {  	v13 =	vadd.s32 s28, v5  }
0x251: {  	[tilespmem:s21+$0x3010] =	vst v6  }
0x252: {  	s29 =	simm.s32 $0x1CB2;
	v6 =	vld.idx.msk [tilespmem:v7+s16+$0x0], $0xffff;
	[tilespmem:s23+$0x3020] =	vst v8  }
0x253: {  	s30 =	simm.s32 $0x1DC3;
	v7 =	vadd.s32 s29, v5;
	[tilespmem:s20+$0x3020] =	vst v9;
	v8 =	vld.idx.msk [tilespmem:v57+s16+$0x0], $0xffff  }
0x254: {  	v58 =	vadd.s32 s30, v5;
	s31 =	simm.s32 $0x1DC1;
	[tilespmem:s22+$0x4820] =	vst v11;
	v9 =	vld.idx.msk [tilespmem:v12+s16+$0x0], $0xffff  }
0x255: {  	s2 =	simm.s32 $0x1DC0;
	v11 =	vld.idx.msk [tilespmem:v13+s16+$0x0], $0xffff;
	v12 =	vadd.s32 s31, v5  }
0x256: {  	v13 =	vadd.s32 s2, v5  }
0x257: {  	[tilespmem:s21+$0x3020] =	vst v6  }
0x258: {  	s3 =	simm.s32 $0x1DC2;
	v6 =	vld.idx.msk [tilespmem:v7+s16+$0x0], $0xffff;
	[tilespmem:s23+$0x3030] =	vst v8  }
0x259: {  	s4 =	simm.s32 $0x1ED3;
	v7 =	vadd.s32 s3, v5;
	[tilespmem:s20+$0x3030] =	vst v9;
	v8 =	vld.idx.msk [tilespmem:v58+s16+$0x0], $0xffff  }
0x25a: {  	s5 =	simm.s32 $0x1ED1;
	v59 =	vadd.s32 s4, v5;
	[tilespmem:s22+$0x4830] =	vst v11;
	v9 =	vld.idx.msk [tilespmem:v12+s16+$0x0], $0xffff  }
0x25b: {  	s6 =	simm.s32 $0x1ED0;
	v11 =	vld.idx.msk [tilespmem:v13+s16+$0x0], $0xffff;
	v12 =	vadd.s32 s5, v5  }
0x25c: {  	v13 =	vadd.s32 s6, v5  }
0x25d: {  	[tilespmem:s21+$0x3030] =	vst v6  }
0x25e: {  	s7 =	simm.s32 $0x1ED2;
	v6 =	vld.idx.msk [tilespmem:v7+s16+$0x0], $0xffff;
	[tilespmem:s23+$0x3040] =	vst v8  }
0x25f: {  	s8 =	simm.s32 $0x1FE3;
	v7 =	vadd.s32 s7, v5;
	[tilespmem:s20+$0x3040] =	vst v9;
	v8 =	vld.idx.msk [tilespmem:v59+s16+$0x0], $0xffff  }
0x260: {  	v60 =	vadd.s32 s8, v5;
	s10 =	simm.s32 $0x1FE1;
	[tilespmem:s22+$0x4840] =	vst v11;
	v9 =	vld.idx.msk [tilespmem:v12+s16+$0x0], $0xffff  }
0x261: {  	s11 =	simm.s32 $0x1FE0;
	v11 =	vld.idx.msk [tilespmem:v13+s16+$0x0], $0xffff;
	v12 =	vadd.s32 s10, v5  }
0x262: {  	v13 =	vadd.s32 s11, v5  }
0x263: {  	[tilespmem:s21+$0x3040] =	vst v6  }
0x264: {  	s12 =	simm.s32 $0x1FE2;
	v6 =	vld.idx.msk [tilespmem:v7+s16+$0x0], $0xffff;
	[tilespmem:s23+$0x3050] =	vst v8  }
0x265: {  	s13 =	simm.s32 $0x20F3;
	v7 =	vadd.s32 s12, v5;
	[tilespmem:s20+$0x3050] =	vst v9;
	v8 =	vld.idx.msk [tilespmem:v60+s16+$0x0], $0xffff  }
0x266: {  	v61 =	vadd.s32 s13, v5;
	s14 =	simm.s32 $0x20F1;
	[tilespmem:s22+$0x4850] =	vst v11;
	v9 =	vld.idx.msk [tilespmem:v12+s16+$0x0], $0xffff  }
0x267: {  	s15 =	simm.s32 $0x20F0;
	v11 =	vld.idx.msk [tilespmem:v13+s16+$0x0], $0xffff;
	v12 =	vadd.s32 s14, v5  }
0x268: {  	v13 =	vadd.s32 s15, v5  }
0x269: {  	[tilespmem:s21+$0x3050] =	vst v6  }
0x26a: {  	s17 =	simm.s32 $0x20F2;
	v6 =	vld.idx.msk [tilespmem:v7+s16+$0x0], $0xffff;
	[tilespmem:s23+$0x3060] =	vst v8  }
0x26b: {  	s18 =	simm.s32 $0x2203;
	v7 =	vadd.s32 s17, v5;
	[tilespmem:s20+$0x3060] =	vst v9;
	v8 =	vld.idx.msk [tilespmem:v61+s16+$0x0], $0xffff  }
0x26c: {  	s19 =	simm.s32 $0x2201;
	v62 =	vadd.s32 s18, v5;
	[tilespmem:s22+$0x4860] =	vst v11;
	v9 =	vld.idx.msk [tilespmem:v12+s16+$0x0], $0xffff  }
0x26d: {  	s24 =	simm.s32 $0x2200;
	v11 =	vld.idx.msk [tilespmem:v13+s16+$0x0], $0xffff;
	v12 =	vadd.s32 s19, v5  }
0x26e: {  	v13 =	vadd.s32 s24, v5  }
0x26f: {  	[tilespmem:s21+$0x3060] =	vst v6  }
0x270: {  	s25 =	simm.s32 $0x2202;
	v6 =	vld.idx.msk [tilespmem:v7+s16+$0x0], $0xffff;
	[tilespmem:s23+$0x3070] =	vst v8  }
0x271: {  	s26 =	simm.s32 $0x2313;
	v7 =	vadd.s32 s25, v5;
	[tilespmem:s20+$0x3070] =	vst v9;
	v8 =	vld.idx.msk [tilespmem:v62+s16+$0x0], $0xffff  }
0x272: {  	s28 =	simm.s32 $0x2311;
	v63 =	vadd.s32 s26, v5;
	[tilespmem:s22+$0x4870] =	vst v11;
	v9 =	vld.idx.msk [tilespmem:v12+s16+$0x0], $0xffff  }
0x273: {  	p1 =	por $0x1, $0x1;
	v14 =	vadd.s32 s28, v5;
	v11 =	vld.idx.msk [tilespmem:v13+s16+$0x0], $0xffff  }
.Ltmp2:
0x274: {  	_ = 	snop;
	(pc) =	sbr.rel @!p1 .LBB2_6-.Ltmp2, $4  }
0x275: {  	[tilespmem:s21+$0x3070] =	vst v6  }
0x276: {  	s30 =	simm.s32 $0x2312;
	v12 =	vld.idx.msk [tilespmem:v7+s16+$0x0], $0xffff;
	[tilespmem:s23+$0x3400] =	vst v8  }
0x277: {  	p0 =	por $0x0, $0x0;
	v16 =	vadd.s32 s30, v5;
	s29 =	simm.s32 $0x2310;
	s31 =	simm.s32 $0x2423;
	[tilespmem:s20+$0x3400] =	vst v9;
	v13 =	vld.idx.msk [tilespmem:v63+s16+$0x0], $0xffff  }
0x278: {  	s1 =	simm.s32 $0x2421;
	v15 =	vadd.s32 s29, v5;
	v17 =	vadd.s32 s31, v5;
	s24 =	simm.s32 $0x0;
	s25 =	simm.s32 $0xFFFFFFFC;
	[tilespmem:s22+$0x4C00] =	vst v11;
	v14 =	vld.idx.msk [tilespmem:v14+s16+$0x0], $0xffff  }
0x279: {  	_ =	sdelay $0x3  }
0x27a: {  	v6 =	vld.idx.msk [tilespmem:v15+s16+$0x0], $0xffff;
	v7 =	vadd.s32 s1, v5;
	s0 =	simm.s32 $0x2420  }
0x27b: {  	v9 =	vadd.s32 s0, v5;
	[tilespmem:s21+$0x3400] =	vst v12  }
0x27c: {  	s12 =	simm.s32 $0x2422;
	v8 =	vld.idx.msk [tilespmem:v16+s16+$0x0], $0xffff  }
0x27d: {  	v10 =	vadd.s32 s12, v5;
	[tilespmem:s23+$0x3410] =	vst v13  }
0x27e: {  	s13 =	simm.s32 $0x2533;
	[tilespmem:s20+$0x3410] =	vst v14;
	v11 =	vld.idx.msk [tilespmem:v17+s16+$0x0], $0xffff  }
0x27f: {  	s14 =	simm.s32 $0x2531;
	v7 =	vld.idx.msk [tilespmem:v7+s16+$0x0], $0xffff;
	[tilespmem:s22+$0x4C10] =	vst v6;
	v6 =	vadd.s32 s13, v5  }
0x280: {  	v12 =	vadd.s32 s14, v5;
	v9 =	vld.idx.msk [tilespmem:v9+s16+$0x0], $0xffff  }
0x281: {  	s15 =	simm.s32 $0x2530;
	[tilespmem:s21+$0x3410] =	vst v8  }
0x282: {  	s17 =	simm.s32 $0x2532;
	v8 =	vld.idx.msk [tilespmem:v10+s16+$0x0], $0xffff;
	v10 =	vadd.s32 s15, v5  }
0x283: {  	v13 =	vadd.s32 s17, v5;
	[tilespmem:s23+$0x3420] =	vst v11  }
0x284: {  	s18 =	simm.s32 $0x2643;
	[tilespmem:s20+$0x3420] =	vst v7;
	v6 =	vld.idx.msk [tilespmem:v6+s16+$0x0], $0xffff  }
0x285: {  	v7 =	vld.idx.msk [tilespmem:v12+s16+$0x0], $0xffff;
	[tilespmem:s22+$0x4C20] =	vst v9;
	v9 =	vadd.s32 s18, v5  }
0x286: {  	s19 =	simm.s32 $0x2641  }
0x287: {  	s26 =	simm.s32 $0x2640;
	v11 =	vadd.s32 s19, v5;
	v10 =	vld.idx.msk [tilespmem:v10+s16+$0x0], $0xffff;
	[tilespmem:s21+$0x3420] =	vst v8  }
0x288: {  	s1 =	simm.s32 $0x2642;
	v12 =	vadd.s32 s26, v5;
	v8 =	vld.idx.msk [tilespmem:v13+s16+$0x0], $0xffff  }
0x289: {  	v13 =	vadd.s32 s1, v5;
	[tilespmem:s23+$0x3430] =	vst v6  }
0x28a: {  	s2 =	simm.s32 $0x1984;
	[tilespmem:s20+$0x3430] =	vst v7;
	v7 =	vld.idx.msk [tilespmem:v9+s16+$0x0], $0xffff  }
0x28b: {  	s3 =	simm.s32 $0x2753;
	v6 =	vadd.s32 s2, v5  }
0x28c: {  	s4 =	simm.s32 $0x2751;
	v9 =	vld.idx.msk [tilespmem:v11+s16+$0x0], $0xffff;
	[tilespmem:s22+$0x4C30] =	vst v10;
	v10 =	vadd.s32 s3, v5  }
0x28d: {  	s5 =	simm.s32 $0x2750;
	v11 =	vld.idx.msk [tilespmem:v12+s16+$0x0], $0xffff;
	v12 =	vadd.s32 s4, v5;
	[tilespmem:s21+$0x3430] =	vst v8  }
0x28e: {  	s7 =	simm.s32 $0x1987;
	v8 =	vld.idx.msk [tilespmem:v13+s16+$0x0], $0xffff;
	v13 =	vadd.s32 s5, v5  }
0x28f: {  	s6 =	simm.s32 $0x2752;
	[tilespmem:s23+$0x3440] =	vst v7;
	v7 =	vadd.s32 s7, v5  }
0x290: {  	s8 =	simm.s32 $0x1985;
	v14 =	vadd.s32 s6, v5;
	v6 =	vld.idx.msk [tilespmem:v6+s16+$0x0], $0xffff  }
0x291: {  	s10 =	simm.s32 $0x2863;
	s31 =	simm.s32 $0x200;
	s12 =	simm.s32 $0x2860;
	[tilespmem:s20+$0x3440] =	vst v9;
	v9 =	vld.idx.msk [tilespmem:v10+s16+$0x0], $0xffff;
	v10 =	vadd.s32 s8, v5  }
0x292: {  	s14 =	simm.s32 $0x2862;
	s2 =	simm.s32 $0x2861;
	s3 =	simm.s32 $0x0;
	v12 =	vld.idx.msk [tilespmem:v12+s16+$0x0], $0xffff;
	[tilespmem:s22+$0x4C40] =	vst v11;
	v11 =	vadd.s32 s10, v5  }
0x293: {  	v15 =	vadd.s32 s2, v5;
	s4 =	simm.s32 $0x1986;
	s3 =	smul.u32 $0x3000, s3;
	s5 =	simm.s32 $0x2;
	v13 =	vld.idx.msk [tilespmem:v13+s16+$0x0], $0xffff  }
0x294: {  	s6 =	simm.s32 $0x1A95;
	s7 =	simm.s32 $0x2;
	s5 =	smul.u32 $0x3000, s5;
	[tilespmem:s21+$0x3440] =	vst v8;
	v8 =	vadd.s32 s4, v5;
	v7 =	vld.idx.msk [tilespmem:v7+s16+$0x0], $0xffff  }
0x295: {  	v16 =	vadd.s32 s12, v5;
	s3 =	sshra.s32 s3, $0x2;
	s8 =	simm.s32 $0x1A97;
	s10 =	simm.s32 $0xA80;
	v14 =	vld.idx.msk [tilespmem:v14+s16+$0x0], $0xffff  }
0x296: {  	v17 =	vadd.s32 s14, v5;
	s5 =	sshra.s32 s5, $0x2;
	s26 =	sand.u32 $0x280, s10;
	s10 =	sand.u32 $0x200, s31;
	v10 =	vld.idx.msk [tilespmem:v10+s16+$0x0], $0xffff;
	[tilespmem:s23+$0x3450] =	vst v9  }
0x297: {  	s7 =	smul.u32 $0x3000, s7;
	s30 =	sor.u32 s26, s5;
	s26 =	sor.u32 s10, s3;
	v9 =	vadd.s32 s8, v5;
	[tilespmem:s20+$0x3450] =	vst v12;
	v11 =	vld.idx.msk [tilespmem:v11+s16+$0x0], $0xffff  }
0x298: {  	s13 =	simm.s32 $0x1A94;
	s19 =	simm.s32 $0x2973;
	s18 =	simm.s32 $0xB80;
	[tilespmem:s26+$0x4800] =	vst v6;
	v12 =	vadd.s32 s6, v5;
	v15 =	vld.idx.msk [tilespmem:v15+s16+$0x0], $0xffff  }
0x299: {  	s15 =	simm.s32 $0x2;
	s7 =	sshra.s32 s7, $0x2;
	s6 =	sand.u32 $0x380, s18;
	v8 =	vld.idx.msk [tilespmem:v8+s16+$0x0], $0xffff;
	[tilespmem:s22+$0x4C50] =	vst v13;
	v13 =	vadd.s32 s19, v5  }
0x29a: {  	s17 =	simm.s32 $0x1A96;
	v18 =	vadd.s32 s13, v5;
	s0 =	smul.u32 $0x3000, s15;
	s29 =	sor.u32 s6, s7;
	v16 =	vld.idx.msk [tilespmem:v16+s16+$0x0], $0xffff;
	[tilespmem:s21+$0x3450] =	vst v14  }
0x29b: {  	s11 =	simm.s32 $0x2970;
	s8 =	simm.s32 $0xB00;
	v14 =	vadd.s32 s17, v5;
	[tilespmem:s29+$0x3000] =	vst v7;
	v7 =	vld.idx.msk [tilespmem:v17+s16+$0x0], $0xffff  }
0x29c: {  	s0 =	sshra.s32 s0, $0x2;
	s2 =	sand.u32 $0x300, s8;
	[tilespmem:s30+$0x3000] =	vst v10;
	v9 =	vld.idx.msk [tilespmem:v9+s16+$0x0], $0xffff;
	v10 =	vadd.s32 s11, v5;
	s11 =	simm.s32 $0x2971  }
0x29d: {  	s12 =	simm.s32 $0x1BA7;
	s28 =	sor.u32 s2, s0;
	v12 =	vld.idx.msk [tilespmem:v12+s16+$0x0], $0xffff;
	v17 =	vadd.s32 s11, v5;
	[tilespmem:s23+$0x3460] =	vst v11  }
0x29e: {  	s13 =	simm.s32 $0x1BA5;
	v6 =	vadd.s32 s12, v5;
	v11 =	vld.idx.msk [tilespmem:v13+s16+$0x0], $0xffff;
	[tilespmem:s28+$0x3000] =	vst v8  }
0x29f: {  	s14 =	simm.s32 $0x2A83;
	v13 =	vld.idx.msk [tilespmem:v18+s16+$0x0], $0xffff;
	v18 =	vadd.s32 s13, v5;
	[tilespmem:s20+$0x3460] =	vst v15  }
0x2a0: {  	s15 =	simm.s32 $0x1BA4;
	v8 =	vld.idx.msk [tilespmem:v14+s16+$0x0], $0xffff;
	[tilespmem:s22+$0x4C60] =	vst v16;
	v14 =	vadd.s32 s14, v5  }
0x2a1: {  	s17 =	simm.s32 $0x1BA6;
	v16 =	vadd.s32 s15, v5;
	[tilespmem:s21+$0x3460] =	vst v7;
	v10 =	vld.idx.msk [tilespmem:v10+s16+$0x0], $0xffff  }
0x2a2: {  	s18 =	simm.s32 $0x2972;
	v15 =	vadd.s32 s17, v5;
	[tilespmem:s29+$0x3010] =	vst v9;
	v9 =	vld.idx.msk [tilespmem:v17+s16+$0x0], $0xffff  }
0x2a3: {  	s19 =	simm.s32 $0x2A80;
	[tilespmem:s30+$0x3010] =	vst v12;
	v6 =	vld.idx.msk [tilespmem:v6+s16+$0x0], $0xffff;
	v12 =	vadd.s32 s18, v5  }
0x2a4: {  	s2 =	simm.s32 $0x1CB7;
	v17 =	vld.idx.msk [tilespmem:v18+s16+$0x0], $0xffff;
	v18 =	vadd.s32 s19, v5;
	[tilespmem:s23+$0x3470] =	vst v11  }
0x2a5: {  	s3 =	simm.s32 $0x1CB5;
	[tilespmem:s26+$0x4810] =	vst v13;
	v11 =	vadd.s32 s2, v5;
	v13 =	vld.idx.msk [tilespmem:v14+s16+$0x0], $0xffff  }
0x2a6: {  	s4 =	simm.s32 $0x2B93;
	v14 =	vld.idx.msk [tilespmem:v16+s16+$0x0], $0xffff;
	v16 =	vadd.s32 s3, v5;
	[tilespmem:s28+$0x3010] =	vst v8  }
0x2a7: {  	s5 =	simm.s32 $0x1CB4;
	v7 =	vadd.s32 s4, v5;
	v8 =	vld.idx.msk [tilespmem:v15+s16+$0x0], $0xffff;
	[tilespmem:s22+$0x4C70] =	vst v10  }
0x2a8: {  	s6 =	simm.s32 $0x1CB6;
	v15 =	vadd.s32 s5, v5;
	v10 =	vld.idx.msk [tilespmem:v12+s16+$0x0], $0xffff;
	[tilespmem:s29+$0x3020] =	vst v6  }
0x2a9: {  	s7 =	simm.s32 $0x2A81;
	v12 =	vadd.s32 s6, v5;
	[tilespmem:s20+$0x3470] =	vst v9;
	v6 =	vld.idx.msk [tilespmem:v18+s16+$0x0], $0xffff  }
0x2aa: {  	s8 =	simm.s32 $0x2A82;
	[tilespmem:s30+$0x3020] =	vst v17;
	v11 =	vld.idx.msk [tilespmem:v11+s16+$0x0], $0xffff;
	v17 =	vadd.s32 s7, v5  }
0x2ab: {  	s10 =	simm.s32 $0x1DC7;
	v18 =	vadd.s32 s8, v5;
	v16 =	vld.idx.msk [tilespmem:v16+s16+$0x0], $0xffff;
	[tilespmem:s23+$0x3800] =	vst v13  }
0x2ac: {  	s11 =	simm.s32 $0x1DC5;
	[tilespmem:s26+$0x4820] =	vst v14;
	v13 =	vadd.s32 s10, v5;
	v7 =	vld.idx.msk [tilespmem:v7+s16+$0x0], $0xffff  }
0x2ad: {  	s12 =	simm.s32 $0x2CA3;
	v14 =	vld.idx.msk [tilespmem:v15+s16+$0x0], $0xffff;
	v15 =	vadd.s32 s11, v5;
	[tilespmem:s28+$0x3020] =	vst v8  }
0x2ae: {  	s13 =	simm.s32 $0x1DC4;
	v9 =	vadd.s32 s12, v5;
	v8 =	vld.idx.msk [tilespmem:v12+s16+$0x0], $0xffff;
	[tilespmem:s21+$0x3470] =	vst v10  }
0x2af: {  	s14 =	simm.s32 $0x1DC6;
	v12 =	vadd.s32 s13, v5;
	v17 =	vld.idx.msk [tilespmem:v17+s16+$0x0], $0xffff;
	[tilespmem:s29+$0x3030] =	vst v11  }
0x2b0: {  	s15 =	simm.s32 $0x2B90;
	v10 =	vadd.s32 s14, v5;
	v11 =	vld.idx.msk [tilespmem:v18+s16+$0x0], $0xffff;
	[tilespmem:s22+$0x5000] =	vst v6  }
0x2b1: {  	s17 =	simm.s32 $0x2B91;
	[tilespmem:s30+$0x3030] =	vst v16;
	v13 =	vld.idx.msk [tilespmem:v13+s16+$0x0], $0xffff;
	v16 =	vadd.s32 s15, v5  }
0x2b2: {  	s18 =	simm.s32 $0x1ED7;
	v18 =	vadd.s32 s17, v5;
	v15 =	vld.idx.msk [tilespmem:v15+s16+$0x0], $0xffff;
	[tilespmem:s23+$0x3810] =	vst v7  }
0x2b3: {  	s19 =	simm.s32 $0x1ED5;
	[tilespmem:s26+$0x4830] =	vst v14;
	v7 =	vadd.s32 s18, v5;
	v9 =	vld.idx.msk [tilespmem:v9+s16+$0x0], $0xffff  }
0x2b4: {  	s1 =	simm.s32 $0x2DB3;
	v14 =	vadd.s32 s19, v5;
	v12 =	vld.idx.msk [tilespmem:v12+s16+$0x0], $0xffff;
	[tilespmem:s28+$0x3030] =	vst v8  }
0x2b5: {  	s2 =	simm.s32 $0x1ED4;
	v6 =	vadd.s32 s1, v5;
	v8 =	vld.idx.msk [tilespmem:v10+s16+$0x0], $0xffff;
	[tilespmem:s20+$0x3800] =	vst v17  }
0x2b6: {  	s3 =	simm.s32 $0x1ED6;
	v10 =	vadd.s32 s2, v5;
	[tilespmem:s21+$0x3800] =	vst v11;
	v16 =	vld.idx.msk [tilespmem:v16+s16+$0x0], $0xffff  }
0x2b7: {  	s4 =	simm.s32 $0x2B92;
	v17 =	vadd.s32 s3, v5;
	[tilespmem:s29+$0x3040] =	vst v13;
	v13 =	vld.idx.msk [tilespmem:v18+s16+$0x0], $0xffff  }
0x2b8: {  	s5 =	simm.s32 $0x2CA0;
	[tilespmem:s30+$0x3040] =	vst v15;
	v7 =	vld.idx.msk [tilespmem:v7+s16+$0x0], $0xffff;
	v15 =	vadd.s32 s4, v5  }
0x2b9: {  	s6 =	simm.s32 $0x1FE7;
	v18 =	vadd.s32 s5, v5;
	v14 =	vld.idx.msk [tilespmem:v14+s16+$0x0], $0xffff;
	[tilespmem:s23+$0x3820] =	vst v9  }
0x2ba: {  	s7 =	simm.s32 $0x1FE5;
	v9 =	vadd.s32 s6, v5;
	[tilespmem:s26+$0x4840] =	vst v12;
	v6 =	vld.idx.msk [tilespmem:v6+s16+$0x0], $0xffff  }
0x2bb: {  	s8 =	simm.s32 $0x2EC3;
	v12 =	vadd.s32 s7, v5;
	v10 =	vld.idx.msk [tilespmem:v10+s16+$0x0], $0xffff;
	[tilespmem:s28+$0x3040] =	vst v8  }
0x2bc: {  	s10 =	simm.s32 $0x1FE4;
	v11 =	vadd.s32 s8, v5;
	v8 =	vld.idx.msk [tilespmem:v17+s16+$0x0], $0xffff;
	[tilespmem:s22+$0x5010] =	vst v16  }
0x2bd: {  	s11 =	simm.s32 $0x1FE6;
	v17 =	vadd.s32 s10, v5;
	[tilespmem:s20+$0x3810] =	vst v13;
	v15 =	vld.idx.msk [tilespmem:v15+s16+$0x0], $0xffff  }
0x2be: {  	s12 =	simm.s32 $0x2CA1;
	v16 =	vadd.s32 s11, v5;
	[tilespmem:s29+$0x3050] =	vst v7;
	v7 =	vld.idx.msk [tilespmem:v18+s16+$0x0], $0xffff  }
0x2bf: {  	s13 =	simm.s32 $0x2CA2;
	[tilespmem:s30+$0x3050] =	vst v14;
	v9 =	vld.idx.msk [tilespmem:v9+s16+$0x0], $0xffff;
	v14 =	vadd.s32 s12, v5  }
0x2c0: {  	s14 =	simm.s32 $0x20F7;
	v18 =	vadd.s32 s13, v5;
	v12 =	vld.idx.msk [tilespmem:v12+s16+$0x0], $0xffff;
	[tilespmem:s23+$0x3830] =	vst v6  }
0x2c1: {  	s15 =	simm.s32 $0x20F5;
	v6 =	vadd.s32 s14, v5;
	[tilespmem:s26+$0x4850] =	vst v10;
	v10 =	vld.idx.msk [tilespmem:v11+s16+$0x0], $0xffff  }
0x2c2: {  	s17 =	simm.s32 $0x2FD3;
	v11 =	vld.idx.msk [tilespmem:v17+s16+$0x0], $0xffff;
	v17 =	vadd.s32 s15, v5;
	[tilespmem:s28+$0x3050] =	vst v8  }
0x2c3: {  	s18 =	simm.s32 $0x20F4;
	v13 =	vadd.s32 s17, v5;
	v8 =	vld.idx.msk [tilespmem:v16+s16+$0x0], $0xffff;
	[tilespmem:s21+$0x3810] =	vst v15  }
0x2c4: {  	s19 =	simm.s32 $0x20F6;
	v16 =	vadd.s32 s18, v5;
	[tilespmem:s22+$0x5020] =	vst v7;
	v14 =	vld.idx.msk [tilespmem:v14+s16+$0x0], $0xffff  }
0x2c5: {  	s1 =	simm.s32 $0x2DB0;
	v15 =	vadd.s32 s19, v5;
	[tilespmem:s29+$0x3060] =	vst v9;
	v9 =	vld.idx.msk [tilespmem:v18+s16+$0x0], $0xffff  }
0x2c6: {  	s2 =	simm.s32 $0x2DB1;
	[tilespmem:s30+$0x3060] =	vst v12;
	v6 =	vld.idx.msk [tilespmem:v6+s16+$0x0], $0xffff;
	v12 =	vadd.s32 s1, v5  }
0x2c7: {  	s3 =	simm.s32 $0x2207;
	v18 =	vadd.s32 s2, v5;
	[tilespmem:s23+$0x3840] =	vst v10;
	v17 =	vld.idx.msk [tilespmem:v17+s16+$0x0], $0xffff  }
0x2c8: {  	s4 =	simm.s32 $0x2205;
	v10 =	vadd.s32 s3, v5;
	[tilespmem:s26+$0x4860] =	vst v11;
	v11 =	vld.idx.msk [tilespmem:v13+s16+$0x0], $0xffff  }
0x2c9: {  	s5 =	simm.s32 $0x30E3;
	v13 =	vld.idx.msk [tilespmem:v16+s16+$0x0], $0xffff;
	v16 =	vadd.s32 s4, v5;
	[tilespmem:s28+$0x3060] =	vst v8  }
0x2ca: {  	s6 =	simm.s32 $0x2204;
	v8 =	vld.idx.msk [tilespmem:v15+s16+$0x0], $0xffff;
	v15 =	vadd.s32 s5, v5;
	[tilespmem:s20+$0x3820] =	vst v14  }
0x2cb: {  	v19 =	vadd.s32 s6, v5;
	s7 =	simm.s32 $0x2206;
	[tilespmem:s21+$0x3820] =	vst v9;
	v20 =	vld.idx.msk [tilespmem:v12+s16+$0x0], $0xffff  }
0x2cc: {  	s8 =	simm.s32 $0x2DB2;
	v12 =	vadd.s32 s7, v5;
	[tilespmem:s29+$0x3070] =	vst v6;
	v7 =	vld.idx.msk [tilespmem:v18+s16+$0x0], $0xffff  }
0x2cd: {  	s10 =	simm.s32 $0x2EC0;
	v6 =	vld.idx.msk [tilespmem:v10+s16+$0x0], $0xffff;
	v10 =	vadd.s32 s8, v5;
	[tilespmem:s30+$0x3070] =	vst v17  }
0x2ce: {  	s11 =	simm.s32 $0x2317;
	[tilespmem:s23+$0x3850] =	vst v11;
	v14 =	vld.idx.msk [tilespmem:v16+s16+$0x0], $0xffff;
	v16 =	vadd.s32 s10, v5  }
0x2cf: {  	s12 =	simm.s32 $0x2315;
	v11 =	vadd.s32 s11, v5;
	[tilespmem:s26+$0x4870] =	vst v13;
	v17 =	vld.idx.msk [tilespmem:v15+s16+$0x0], $0xffff  }
0x2d0: {  	s13 =	simm.s32 $0x31F3;
	v18 =	vld.idx.msk [tilespmem:v19+s16+$0x0], $0xffff;
	v19 =	vadd.s32 s12, v5;
	[tilespmem:s28+$0x3070] =	vst v8  }
0x2d1: {  	p1 =	por $0x1, $0x1;
	v21 =	vadd.s32 s13, v5;
	s14 =	simm.s32 $0x2314;
	v12 =	vld.idx.msk [tilespmem:v12+s16+$0x0], $0xffff;
	[tilespmem:s22+$0x5030] =	vst v20  }
.Ltmp3:
0x2d2: {  	s15 =	simm.s32 $0x2316;
	v15 =	vadd.s32 s14, v5;
	v8 =	vld.idx.msk [tilespmem:v10+s16+$0x0], $0xffff;
	[tilespmem:s29+$0x3400] =	vst v6;
	(pc) =	sbr.rel @!p1 .LBB2_8-.Ltmp3, $4  }
0x2d3: {  	s17 =	simm.s32 $0x2EC1;
	v6 =	vld.idx.msk [tilespmem:v16+s16+$0x0], $0xffff;
	[tilespmem:s30+$0x3400] =	vst v14;
	v16 =	vadd.s32 s15, v5  }
0x2d4: {  	s18 =	simm.s32 $0x2EC2;
	v10 =	vadd.s32 s17, v5;
	v13 =	vld.idx.msk [tilespmem:v11+s16+$0x0], $0xffff;
	[tilespmem:s23+$0x3860] =	vst v17  }
0x2d5: {  	p0 =	por $0x1, $0x1;
	s0 =	simm.s32 $0x4;
	s19 =	simm.s32 $0x2427;
	v9 =	vadd.s32 s18, v5;
	v14 =	vld.idx.msk [tilespmem:v19+s16+$0x0], $0xffff;
	[tilespmem:s26+$0x4C00] =	vst v18  }
0x2d6: {  	s13 =	simm.s32 $0x0;
	s1 =	simm.s32 $0x2425;
	v17 =	vadd.s32 s19, v5;
	v11 =	vld.idx.msk [tilespmem:v21+s16+$0x0], $0xffff;
	s14 =	rddreg [dreg:$0xa]  }
.LBB2_9:
0x2d7: {  	s2 =	sadd.s32 $0x1984, s0;
	v15 =	vld.idx.msk [tilespmem:v15+s16+$0x0], $0xffff;
	v18 =	vadd.s32 s1, v5;
	[tilespmem:s28+$0x3400] =	vst v12  }
0x2d8: {  	s1 =	sadd.s32 $0x2424, s24;
	v12 =	vadd.s32 s2, v5;
	v16 =	vld.idx.msk [tilespmem:v16+s16+$0x0], $0xffff;
	[tilespmem:s20+$0x3830] =	vst v7  }
0x2d9: {  	v19 =	vadd.s32 s1, v5;
	s1 =	sadd.s32 $0x2426, s24;
	v10 =	vld.idx.msk [tilespmem:v10+s16+$0x0], $0xffff;
	[tilespmem:s21+$0x3830] =	vst v8  }
0x2da: {  	v8 =	vadd.s32 s1, v5;
	s1 =	sadd.s32 $0x2FD4, s25;
	[tilespmem:s29+$0x3410] =	vst v13;
	v9 =	vld.idx.msk [tilespmem:v9+s16+$0x0], $0xffff  }
0x2db: {  	[tilespmem:s30+$0x3410] =	vst v14;
	v13 =	vld.idx.msk [tilespmem:v17+s16+$0x0], $0xffff;
	v14 =	vadd.s32 s1, v5;
	s1 =	sadd.s32 $0x2FD5, s25  }
0x2dc: {  	s2 =	sadd.s32 $0x2537, s24;
	v17 =	vld.idx.msk [tilespmem:v18+s16+$0x0], $0xffff;
	v18 =	vadd.s32 s1, v5;
	[tilespmem:s23+$0x3870] =	vst v11;
	s23 =	smov.u32 s29  }
0x2dd: {  	s1 =	sadd.s32 $0x2535, s24;
	v11 =	vadd.s32 s2, v5;
	v7 =	vld.idx.msk [tilespmem:v12+s16+$0x0], $0xffff;
	[tilespmem:s26+$0x4C10] =	vst v15  }
0x2de: {  	v15 =	vadd.s32 s1, v5;
	s1 =	sadd.s32 $0x2FD6, s25;
	v12 =	vld.idx.msk [tilespmem:v19+s16+$0x0], $0xffff;
	[tilespmem:s28+$0x3410] =	vst v16  }
0x2df: {  	s2 =	sadd.s32 $0x2534, s24;
	v8 =	vld.idx.msk [tilespmem:v8+s16+$0x0], $0xffff;
	[tilespmem:s22+$0x5040] =	vst v6;
	v6 =	vadd.s32 s1, v5  }
0x2e0: {  	v16 =	vadd.s32 s2, v5;
	s1 =	sadd.s32 $0x2536, s24;
	v14 =	vld.idx.msk [tilespmem:v14+s16+$0x0], $0xffff;
	[tilespmem:s20+$0x3840] =	vst v10  }
0x2e1: {  	v10 =	vadd.s32 s1, v5;
	s1 =	sadd.s32 $0x30E4, s25;
	[tilespmem:s23+$0x3420] =	vst v13;
	v13 =	vld.idx.msk [tilespmem:v18+s16+$0x0], $0xffff  }
0x2e2: {  	[tilespmem:s30+$0x3420] =	vst v17;
	v11 =	vld.idx.msk [tilespmem:v11+s16+$0x0], $0xffff;
	v17 =	vadd.s32 s1, v5;
	s1 =	sadd.s32 $0x30E5, s25  }
0x2e3: {  	s2 =	sadd.s32 $0x2647, s24;
	v15 =	vld.idx.msk [tilespmem:v15+s16+$0x0], $0xffff;
	v18 =	vadd.s32 s1, v5;
	[tilespmem:s21+$0x3840] =	vst v9  }
0x2e4: {  	s1 =	sadd.s32 $0x2645, s24;
	v9 =	vadd.s32 s2, v5;
	[tilespmem:s26+$0x4C20] =	vst v12;
	v6 =	vld.idx.msk [tilespmem:v6+s16+$0x0], $0xffff  }
0x2e5: {  	v12 =	vld.idx.msk [tilespmem:v16+s16+$0x0], $0xffff;
	v16 =	vadd.s32 s1, v5;
	[tilespmem:s28+$0x3420] =	vst v8;
	s1 =	sadd.s32 $0x30E6, s25  }
0x2e6: {  	s2 =	sadd.s32 $0x2644, s24;
	v8 =	vld.idx.msk [tilespmem:v10+s16+$0x0], $0xffff;
	[tilespmem:s22+$0x5050] =	vst v14;
	v10 =	vadd.s32 s1, v5  }
0x2e7: {  	v14 =	vadd.s32 s2, v5;
	s1 =	sadd.s32 $0x2646, s24;
	v17 =	vld.idx.msk [tilespmem:v17+s16+$0x0], $0xffff;
	[tilespmem:s20+$0x3850] =	vst v13  }
0x2e8: {  	v13 =	vadd.s32 s1, v5;
	s1 =	sadd.s32 $0x31F4, s25;
	[tilespmem:s23+$0x3430] =	vst v11;
	v11 =	vld.idx.msk [tilespmem:v18+s16+$0x0], $0xffff  }
0x2e9: {  	[tilespmem:s30+$0x3430] =	vst v15;
	v9 =	vld.idx.msk [tilespmem:v9+s16+$0x0], $0xffff;
	v15 =	vadd.s32 s1, v5;
	s1 =	sadd.s32 $0x31F5, s25  }
0x2ea: {  	s2 =	sadd.s32 $0x2757, s24;
	v16 =	vld.idx.msk [tilespmem:v16+s16+$0x0], $0xffff;
	v18 =	vadd.s32 s1, v5;
	[tilespmem:s21+$0x3850] =	vst v6  }
0x2eb: {  	s1 =	sadd.s32 $0x2755, s24;
	v6 =	vadd.s32 s2, v5;
	[tilespmem:s26+$0x4C30] =	vst v12;
	v10 =	vld.idx.msk [tilespmem:v10+s16+$0x0], $0xffff  }
0x2ec: {  	v12 =	vld.idx.msk [tilespmem:v14+s16+$0x0], $0xffff;
	v14 =	vadd.s32 s1, v5;
	[tilespmem:s28+$0x3430] =	vst v8;
	s1 =	sadd.s32 $0x31F6, s25;
	s25 =	smov.u32 s24;
	s24 =	smov.u32 s0  }
0x2ed: {  	s2 =	sadd.s32 $0x2754, s25;
	v8 =	vld.idx.msk [tilespmem:v13+s16+$0x0], $0xffff;
	[tilespmem:s22+$0x5060] =	vst v17;
	v13 =	vadd.s32 s1, v5  }
0x2ee: {  	s1 =	sadd.s32 $0x2974, s25;
	v17 =	vadd.s32 s2, v5;
	s2 =	sadd.s32 $0x2756, s25;
	v15 =	vld.idx.msk [tilespmem:v15+s16+$0x0], $0xffff;
	[tilespmem:s20+$0x3860] =	vst v11  }
0x2ef: {  	s3 =	sadd.s32 $0x1987, s0;
	s4 =	sadd.s32 $0x2864, s25;
	s5 =	sadd.s32 $0x2865, s25;
	v11 =	vadd.s32 s2, v5;
	[tilespmem:s23+$0x3440] =	vst v9;
	v9 =	vld.idx.msk [tilespmem:v18+s16+$0x0], $0xffff  }
0x2f0: {  	s6 =	sadd.s32 $0x1985, s0;
	s2 =	sadd.s32 $0x1A94, s0;
	v18 =	vadd.s32 s3, v5;
	s3 =	sadd.s32 $0x2866, s25;
	[tilespmem:s30+$0x3440] =	vst v16;
	v6 =	vld.idx.msk [tilespmem:v6+s16+$0x0], $0xffff  }
0x2f1: {  	s7 =	sadd.s32 $0x2867, s25;
	s0 =	sadd.s32 $0x4, s0;
	v16 =	vadd.s32 s6, v5;
	s6 =	sadd.s32 $0x1A95, s24;
	v14 =	vld.idx.msk [tilespmem:v14+s16+$0x0], $0xffff;
	[tilespmem:s21+$0x3860] =	vst v10  }
0x2f2: {  	s10 =	sadd.s32 $0x15, s24;
	s11 =	sadd.s32 $0x16, s24;
	s8 =	sshrl.u32 s0, $0x3;
	v10 =	vadd.s32 s7, v5;
	[tilespmem:s26+$0x4C40] =	vst v12;
	v12 =	vld.idx.msk [tilespmem:v13+s16+$0x0], $0xffff  }
0x2f3: {  	s7 =	smul.u32 $0x3000, s8;
	s8 =	sshrl.u32 s10, $0x3;
	s10 =	sadd.s32 $0x1986, s24;
	v13 =	vld.idx.msk [tilespmem:v17+s16+$0x0], $0xffff;
	v17 =	vadd.s32 s5, v5;
	[tilespmem:s28+$0x3440] =	vst v8  }
0x2f4: {  	s5 =	smul.u32 $0x3000, s8;
	v8 =	vadd.s32 s10, v5;
	s8 =	sshrl.u32 s11, $0x3;
	s10 =	sadd.s32 $0x1A96, s24;
	v11 =	vld.idx.msk [tilespmem:v11+s16+$0x0], $0xffff;
	[tilespmem:s22+$0x5070] =	vst v15  }
0x2f5: {  	s7 =	sshra.s32 s7, $0x2;
	s11 =	sadd.s32 $0x17, s24;
	s8 =	smul.u32 $0x3000, s8;
	v15 =	vld.idx.msk [tilespmem:v18+s16+$0x0], $0xffff;
	v18 =	vadd.s32 s4, v5;
	[tilespmem:s20+$0x3870] =	vst v9  }
0x2f6: {  	s4 =	sshra.s32 s5, $0x2;
	s5 =	sshrl.u32 s11, $0x3;
	s11 =	sadd.s32 $0x1A97, s24;
	v9 =	vld.idx.msk [tilespmem:v16+s16+$0x0], $0xffff;
	v16 =	vadd.s32 s3, v5;
	[tilespmem:s23+$0x3450] =	vst v6  }
0x2f7: {  	s31 =	sadd.s32 $0x200, s31;
	s3 =	sshra.s32 s8, $0x2;
	s5 =	smul.u32 $0x3000, s5;
	v6 =	vadd.s32 s11, v5;
	[tilespmem:s30+$0x3450] =	vst v14;
	v10 =	vld.idx.msk [tilespmem:v10+s16+$0x0], $0xffff  }
0x2f8: {  	s8 =	sadd.s32 $0x880, s31;
	s11 =	sadd.s32 $0x2977, s25;
	v14 =	vadd.s32 s6, v5;
	s6 =	sadd.s32 $0x980, s31;
	v17 =	vld.idx.msk [tilespmem:v17+s16+$0x0], $0xffff;
	[tilespmem:s21+$0x3870] =	vst v12  }
0x2f9: {  	s12 =	sadd.s32 $0x900, s31;
	s6 =	sand.u32 $0x380, s6;
	s5 =	sshra.s32 s5, $0x2;
	v12 =	vadd.s32 s11, v5;
	v8 =	vld.idx.msk [tilespmem:v8+s16+$0x0], $0xffff;
	[tilespmem:s26+$0x4C50] =	vst v13  }
0x2fa: {  	v13 =	vadd.s32 s2, v5;
	s2 =	sand.u32 $0x280, s8;
	s8 =	sand.u32 $0x300, s12;
	s29 =	sor.u32 s6, s5;
	v18 =	vld.idx.msk [tilespmem:v18+s16+$0x0], $0xffff;
	[tilespmem:s28+$0x3450] =	vst v11  }
0x2fb: {  	s5 =	sand.u32 $0x200, s31;
	s2 =	sor.u32 s2, s4;
	s3 =	sor.u32 s8, s3;
	v11 =	vadd.s32 s10, v5;
	[tilespmem:s29+$0x3000] =	vst v15;
	v15 =	vld.idx.msk [tilespmem:v16+s16+$0x0], $0xffff  }
0x2fc: {  	p1 =	slt.u32 s0, $0xC;
	s4 =	sor.u32 s5, s7;
	[tilespmem:s2+$0x3000] =	vst v9;
	v6 =	vld.idx.msk [tilespmem:v6+s16+$0x0], $0xffff;
	v9 =	vadd.s32 s1, v5;
	s1 =	sadd.s32 $0x2975, s25  }
0x2fd: {  	s20 =	smov.u32 s30;
	s5 =	sadd.s32 $0x1BA7, s24;
	s30 =	smov.u32 s2;
	v14 =	vld.idx.msk [tilespmem:v14+s16+$0x0], $0xffff;
	v16 =	vadd.s32 s1, v5;
	[tilespmem:s23+$0x3460] =	vst v10  }
0x2fe: {  	s21 =	smov.u32 s28;
	s28 =	smov.u32 s3;
	s1 =	sadd.s32 $0x1BA5, s24;
	[tilespmem:s4+$0x4800] =	vst v7;
	v7 =	vadd.s32 s5, v5;
	v10 =	vld.idx.msk [tilespmem:v12+s16+$0x0], $0xffff  }
0x2ff: {  	s22 =	smov.u32 s26;
	s26 =	smov.u32 s4;
	v12 =	vld.idx.msk [tilespmem:v13+s16+$0x0], $0xffff;
	v13 =	vadd.s32 s1, v5;
	[tilespmem:s28+$0x3000] =	vst v8;
	s1 =	sadd.s32 $0x2A87, s25  }
0x300: {  	s2 =	sadd.s32 $0x1BA4, s24;
	v8 =	vld.idx.msk [tilespmem:v11+s16+$0x0], $0xffff;
	[tilespmem:s22+$0x4C60] =	vst v18;
	v11 =	vadd.s32 s1, v5  }
0x301: {  	v18 =	vadd.s32 s2, v5;
	s1 =	sadd.s32 $0x1BA6, s24;
	v9 =	vld.idx.msk [tilespmem:v9+s16+$0x0], $0xffff;
	[tilespmem:s20+$0x3460] =	vst v17  }
0x302: {  	v17 =	vadd.s32 s1, v5;
	s1 =	sadd.s32 $0x2976, s25;
	[tilespmem:s29+$0x3010] =	vst v6;
	v6 =	vld.idx.msk [tilespmem:v16+s16+$0x0], $0xffff  }
0x303: {  	s2 =	sadd.s32 $0x2A84, s25;
	[tilespmem:s30+$0x3010] =	vst v14;
	v7 =	vld.idx.msk [tilespmem:v7+s16+$0x0], $0xffff;
	v14 =	vadd.s32 s1, v5  }
0x304: {  	v16 =	vadd.s32 s2, v5;
	s1 =	sadd.s32 $0x1CB7, s24;
	v13 =	vld.idx.msk [tilespmem:v13+s16+$0x0], $0xffff;
	[tilespmem:s23+$0x3470] =	vst v10  }
0x305: {  	s2 =	sadd.s32 $0x1CB5, s24;
	v10 =	vadd.s32 s1, v5;
	[tilespmem:s26+$0x4810] =	vst v12;
	v11 =	vld.idx.msk [tilespmem:v11+s16+$0x0], $0xffff  }
0x306: {  	s1 =	sadd.s32 $0x2B97, s25;
	v12 =	vld.idx.msk [tilespmem:v18+s16+$0x0], $0xffff;
	v18 =	vadd.s32 s2, v5;
	[tilespmem:s28+$0x3010] =	vst v8  }
0x307: {  	s2 =	sadd.s32 $0x1CB4, s24;
	v8 =	vld.idx.msk [tilespmem:v17+s16+$0x0], $0xffff;
	[tilespmem:s21+$0x3460] =	vst v15;
	v15 =	vadd.s32 s1, v5  }
0x308: {  	v17 =	vadd.s32 s2, v5;
	s1 =	sadd.s32 $0x1CB6, s24;
	[tilespmem:s22+$0x4C70] =	vst v9;
	v9 =	vld.idx.msk [tilespmem:v14+s16+$0x0], $0xffff  }
0x309: {  	v14 =	vadd.s32 s1, v5;
	s1 =	sadd.s32 $0x2A85, s25;
	[tilespmem:s29+$0x3020] =	vst v7;
	v7 =	vld.idx.msk [tilespmem:v16+s16+$0x0], $0xffff  }
0x30a: {  	[tilespmem:s30+$0x3020] =	vst v13;
	v10 =	vld.idx.msk [tilespmem:v10+s16+$0x0], $0xffff;
	v13 =	vadd.s32 s1, v5;
	s1 =	sadd.s32 $0x2A86, s25  }
0x30b: {  	s2 =	sadd.s32 $0x1DC7, s24;
	v16 =	vld.idx.msk [tilespmem:v18+s16+$0x0], $0xffff;
	v18 =	vadd.s32 s1, v5;
	[tilespmem:s23+$0x3800] =	vst v11  }
0x30c: {  	s1 =	sadd.s32 $0x1DC5, s24;
	v11 =	vadd.s32 s2, v5;
	[tilespmem:s26+$0x4820] =	vst v12;
	v12 =	vld.idx.msk [tilespmem:v15+s16+$0x0], $0xffff  }
0x30d: {  	v15 =	vld.idx.msk [tilespmem:v17+s16+$0x0], $0xffff;
	v17 =	vadd.s32 s1, v5;
	[tilespmem:s28+$0x3020] =	vst v8;
	s1 =	sadd.s32 $0x2CA7, s25  }
0x30e: {  	s2 =	sadd.s32 $0x1DC4, s24;
	v8 =	vld.idx.msk [tilespmem:v14+s16+$0x0], $0xffff;
	[tilespmem:s20+$0x3470] =	vst v6;
	v6 =	vadd.s32 s1, v5  }
0x30f: {  	v14 =	vadd.s32 s2, v5;
	s1 =	sadd.s32 $0x1DC6, s24;
	v13 =	vld.idx.msk [tilespmem:v13+s16+$0x0], $0xffff;
	[tilespmem:s21+$0x3470] =	vst v9  }
0x310: {  	v9 =	vadd.s32 s1, v5;
	s1 =	sadd.s32 $0x2B94, s25;
	[tilespmem:s29+$0x3030] =	vst v10;
	v10 =	vld.idx.msk [tilespmem:v18+s16+$0x0], $0xffff  }
0x311: {  	[tilespmem:s30+$0x3030] =	vst v16;
	v11 =	vld.idx.msk [tilespmem:v11+s16+$0x0], $0xffff;
	v16 =	vadd.s32 s1, v5;
	s1 =	sadd.s32 $0x2B95, s25  }
0x312: {  	s2 =	sadd.s32 $0x1ED7, s24;
	v17 =	vld.idx.msk [tilespmem:v17+s16+$0x0], $0xffff;
	v18 =	vadd.s32 s1, v5;
	[tilespmem:s23+$0x3810] =	vst v12  }
0x313: {  	s1 =	sadd.s32 $0x1ED5, s24;
	v12 =	vadd.s32 s2, v5;
	[tilespmem:s26+$0x4830] =	vst v15;
	v6 =	vld.idx.msk [tilespmem:v6+s16+$0x0], $0xffff  }
0x314: {  	v15 =	vadd.s32 s1, v5;
	s1 =	sadd.s32 $0x2DB7, s25;
	v14 =	vld.idx.msk [tilespmem:v14+s16+$0x0], $0xffff;
	[tilespmem:s28+$0x3030] =	vst v8  }
0x315: {  	s2 =	sadd.s32 $0x1ED4, s24;
	v8 =	vld.idx.msk [tilespmem:v9+s16+$0x0], $0xffff;
	[tilespmem:s22+$0x5000] =	vst v7;
	v7 =	vadd.s32 s1, v5  }
0x316: {  	v9 =	vadd.s32 s2, v5;
	s1 =	sadd.s32 $0x1ED6, s24;
	v16 =	vld.idx.msk [tilespmem:v16+s16+$0x0], $0xffff;
	[tilespmem:s20+$0x3800] =	vst v13  }
0x317: {  	v13 =	vadd.s32 s1, v5;
	s1 =	sadd.s32 $0x2B96, s25;
	[tilespmem:s29+$0x3040] =	vst v11;
	v11 =	vld.idx.msk [tilespmem:v18+s16+$0x0], $0xffff  }
0x318: {  	s2 =	sadd.s32 $0x2CA4, s25;
	[tilespmem:s30+$0x3040] =	vst v17;
	v12 =	vld.idx.msk [tilespmem:v12+s16+$0x0], $0xffff;
	v17 =	vadd.s32 s1, v5  }
0x319: {  	v18 =	vadd.s32 s2, v5;
	s1 =	sadd.s32 $0x1FE7, s24;
	v15 =	vld.idx.msk [tilespmem:v15+s16+$0x0], $0xffff;
	[tilespmem:s23+$0x3820] =	vst v6  }
0x31a: {  	s2 =	sadd.s32 $0x1FE5, s24;
	v6 =	vadd.s32 s1, v5;
	[tilespmem:s26+$0x4840] =	vst v14;
	v7 =	vld.idx.msk [tilespmem:v7+s16+$0x0], $0xffff  }
0x31b: {  	s1 =	sadd.s32 $0x2EC7, s25;
	v14 =	vadd.s32 s2, v5;
	v9 =	vld.idx.msk [tilespmem:v9+s16+$0x0], $0xffff;
	[tilespmem:s28+$0x3040] =	vst v8  }
0x31c: {  	s2 =	sadd.s32 $0x1FE4, s24;
	v8 =	vld.idx.msk [tilespmem:v13+s16+$0x0], $0xffff;
	[tilespmem:s21+$0x3800] =	vst v10;
	v10 =	vadd.s32 s1, v5  }
0x31d: {  	v13 =	vadd.s32 s2, v5;
	s1 =	sadd.s32 $0x1FE6, s24;
	[tilespmem:s22+$0x5010] =	vst v16;
	v16 =	vld.idx.msk [tilespmem:v17+s16+$0x0], $0xffff  }
0x31e: {  	v17 =	vadd.s32 s1, v5;
	s1 =	sadd.s32 $0x2CA5, s25;
	[tilespmem:s29+$0x3050] =	vst v12;
	v12 =	vld.idx.msk [tilespmem:v18+s16+$0x0], $0xffff  }
0x31f: {  	[tilespmem:s30+$0x3050] =	vst v15;
	v6 =	vld.idx.msk [tilespmem:v6+s16+$0x0], $0xffff;
	v15 =	vadd.s32 s1, v5;
	s1 =	sadd.s32 $0x2CA6, s25  }
0x320: {  	s2 =	sadd.s32 $0x20F7, s24;
	v14 =	vld.idx.msk [tilespmem:v14+s16+$0x0], $0xffff;
	v18 =	vadd.s32 s1, v5;
	[tilespmem:s23+$0x3830] =	vst v7  }
0x321: {  	s1 =	sadd.s32 $0x20F5, s24;
	v7 =	vadd.s32 s2, v5;
	[tilespmem:s26+$0x4850] =	vst v9;
	v9 =	vld.idx.msk [tilespmem:v10+s16+$0x0], $0xffff  }
0x322: {  	v10 =	vld.idx.msk [tilespmem:v13+s16+$0x0], $0xffff;
	v13 =	vadd.s32 s1, v5;
	[tilespmem:s28+$0x3050] =	vst v8;
	s1 =	sadd.s32 $0x2FD7, s25  }
0x323: {  	s2 =	sadd.s32 $0x20F4, s24;
	v8 =	vld.idx.msk [tilespmem:v17+s16+$0x0], $0xffff;
	[tilespmem:s20+$0x3810] =	vst v11;
	v11 =	vadd.s32 s1, v5  }
0x324: {  	v17 =	vadd.s32 s2, v5;
	s1 =	sadd.s32 $0x20F6, s24;
	v15 =	vld.idx.msk [tilespmem:v15+s16+$0x0], $0xffff;
	[tilespmem:s21+$0x3810] =	vst v16  }
0x325: {  	v16 =	vadd.s32 s1, v5;
	s1 =	sadd.s32 $0x2DB4, s25;
	[tilespmem:s29+$0x3060] =	vst v6;
	v6 =	vld.idx.msk [tilespmem:v18+s16+$0x0], $0xffff  }
0x326: {  	[tilespmem:s30+$0x3060] =	vst v14;
	v7 =	vld.idx.msk [tilespmem:v7+s16+$0x0], $0xffff;
	v14 =	vadd.s32 s1, v5;
	s1 =	sadd.s32 $0x2DB5, s25  }
0x327: {  	s2 =	sadd.s32 $0x2207, s24;
	v13 =	vld.idx.msk [tilespmem:v13+s16+$0x0], $0xffff;
	v18 =	vadd.s32 s1, v5;
	[tilespmem:s23+$0x3840] =	vst v9  }
0x328: {  	s1 =	sadd.s32 $0x2205, s24;
	v9 =	vadd.s32 s2, v5;
	[tilespmem:s26+$0x4860] =	vst v10;
	v10 =	vld.idx.msk [tilespmem:v11+s16+$0x0], $0xffff  }
0x329: {  	v11 =	vld.idx.msk [tilespmem:v17+s16+$0x0], $0xffff;
	v17 =	vadd.s32 s1, v5;
	[tilespmem:s28+$0x3060] =	vst v8;
	s1 =	sadd.s32 $0x30E7, s25  }
0x32a: {  	s2 =	sadd.s32 $0x2204, s24;
	v8 =	vld.idx.msk [tilespmem:v16+s16+$0x0], $0xffff;
	[tilespmem:s22+$0x5020] =	vst v12;
	v12 =	vadd.s32 s1, v5  }
0x32b: {  	v16 =	vadd.s32 s2, v5;
	s1 =	sadd.s32 $0x2206, s24;
	v14 =	vld.idx.msk [tilespmem:v14+s16+$0x0], $0xffff;
	[tilespmem:s20+$0x3820] =	vst v15  }
0x32c: {  	v15 =	vadd.s32 s1, v5;
	s1 =	sadd.s32 $0x2DB6, s25;
	[tilespmem:s29+$0x3070] =	vst v7;
	v7 =	vld.idx.msk [tilespmem:v18+s16+$0x0], $0xffff  }
0x32d: {  	s2 =	sadd.s32 $0x2EC4, s25;
	[tilespmem:s30+$0x3070] =	vst v13;
	v9 =	vld.idx.msk [tilespmem:v9+s16+$0x0], $0xffff;
	v13 =	vadd.s32 s1, v5  }
0x32e: {  	v18 =	vadd.s32 s2, v5;
	s1 =	sadd.s32 $0x2317, s24;
	v17 =	vld.idx.msk [tilespmem:v17+s16+$0x0], $0xffff;
	[tilespmem:s23+$0x3850] =	vst v10  }
0x32f: {  	s2 =	sadd.s32 $0x2315, s24;
	v10 =	vadd.s32 s1, v5;
	[tilespmem:s26+$0x4870] =	vst v11;
	v11 =	vld.idx.msk [tilespmem:v12+s16+$0x0], $0xffff  }
0x330: {  	v20 =	vadd.s32 s2, v5;
	s1 =	sadd.s32 $0x31F7, s25;
	v19 =	vld.idx.msk [tilespmem:v16+s16+$0x0], $0xffff;
	[tilespmem:s28+$0x3070] =	vst v8  }
0x331: {  	s2 =	sadd.s32 $0x2314, s24;
	v21 =	vadd.s32 s1, v5;
	v12 =	vld.idx.msk [tilespmem:v15+s16+$0x0], $0xffff;
	[tilespmem:s21+$0x3820] =	vst v6  }
.Ltmp4:
0x332: {  	s1 =	sadd.s32 $0x2316, s24;
	v15 =	vadd.s32 s2, v5;
	[tilespmem:s22+$0x5030] =	vst v14;
	v8 =	vld.idx.msk [tilespmem:v13+s16+$0x0], $0xffff;
	(pc) =	sbr.rel @p1 .LBB2_9-.Ltmp4, $4  }
0x333: {  	v16 =	vadd.s32 s1, v5;
	s1 =	sadd.s32 $0x2EC5, s25;
	[tilespmem:s29+$0x3400] =	vst v9;
	v6 =	vld.idx.msk [tilespmem:v18+s16+$0x0], $0xffff  }
0x334: {  	[tilespmem:s30+$0x3400] =	vst v17;
	v13 =	vld.idx.msk [tilespmem:v10+s16+$0x0], $0xffff;
	v10 =	vadd.s32 s1, v5;
	s1 =	sadd.s32 $0x2EC6, s25  }
0x335: {  	s2 =	sadd.s32 $0x2427, s24;
	v14 =	vld.idx.msk [tilespmem:v20+s16+$0x0], $0xffff;
	v9 =	vadd.s32 s1, v5;
	[tilespmem:s23+$0x3860] =	vst v11  }
0x336: {  	v17 =	vadd.s32 s2, v5;
	s1 =	sadd.s32 $0x2425, s24;
	[tilespmem:s26+$0x4C00] =	vst v19;
	v11 =	vld.idx.msk [tilespmem:v21+s16+$0x0], $0xffff  }
0x337: {  	s0 =	smov.u32 s20;
	s20 =	smov.u32 s30  }
.LBB2_11:
0x338: {  	_ =	sdelay $0x3  }
0x339: {  	v15 =	vld.idx.msk [tilespmem:v15+s16+$0x0], $0xffff;
	s2 =	sadd.s32 $0x2424, s24;
	[tilespmem:s28+$0x3400] =	vst v12;
	v18 =	vadd.s32 s1, v5  }
0x33a: {  	s18 =	sadd.s32 $0x2426, s24;
	v53 =	vadd.s32 s2, v5;
	v16 =	vld.idx.msk [tilespmem:v16+s16+$0x0], $0xffff  }
0x33b: {  	v19 =	vadd.s32 s18, v5  }
0x33c: {  	[tilespmem:s29+$0x3410] =	vst v13  }
0x33d: {  	s19 =	sadd.s32 $0x2537, s24;
	v13 =	vld.idx.msk [tilespmem:v17+s16+$0x0], $0xffff;
	[tilespmem:s20+$0x3410] =	vst v14  }
0x33e: {  	s31 =	sadd.s32 $0x2535, s24;
	v54 =	vadd.s32 s19, v5;
	[tilespmem:s26+$0x4C10] =	vst v15;
	v55 =	vld.idx.msk [tilespmem:v18+s16+$0x0], $0xffff  }
0x33f: {  	s30 =	sadd.s32 $0x2534, s24;
	v57 =	vadd.s32 s31, v5;
	v12 =	vld.idx.msk [tilespmem:v53+s16+$0x0], $0xffff;
	[tilespmem:s28+$0x3410] =	vst v16  }
0x340: {  	v56 =	vadd.s32 s30, v5;
	s2 =	sadd.s32 $0x2536, s24;
	v58 =	vld.idx.msk [tilespmem:v19+s16+$0x0], $0xffff  }
0x341: {  	v59 =	vadd.s32 s2, v5  }
0x342: {  	[tilespmem:s29+$0x3420] =	vst v13  }
0x343: {  	s3 =	sadd.s32 $0x2647, s24;
	v13 =	vld.idx.msk [tilespmem:v54+s16+$0x0], $0xffff;
	[tilespmem:s20+$0x3420] =	vst v55  }
0x344: {  	s5 =	sadd.s32 $0x2645, s24;
	v60 =	vadd.s32 s3, v5;
	[tilespmem:s26+$0x4C20] =	vst v12;
	v15 =	vld.idx.msk [tilespmem:v57+s16+$0x0], $0xffff  }
0x345: {  	s4 =	sadd.s32 $0x2644, s24;
	v63 =	vadd.s32 s5, v5;
	v61 =	vld.idx.msk [tilespmem:v56+s16+$0x0], $0xffff;
	[tilespmem:s28+$0x3420] =	vst v58  }
0x346: {  	s6 =	sadd.s32 $0x2646, s24;
	v62 =	vadd.s32 s4, v5;
	v18 =	vld.idx.msk [tilespmem:v59+s16+$0x0], $0xffff  }
0x347: {  	v21 =	vadd.s32 s6, v5  }
0x348: {  	[tilespmem:s29+$0x3430] =	vst v13  }
0x349: {  	s7 =	sadd.s32 $0x2757, s24;
	v12 =	vld.idx.msk [tilespmem:v60+s16+$0x0], $0xffff;
	[tilespmem:s20+$0x3430] =	vst v15  }
0x34a: {  	s10 =	sadd.s32 $0x2755, s24;
	v22 =	vadd.s32 s7, v5;
	[tilespmem:s26+$0x4C30] =	vst v61;
	v15 =	vld.idx.msk [tilespmem:v63+s16+$0x0], $0xffff  }
0x34b: {  	s8 =	sadd.s32 $0x2754, s24;
	v24 =	vadd.s32 s10, v5;
	v14 =	vld.idx.msk [tilespmem:v62+s16+$0x0], $0xffff;
	[tilespmem:s28+$0x3430] =	vst v18  }
0x34c: {  	s11 =	sadd.s32 $0x2756, s24;
	v23 =	vadd.s32 s8, v5;
	v18 =	vld.idx.msk [tilespmem:v21+s16+$0x0], $0xffff  }
0x34d: {  	v25 =	vadd.s32 s11, v5  }
0x34e: {  	[tilespmem:s29+$0x3440] =	vst v12  }
0x34f: {  	s12 =	sadd.s32 $0x2867, s24;
	v12 =	vld.idx.msk [tilespmem:v22+s16+$0x0], $0xffff;
	[tilespmem:s20+$0x3440] =	vst v15  }
0x350: {  	s17 =	sadd.s32 $0x2865, s24;
	v26 =	vadd.s32 s12, v5;
	[tilespmem:s26+$0x4C40] =	vst v14;
	v15 =	vld.idx.msk [tilespmem:v24+s16+$0x0], $0xffff  }
0x351: {  	s15 =	sadd.s32 $0x2864, s24;
	v28 =	vadd.s32 s17, v5;
	v14 =	vld.idx.msk [tilespmem:v23+s16+$0x0], $0xffff;
	[tilespmem:s28+$0x3440] =	vst v18  }
0x352: {  	v27 =	vadd.s32 s15, v5;
	s18 =	sadd.s32 $0x2866, s24;
	v18 =	vld.idx.msk [tilespmem:v25+s16+$0x0], $0xffff  }
0x353: {  	v29 =	vadd.s32 s18, v5  }
0x354: {  	[tilespmem:s29+$0x3450] =	vst v12  }
0x355: {  	s19 =	sadd.s32 $0x2977, s24;
	v12 =	vld.idx.msk [tilespmem:v26+s16+$0x0], $0xffff;
	[tilespmem:s20+$0x3450] =	vst v15  }
0x356: {  	s31 =	sadd.s32 $0x2975, s24;
	v30 =	vadd.s32 s19, v5;
	[tilespmem:s26+$0x4C50] =	vst v14;
	v15 =	vld.idx.msk [tilespmem:v28+s16+$0x0], $0xffff  }
0x357: {  	s30 =	sadd.s32 $0x2974, s24;
	v33 =	vadd.s32 s31, v5;
	v14 =	vld.idx.msk [tilespmem:v27+s16+$0x0], $0xffff;
	[tilespmem:s28+$0x3450] =	vst v18  }
0x358: {  	v31 =	vadd.s32 s30, v5;
	s2 =	sadd.s32 $0x2976, s24;
	v32 =	vld.idx.msk [tilespmem:v29+s16+$0x0], $0xffff  }
0x359: {  	v34 =	vadd.s32 s2, v5  }
0x35a: {  	[tilespmem:s29+$0x3460] =	vst v12  }
0x35b: {  	s3 =	sadd.s32 $0x2A87, s24;
	v12 =	vld.idx.msk [tilespmem:v30+s16+$0x0], $0xffff;
	[tilespmem:s20+$0x3460] =	vst v15  }
0x35c: {  	s5 =	sadd.s32 $0x2A85, s24;
	v35 =	vadd.s32 s3, v5;
	[tilespmem:s26+$0x4C60] =	vst v14;
	v15 =	vld.idx.msk [tilespmem:v33+s16+$0x0], $0xffff  }
0x35d: {  	s4 =	sadd.s32 $0x2A84, s24;
	v37 =	vadd.s32 s5, v5;
	v14 =	vld.idx.msk [tilespmem:v31+s16+$0x0], $0xffff;
	[tilespmem:s28+$0x3460] =	vst v32  }
0x35e: {  	s6 =	sadd.s32 $0x2A86, s24;
	v36 =	vadd.s32 s4, v5;
	v17 =	vld.idx.msk [tilespmem:v34+s16+$0x0], $0xffff  }
0x35f: {  	v38 =	vadd.s32 s6, v5  }
0x360: {  	[tilespmem:s29+$0x3470] =	vst v12  }
0x361: {  	s7 =	sadd.s32 $0x2B97, s24;
	v12 =	vld.idx.msk [tilespmem:v35+s16+$0x0], $0xffff;
	[tilespmem:s20+$0x3470] =	vst v15  }
0x362: {  	s10 =	sadd.s32 $0x2B95, s24;
	v39 =	vadd.s32 s7, v5;
	[tilespmem:s26+$0x4C70] =	vst v14;
	v15 =	vld.idx.msk [tilespmem:v37+s16+$0x0], $0xffff  }
0x363: {  	s8 =	sadd.s32 $0x2B94, s24;
	v41 =	vadd.s32 s10, v5;
	v14 =	vld.idx.msk [tilespmem:v36+s16+$0x0], $0xffff;
	[tilespmem:s28+$0x3470] =	vst v17  }
0x364: {  	s11 =	sadd.s32 $0x2B96, s24;
	v40 =	vadd.s32 s8, v5;
	v17 =	vld.idx.msk [tilespmem:v38+s16+$0x0], $0xffff  }
0x365: {  	[tilespmem:s0+$0x3830] =	vst @p0 v7;
	v7 =	vadd.s32 s11, v5  }
0x366: {  	[tilespmem:s29+$0x3800] =	vst v12  }
0x367: {  	s12 =	sadd.s32 $0x2CA7, s24;
	v12 =	vld.idx.msk [tilespmem:v39+s16+$0x0], $0xffff;
	[tilespmem:s20+$0x3800] =	vst v15  }
0x368: {  	s17 =	sadd.s32 $0x2CA5, s24;
	v42 =	vadd.s32 s12, v5;
	[tilespmem:s26+$0x5000] =	vst v14;
	v15 =	vld.idx.msk [tilespmem:v41+s16+$0x0], $0xffff  }
0x369: {  	s15 =	sadd.s32 $0x2CA4, s24;
	v44 =	vadd.s32 s17, v5;
	v14 =	vld.idx.msk [tilespmem:v40+s16+$0x0], $0xffff;
	[tilespmem:s28+$0x3800] =	vst v17  }
0x36a: {  	[tilespmem:s21+$0x3830] =	vst @p0 v8;
	v43 =	vadd.s32 s15, v5;
	s18 =	sadd.s32 $0x2CA6, s24;
	v7 =	vld.idx.msk [tilespmem:v7+s16+$0x0], $0xffff  }
0x36b: {  	[tilespmem:s23+$0x3870] =	vst @p0 v11;
	v45 =	vadd.s32 s18, v5  }
0x36c: {  	s1 =	sadd.s32 @p0 $0x2FD4, s25;
	v10 =	vld.idx.msk @p0 [tilespmem:v10+s16+$0x0], $0xffff;
	[tilespmem:s29+$0x3810] =	vst v12  }
0x36d: {  	s19 =	sadd.s32 $0x2DB7, s24;
	v12 =	vadd.s32 @p0 s1, v5;
	v13 =	vld.idx.msk [tilespmem:v42+s16+$0x0], $0xffff;
	[tilespmem:s20+$0x3810] =	vst v15  }
0x36e: {  	s30 =	sadd.s32 $0x2DB5, s24;
	v46 =	vadd.s32 s19, v5;
	[tilespmem:s26+$0x5010] =	vst v14;
	v8 =	vld.idx.msk [tilespmem:v44+s16+$0x0], $0xffff  }
0x36f: {  	s23 =	sadd.s32 $0x2DB4, s24;
	v47 =	vadd.s32 s30, v5;
	v16 =	vld.idx.msk [tilespmem:v43+s16+$0x0], $0xffff;
	[tilespmem:s28+$0x3810] =	vst v7  }
0x370: {  	[tilespmem:s22+$0x5040] =	vst @p0 v6;
	s31 =	sadd.s32 $0x2DB6, s24;
	v7 =	vadd.s32 s23, v5;
	v6 =	vld.idx.msk [tilespmem:v45+s16+$0x0], $0xffff  }
0x371: {  	v9 =	vld.idx.msk @p0 [tilespmem:v9+s16+$0x0], $0xffff;
	s2 =	sadd.s32 @p0 $0x2FD5, s25;
	v48 =	vadd.s32 s31, v5;
	[tilespmem:s0+$0x3840] =	vst @p0 v10  }
0x372: {  	s1 =	sadd.s32 @p0 $0x2FD6, s25;
	v15 =	vadd.s32 @p0 s2, v5;
	v12 =	vld.idx.msk @p0 [tilespmem:v12+s16+$0x0], $0xffff;
	[tilespmem:s29+$0x3820] =	vst v13  }
0x373: {  	s2 =	sadd.s32 $0x2EC7, s24;
	v13 =	vadd.s32 @p0 s1, v5;
	v14 =	vld.idx.msk [tilespmem:v46+s16+$0x0], $0xffff;
	[tilespmem:s20+$0x3820] =	vst v8  }
0x374: {  	s4 =	sadd.s32 $0x2EC5, s24;
	v49 =	vadd.s32 s2, v5;
	[tilespmem:s26+$0x5020] =	vst v16;
	v8 =	vld.idx.msk [tilespmem:v47+s16+$0x0], $0xffff  }
0x375: {  	s3 =	sadd.s32 $0x2EC4, s24;
	v51 =	vadd.s32 s4, v5;
	v7 =	vld.idx.msk [tilespmem:v7+s16+$0x0], $0xffff;
	[tilespmem:s28+$0x3820] =	vst v6  }
0x376: {  	s5 =	sadd.s32 $0x2EC6, s24;
	v50 =	vadd.s32 s3, v5;
	[tilespmem:s21+$0x3840] =	vst @p0 v9;
	v6 =	vld.idx.msk [tilespmem:v48+s16+$0x0], $0xffff  }
0x377: {  	v52 =	vadd.s32 s5, v5;
	s2 =	sadd.s32 @p0 $0x30E4, s25;
	v10 =	vld.idx.msk @p0 [tilespmem:v15+s16+$0x0], $0xffff;
	[tilespmem:s22+$0x5050] =	vst @p0 v12  }
0x378: {  	s1 =	sadd.s32 @p0 $0x30E5, s25;
	v15 =	vadd.s32 @p0 s2, v5;
	v13 =	vld.idx.msk @p0 [tilespmem:v13+s16+$0x0], $0xffff;
	[tilespmem:s29+$0x3830] =	vst v14  }
0x379: {  	s6 =	sadd.s32 $0x2FD7, s24;
	v14 =	vadd.s32 @p0 s1, v5;
	v16 =	vld.idx.msk [tilespmem:v49+s16+$0x0], $0xffff;
	[tilespmem:s20+$0x3830] =	vst v8  }
0x37a: {  	s8 =	sadd.s32 $0x2FD5, s24;
	[tilespmem:s26+$0x5030] =	vst v7;
	v7 =	vadd.s32 s6, v5;
	v8 =	vld.idx.msk [tilespmem:v51+s16+$0x0], $0xffff  }
0x37b: {  	s7 =	sadd.s32 $0x2FD4, s24;
	v54 =	vadd.s32 s8, v5;
	v11 =	vld.idx.msk [tilespmem:v50+s16+$0x0], $0xffff;
	[tilespmem:s28+$0x3830] =	vst v6  }
0x37c: {  	s10 =	sadd.s32 $0x2FD6, s24;
	[tilespmem:s0+$0x3850] =	vst @p0 v10;
	v6 =	vadd.s32 s7, v5;
	v53 =	vld.idx.msk [tilespmem:v52+s16+$0x0], $0xffff  }
0x37d: {  	v55 =	vadd.s32 s10, v5;
	s2 =	sadd.s32 @p0 $0x30E6, s25;
	v12 =	vld.idx.msk @p0 [tilespmem:v15+s16+$0x0], $0xffff;
	[tilespmem:s21+$0x3850] =	vst @p0 v13  }
0x37e: {  	s1 =	sadd.s32 @p0 $0x31F4, s25;
	v15 =	vadd.s32 @p0 s2, v5;
	v14 =	vld.idx.msk @p0 [tilespmem:v14+s16+$0x0], $0xffff;
	[tilespmem:s29+$0x3840] =	vst v16  }
0x37f: {  	s11 =	sadd.s32 $0x30E7, s24;
	v16 =	vadd.s32 @p0 s1, v5;
	v7 =	vld.idx.msk [tilespmem:v7+s16+$0x0], $0xffff;
	[tilespmem:s20+$0x3840] =	vst v8  }
0x380: {  	s15 =	sadd.s32 $0x30E5, s24;
	v56 =	vadd.s32 s11, v5;
	[tilespmem:s26+$0x5040] =	vst v11;
	v8 =	vld.idx.msk [tilespmem:v54+s16+$0x0], $0xffff  }
0x381: {  	s12 =	sadd.s32 $0x30E4, s24;
	v58 =	vadd.s32 s15, v5;
	v6 =	vld.idx.msk [tilespmem:v6+s16+$0x0], $0xffff;
	[tilespmem:s28+$0x3840] =	vst v53  }
0x382: {  	s17 =	sadd.s32 $0x30E6, s24;
	v57 =	vadd.s32 s12, v5;
	[tilespmem:s22+$0x5060] =	vst @p0 v12;
	v59 =	vld.idx.msk [tilespmem:v55+s16+$0x0], $0xffff  }
0x383: {  	v60 =	vadd.s32 s17, v5;
	s2 =	sadd.s32 @p0 $0x31F5, s25;
	v13 =	vld.idx.msk @p0 [tilespmem:v15+s16+$0x0], $0xffff;
	[tilespmem:s0+$0x3860] =	vst @p0 v14  }
0x384: {  	v15 =	vadd.s32 @p0 s2, v5;
	s1 =	sadd.s32 @p0 $0x31F6, s25;
	v16 =	vld.idx.msk @p0 [tilespmem:v16+s16+$0x0], $0xffff;
	[tilespmem:s29+$0x3850] =	vst v7  }
0x385: {  	s18 =	sadd.s32 $0x31F7, s24;
	v7 =	vadd.s32 @p0 s1, v5;
	v11 =	vld.idx.msk [tilespmem:v56+s16+$0x0], $0xffff;
	[tilespmem:s20+$0x3850] =	vst v8  }
0x386: {  	s23 =	sadd.s32 $0x31F5, s24;
	[tilespmem:s26+$0x5050] =	vst v6;
	v6 =	vadd.s32 s18, v5;
	v8 =	vld.idx.msk [tilespmem:v58+s16+$0x0], $0xffff  }
0x387: {  	s19 =	sadd.s32 $0x31F4, s24;
	v62 =	vadd.s32 s23, v5;
	v10 =	vld.idx.msk [tilespmem:v57+s16+$0x0], $0xffff;
	[tilespmem:s28+$0x3850] =	vst v59  }
0x388: {  	v61 =	vadd.s32 s19, v5;
	s25 =	sadd.s32 $0x31F6, s24;
	[tilespmem:s21+$0x3860] =	vst @p0 v13;
	v63 =	vld.idx.msk [tilespmem:v60+s16+$0x0], $0xffff  }
0x389: {  	v14 =	vld.idx.msk @p0 [tilespmem:v15+s16+$0x0], $0xffff;
	[tilespmem:s22+$0x5070] =	vst @p0 v16;
	v5 =	vadd.s32 s25, v5  }
0x38a: {  	v7 =	vld.idx.msk @p0 [tilespmem:v7+s16+$0x0], $0xffff;
	[tilespmem:s29+$0x3860] =	vst v11  }
0x38b: {  	v6 =	vld.idx.msk [tilespmem:v6+s16+$0x0], $0xffff;
	[tilespmem:s20+$0x3860] =	vst v8  }
0x38c: {  	[tilespmem:s26+$0x5060] =	vst v10;
	v8 =	vld.idx.msk [tilespmem:v62+s16+$0x0], $0xffff  }
0x38d: {  	v9 =	vld.idx.msk [tilespmem:v61+s16+$0x0], $0xffff;
	[tilespmem:s28+$0x3860] =	vst v63  }
0x38e: {  	[tilespmem:s0+$0x3870] =	vst @p0 v14;
	v5 =	vld.idx.msk [tilespmem:v5+s16+$0x0], $0xffff  }
0x38f: {  	[tilespmem:s21+$0x3870] =	vst @p0 v7  }
0x390: {  	[tilespmem:s29+$0x3870] =	vst v6  }
0x391: {  	[tilespmem:s20+$0x3870] =	vst v8  }
0x392: {  	[tilespmem:s26+$0x5070] =	vst v9  }
0x393: {  	[tilespmem:s28+$0x3870] =	vst v5  }
0x394: {  	s30 =	simm.s32 $0x5;
	s29 =	simm.s32 $0x3000;
	s0 =	rddreg [dreg:$0x8]  }
0x395: {  	[hbm4b:s0+s13] =	stream.linear.scatter [tilespmem:s29], [sflag:$0x5], $0x3000, $0x38;
	[tilespmem:$0x9300] =	vst v63  }
0x396: {  	_ =	swait.ge [sflag:s30], $0x3000  }
0x397: {  	s14 =	sadd.s32 $0x1, s14;
	s31 =	rddreg [dreg:$0x9]  }
0x398: {  	p0 =	sne.s32 s14, s31  }
.Ltmp5:
0x399: {  	_ = 	snop;
	(pc) =	sbr.rel @p0 .LBB2_1-.Ltmp5, $4  }
.Ltmp6:
0x39a: {  	_ = 	snop;
	(pc) =	sbr.rel @!p0 .LBB2_12-.Ltmp6, $4  }
0x39b: {  	_ = 	snop  }
0x39c: {  	[sflag:s30] =	ssyncset.done $0x0  }
0x39d: {  	[sflag:s30] =	ssyncadd.s32 $0xFFFFD000  }
0x39e: {  	_ = 	snop  }
.LBB2_6:
.Ltmp7:
0x39f: {  	(pc) =	sbr.rel .LBB2_11-.Ltmp7, $3  }
0x3a0: {  	_ =	sdelay $0x1  }
0x3a1: {  	s28 =	smov.u32 s21;
	s29 =	smov.u32 s23;
	s26 =	smov.u32 s22  }
0x3a2: {  	s24 =	simm.s32 $0xFFFFFFFC;
	s13 =	simm.s32 $0x0;
	s14 =	rddreg [dreg:$0xa]  }
.LBB2_8:
.Ltmp8:
0x3a3: {  	(pc) =	sbr.rel .LBB2_11-.Ltmp8, $2  }
0x3a4: {  	_ =	sdelay $0x2  }
0x3a5: {  	s0 =	smov.u32 s20;
	s20 =	smov.u32 s30  }
.LBB2_12:
0x3a6: {  	_ =	sfence.sel $0x180000  }
0x3a7: {  	[bflag:$0x0] =	sbarrier.arrive $0xFFFF  }
0x3a8: {  	_ =	strace $0x90000047  }
0x3a9: {  	s0 =	stileid.u32;
	[bflag:$0x2] =	sbarrier.arrive $0xFFFF  }
0x3aa: {  	p0 =	sne.s32 s0, $0x0;
	s0 =	rddreg [dreg:$0x3]  }
0x3ab: {  	s0 =	sadd.s32 @!p0 $0x100000, s0  }
0x3ac: {  	[sflag:s0] =	ssyncadd.tile.s32 @!p0 $0x1;
	_ =	shalt  }
.Lfunc_end2:
_tile_overlayer_lowered:
.L_overlay_start_2:
0x3ad: {  	(tag) =	ssettag $0x2  }
0x3ae: {  	s0 =	rddreg [dreg:$0x0];
	s2 =	stileid.u32  }
0x3af: {  	s1 =	rddreg [dreg:$0x1];
	p0 =	sne.s32 s2, $0x0  }
0x3b0: {  	s3 =	rddreg [dreg:$0x2];
	[bflag:$0x3] =	sbarrier.arrive $0xFFFF;
	s2 =	simm.s32 @!p0 $0x1C05  }
0x3b1: {  	[timem:s3], [sflag:s2] =	dma.local @!p0 [hbm:s0], s1  }
0x3b2: {  	s0 =	simm.s32 @!p0 $0x5  }
0x3b3: {  	_ =	swait.ge @!p0 [sflag:s0], s1  }
0x3b4: {  	s1 =	ssub.s32 @!p0 $0x0, s1;
	[sflag:s0] =	ssyncset.done @!p0 $0x0  }
0x3b5: {  	[sflag:s0] =	ssyncadd.s32 @!p0 s1  }
0x3b6: {  	[bflag:$0x3] =	sbarrier.arrive $0xFFFF  }
0x3b7: {  	_ =	shalt  }

</sc_bundles>
